<compile_context>
chip_gen: v7x
topology: tpu7x:2x2x1
jax: 0.10.2.dev20260603
libtpu: 0.0.44.dev20260713+nightly
codegen_flags: <defaults>
</compile_context>

<pallas_src>
import jax
import jax.numpy as jnp
from jax import lax
from jax.experimental import pallas as pl
from jax.experimental.pallas import tpu as pltpu
from jax.experimental.pallas import tpu_sc as plsc

B = 16384
F = 32
NC = 2
NS = 16
NW = NC * NS
BPW = B // NW
GRP = 4
NROUND = BPW // GRP
L = 16


def _gmf_body(user_hbm, item_hbm, eut_hbm, eit_hbm, par_hbm, out_hbm,
              idx_u, idx_i, blk_u, blk_i, out_v, par_v,
              sem_u0, sem_u1, sem_i0, sem_i1):
    wid = lax.axis_index("s") * NC + lax.axis_index("c")
    base = wid * BPW

    pltpu.sync_copy(user_hbm.at[pl.ds(base, BPW)], idx_u.at[pl.ds(0, BPW)])
    pltpu.sync_copy(item_hbm.at[pl.ds(base, BPW)], idx_i.at[pl.ds(0, BPW)])
    pltpu.sync_copy(par_hbm, par_v)

    w_lo = par_v[pl.ds(0, L)]
    w_hi = par_v[pl.ds(L, L)]
    bv = par_v[pl.ds(2 * L, L)]
    bsc = bv[0]
    lanes = lax.iota(jnp.int32, L)
    rows_lo = lax.iota(jnp.int32, L)
    rows_hi = rows_lo + L
    sems = ((sem_u0, sem_i0), (sem_u1, sem_i1))

    def fire(g, slot):
        iv_u = idx_u[pl.ds(g * GRP, L)]
        iv_i = idx_i[pl.ds(g * GRP, L)]
        su, si = sems[slot]
        for k in range(GRP):
            ou = pl.multiple_of((iv_u[k] >> 7) * 128, 128)
            oi = pl.multiple_of((iv_i[k] >> 7) * 128, 128)
            pltpu.async_copy(eut_hbm.at[:, pl.ds(ou, 128)], blk_u.at[slot, k], su)
            pltpu.async_copy(eit_hbm.at[:, pl.ds(oi, 128)], blk_i.at[slot, k], si)

    def wait_and_compute(g, slot, acc):
        iv_u = idx_u[pl.ds(g * GRP, L)]
        iv_i = idx_i[pl.ds(g * GRP, L)]
        su, si = sems[slot]
        for k in range(GRP):
            ou = pl.multiple_of((iv_u[k] >> 7) * 128, 128)
            oi = pl.multiple_of((iv_i[k] >> 7) * 128, 128)
            pltpu.make_async_copy(eut_hbm.at[:, pl.ds(ou, 128)], blk_u.at[slot, k], su).wait()
            pltpu.make_async_copy(eit_hbm.at[:, pl.ds(oi, 128)], blk_i.at[slot, k], si).wait()
        lane0 = (g % 4) * GRP
        for k in range(GRP):
            cu = jnp.full((L,), iv_u[k] & 127, dtype=jnp.int32)
            ci = jnp.full((L,), iv_i[k] & 127, dtype=jnp.int32)
            eu_lo = plsc.load_gather(blk_u.at[slot, k], [rows_lo, cu])
            eu_hi = plsc.load_gather(blk_u.at[slot, k], [rows_hi, cu])
            ei_lo = plsc.load_gather(blk_i.at[slot, k], [rows_lo, ci])
            ei_hi = plsc.load_gather(blk_i.at[slot, k], [rows_hi, ci])
            t = eu_lo * ei_lo * w_lo + eu_hi * ei_hi * w_hi
            s = jnp.sum(t) + bsc
            acc = jnp.where(lanes == lane0 + k, s, acc)
        return acc

    def pair_body(h, acc):
        fire(2 * h + 1, 1)
        acc = wait_and_compute(2 * h, 0, acc)

        @pl.when(h < NROUND // 2 - 1)
        def _():
            fire(2 * h + 2, 0)

        acc = wait_and_compute(2 * h + 1, 1, acc)

        @pl.when(h % 2 == 1)
        def _():
            out_v[pl.ds((h // 2) * L, L)] = acc

        return acc

    fire(0, 0)
    lax.fori_loop(0, NROUND // 2, pair_body, bv)

    pltpu.sync_copy(out_v, out_hbm.at[pl.ds(base, BPW)])


@jax.jit
def kernel(user, item, embed_user, embed_item, W, b):
    mesh = plsc.VectorSubcoreMesh(core_axis_name="c", subcore_axis_name="s")
    kern = pl.kernel(
        _gmf_body,
        out_type=jax.ShapeDtypeStruct((B,), jnp.float32),
        mesh=mesh,
        compiler_params=pltpu.CompilerParams(needs_layout_passes=False),
        scratch_types=[
            pltpu.VMEM((BPW + L,), jnp.int32),
            pltpu.VMEM((BPW + L,), jnp.int32),
            pltpu.VMEM((2, GRP, F, 128), jnp.float32),
            pltpu.VMEM((2, GRP, F, 128), jnp.float32),
            pltpu.VMEM((BPW,), jnp.float32),
            pltpu.VMEM((128,), jnp.float32),
            pltpu.SemaphoreType.DMA,
            pltpu.SemaphoreType.DMA,
            pltpu.SemaphoreType.DMA,
            pltpu.SemaphoreType.DMA,
        ],
    )
    params = jnp.concatenate([
        W.reshape(F).astype(jnp.float32),
        jnp.full((L,), b[0], dtype=jnp.float32),
        jnp.zeros((128 - F - L,), dtype=jnp.float32),
    ])
    return kern(user.astype(jnp.int32), item.astype(jnp.int32),
                embed_user.T, embed_item.T, params)

# --- scband reference (transcript-rebuilt; emitter-appended) ---
"""Pipeline reference for scband-gmf-28913719837060 (READ-ONLY COPY).

The authoritative reference and input builder live on the scoring server;
editing this copy changes nothing except your own understanding.
"""

import jax, jax.numpy as jnp
import numpy as np

USER_NUM = 1000000
ITEM_NUM = 1000000
FACTOR = 32
BATCH = 16384

def setup_inputs(seed: int = 0) -> dict:
    key = jax.random.key(seed)
    k1, k2, k3, k4, k5, k6 = jax.random.split(key, 6)
    user = jax.random.randint(k1, (BATCH,), 0, USER_NUM, dtype=jnp.int64) if jax.config.jax_enable_x64 else jax.random.randint(k1, (BATCH,), 0, USER_NUM, dtype=jnp.int32)
    item = jax.random.randint(k2, (BATCH,), 0, ITEM_NUM, dtype=jnp.int32)
    embed_user = jax.random.normal(k3, (USER_NUM, FACTOR), dtype=jnp.float32) * 0.01
    embed_item = jax.random.normal(k4, (ITEM_NUM, FACTOR), dtype=jnp.float32) * 0.01
    # kaiming_uniform with a=1: bound = sqrt(6 / ((1 + a^2) * fan_in)) = sqrt(3 / fan_in)
    bound = float(np.sqrt(3.0 / FACTOR))
    W = jax.random.uniform(k5, (1, FACTOR), dtype=jnp.float32, minval=-bound, maxval=bound)
    b_bound = float(1.0 / np.sqrt(FACTOR))
    b = jax.random.uniform(k6, (1,), dtype=jnp.float32, minval=-b_bound, maxval=b_bound)
    return {"user": user, "item": item, "embed_user": embed_user, "embed_item": embed_item, "W": W, "b": b}

def reference(user, item, embed_user, embed_item, W, b):
    eu = jnp.take(embed_user, user, axis=0)          # [B, F] gather
    ei = jnp.take(embed_item, item, axis=0)          # [B, F] gather
    h1 = eu * ei                                      # elementwise GMF interaction
    prediction = h1 @ W.T + b                         # linear [B, 1]
    return prediction.reshape(-1)

if __name__ == "__main__":
    import jax
    _d = setup_inputs()
    print(jax.jit(kernel)(*tuple(_d.values())))

</pallas_src>

<mosaic_0001>
#map = affine_map<(d0, d1) -> (0)>
#map1 = affine_map<(d0, d1) -> (0, 0)>
module attributes {stable_mosaic.version = 14 : i64} {
  func.func @_gmf_body(%arg0: i32, %arg1: i32, %arg2: memref<16384xi32, #tpu.memory_space<hbm>>, %arg3: memref<16384xi32, #tpu.memory_space<hbm>>, %arg4: memref<32x1000000xf32, #tpu.memory_space<hbm>>, %arg5: memref<32x1000000xf32, #tpu.memory_space<hbm>>, %arg6: memref<128xf32, #tpu.memory_space<hbm>>, %arg7: memref<16384xf32, #tpu.memory_space<hbm>>, %arg8: memref<528xi32, #tpu.memory_space<vmem>>, %arg9: memref<528xi32, #tpu.memory_space<vmem>>, %arg10: memref<2x4x32x128xf32, #tpu.memory_space<vmem>>, %arg11: memref<2x4x32x128xf32, #tpu.memory_space<vmem>>, %arg12: memref<512xf32, #tpu.memory_space<vmem>>, %arg13: memref<128xf32, #tpu.memory_space<vmem>>, %arg14: memref<!tpu.dma_semaphore, #tpu.memory_space<semaphore_mem>>, %arg15: memref<!tpu.dma_semaphore, #tpu.memory_space<semaphore_mem>>, %arg16: memref<!tpu.dma_semaphore, #tpu.memory_space<semaphore_mem>>, %arg17: memref<!tpu.dma_semaphore, #tpu.memory_space<semaphore_mem>>) attributes {dimension_semantics = [#tpu.dimension_semantics<core_parallel>, #tpu.dimension_semantics<subcore_parallel>], iteration_bounds = array<i64: 2, 16>, scalar_prefetch = 0 : i64, scratch_operands = 10 : i64, tpu.core_type = #tpu.core_type<sc_vector_subcore>, window_params = [{transform_indices = #map}, {transform_indices = #map}, {transform_indices = #map1}, {transform_indices = #map1}, {transform_indices = #map}, {transform_indices = #map}]} {
    %mul3A = arith.constant 2 : i32
    %mul3A_0 = arith.muli %arg1, %mul3A : i32
    %add3A = arith.addi %mul3A_0, %arg0 : i32
    %mul3A_1 = arith.constant 512 : i32
    %mul3A_2 = arith.muli %add3A, %mul3A_1 : i32
    "tpu.region"() ({
      %run_scoped3A = tpu.sem_alloc : memref<!tpu.dma_semaphore, #tpu.memory_space<semaphore_mem>>
      %dma_start3A_186 = arith.constant 0 : i32
      %dma_start3A_187 = tpu.memref_slice %arg8[%dma_start3A_186] : memref<528xi32, #tpu.memory_space<vmem>> -> memref<512xi32, #tpu.memory_space<vmem>>
      %dma_start3A_188 = tpu.memref_slice %arg2[%mul3A_2] : memref<16384xi32, #tpu.memory_space<hbm>> -> memref<512xi32, #tpu.memory_space<hbm>>
      %dma_start3A_189 = arith.constant 0 : i32
      %dma_start3A_190 = tpu.memref_slice %arg8[%dma_start3A_189] : memref<528xi32, #tpu.memory_space<vmem>> -> memref<512xi32, #tpu.memory_space<vmem>>
      %dma_start3A_191 = tpu.memref_slice %arg2[%mul3A_2] : memref<16384xi32, #tpu.memory_space<hbm>> -> memref<512xi32, #tpu.memory_space<hbm>>
      tpu.enqueue_dma source(%dma_start3A_191 : memref<512xi32, #tpu.memory_space<hbm>>) target(%dma_start3A_190 : memref<512xi32, #tpu.memory_space<vmem>>) target_semaphore(%run_scoped3A : memref<!tpu.dma_semaphore, #tpu.memory_space<semaphore_mem>>)
      %dma_wait3A = arith.constant 0 : i32
      %dma_wait3A_192 = tpu.memref_slice %arg8[%dma_wait3A] : memref<528xi32, #tpu.memory_space<vmem>> -> memref<512xi32, #tpu.memory_space<vmem>>
      %dma_wait3A_193 = tpu.memref_slice %arg2[%mul3A_2] : memref<16384xi32, #tpu.memory_space<hbm>> -> memref<512xi32, #tpu.memory_space<hbm>>
      %dma_wait3A_194 = arith.constant 0 : i32
      %dma_wait3A_195 = tpu.memref_slice %arg8[%dma_wait3A_194] : memref<528xi32, #tpu.memory_space<vmem>> -> memref<512xi32, #tpu.memory_space<vmem>>
      %dma_wait3A_196 = tpu.memref_slice %arg2[%mul3A_2] : memref<16384xi32, #tpu.memory_space<hbm>> -> memref<512xi32, #tpu.memory_space<hbm>>
      tpu.wait_dma2 semaphore(%run_scoped3A : memref<!tpu.dma_semaphore, #tpu.memory_space<semaphore_mem>>) src(%dma_wait3A_196 : memref<512xi32, #tpu.memory_space<hbm>>) dst(%dma_wait3A_195 : memref<512xi32, #tpu.memory_space<vmem>>)
      tpu.yield
    }) : () -> ()
    "tpu.region"() ({
      %run_scoped3A = tpu.sem_alloc : memref<!tpu.dma_semaphore, #tpu.memory_space<semaphore_mem>>
      %dma_start3A_186 = arith.constant 0 : i32
      %dma_start3A_187 = tpu.memref_slice %arg9[%dma_start3A_186] : memref<528xi32, #tpu.memory_space<vmem>> -> memref<512xi32, #tpu.memory_space<vmem>>
      %dma_start3A_188 = tpu.memref_slice %arg3[%mul3A_2] : memref<16384xi32, #tpu.memory_space<hbm>> -> memref<512xi32, #tpu.memory_space<hbm>>
      %dma_start3A_189 = arith.constant 0 : i32
      %dma_start3A_190 = tpu.memref_slice %arg9[%dma_start3A_189] : memref<528xi32, #tpu.memory_space<vmem>> -> memref<512xi32, #tpu.memory_space<vmem>>
      %dma_start3A_191 = tpu.memref_slice %arg3[%mul3A_2] : memref<16384xi32, #tpu.memory_space<hbm>> -> memref<512xi32, #tpu.memory_space<hbm>>
      tpu.enqueue_dma source(%dma_start3A_191 : memref<512xi32, #tpu.memory_space<hbm>>) target(%dma_start3A_190 : memref<512xi32, #tpu.memory_space<vmem>>) target_semaphore(%run_scoped3A : memref<!tpu.dma_semaphore, #tpu.memory_space<semaphore_mem>>)
      %dma_wait3A = arith.constant 0 : i32
      %dma_wait3A_192 = tpu.memref_slice %arg9[%dma_wait3A] : memref<528xi32, #tpu.memory_space<vmem>> -> memref<512xi32, #tpu.memory_space<vmem>>
      %dma_wait3A_193 = tpu.memref_slice %arg3[%mul3A_2] : memref<16384xi32, #tpu.memory_space<hbm>> -> memref<512xi32, #tpu.memory_space<hbm>>
      %dma_wait3A_194 = arith.constant 0 : i32
      %dma_wait3A_195 = tpu.memref_slice %arg9[%dma_wait3A_194] : memref<528xi32, #tpu.memory_space<vmem>> -> memref<512xi32, #tpu.memory_space<vmem>>
      %dma_wait3A_196 = tpu.memref_slice %arg3[%mul3A_2] : memref<16384xi32, #tpu.memory_space<hbm>> -> memref<512xi32, #tpu.memory_space<hbm>>
      tpu.wait_dma2 semaphore(%run_scoped3A : memref<!tpu.dma_semaphore, #tpu.memory_space<semaphore_mem>>) src(%dma_wait3A_196 : memref<512xi32, #tpu.memory_space<hbm>>) dst(%dma_wait3A_195 : memref<512xi32, #tpu.memory_space<vmem>>)
      tpu.yield
    }) : () -> ()
    "tpu.region"() ({
      %run_scoped3A = tpu.sem_alloc : memref<!tpu.dma_semaphore, #tpu.memory_space<semaphore_mem>>
      tpu.enqueue_dma source(%arg6 : memref<128xf32, #tpu.memory_space<hbm>>) target(%arg13 : memref<128xf32, #tpu.memory_space<vmem>>) target_semaphore(%run_scoped3A : memref<!tpu.dma_semaphore, #tpu.memory_space<semaphore_mem>>)
      tpu.wait_dma2 semaphore(%run_scoped3A : memref<!tpu.dma_semaphore, #tpu.memory_space<semaphore_mem>>) src(%arg6 : memref<128xf32, #tpu.memory_space<hbm>>) dst(%arg13 : memref<128xf32, #tpu.memory_space<vmem>>)
      tpu.yield
    }) : () -> ()
    %get3A = arith.constant 0 : index
    %get3A_3 = tpu.vector_load %arg13[%get3A] {strides = array<i32>} : memref<128xf32, #tpu.memory_space<vmem>>, vector<16xf32>,
    %get3A_4 = arith.constant 16 : index
    %get3A_5 = tpu.vector_load %arg13[%get3A_4] {strides = array<i32>} : memref<128xf32, #tpu.memory_space<vmem>>, vector<16xf32>,
    %get3A_6 = arith.constant 32 : index
    %get3A_7 = tpu.vector_load %arg13[%get3A_6] {strides = array<i32>} : memref<128xf32, #tpu.memory_space<vmem>>, vector<16xf32>,
    %slice3A = vector.extract_strided_slice %get3A_7 {offsets = [0], sizes = [1], strides = [1]} : vector<16xf32> to vector<1xf32>
    %squeeze3A = vector.extract %slice3A[0] : f32 from vector<1xf32>
    %iota3A = tpu.iota {dimensions = array<i32: 0>} : vector<16xi32>
    %iota3A_8 = tpu.iota {dimensions = array<i32: 0>} : vector<16xi32>
    %add3A_9 = arith.constant 16 : i32
    %add3A_10 = vector.broadcast %add3A_9 : i32 to vector<16xi32>
    %add3A_11 = arith.addi %iota3A_8, %add3A_10 : vector<16xi32>
    %get3A_12 = arith.constant 0 : index
    %get3A_13 = tpu.vector_load %arg8[%get3A_12] {strides = array<i32>} : memref<528xi32, #tpu.memory_space<vmem>>, vector<16xi32>,
    %get3A_14 = arith.constant 0 : index
    %get3A_15 = tpu.vector_load %arg9[%get3A_14] {strides = array<i32>} : memref<528xi32, #tpu.memory_space<vmem>>, vector<16xi32>,
    %slice3A_16 = vector.extract_strided_slice %get3A_13 {offsets = [0], sizes = [1], strides = [1]} : vector<16xi32> to vector<1xi32>
    %squeeze3A_17 = vector.extract %slice3A_16[0] : i32 from vector<1xi32>
    %shift_right_arithmetic3A = arith.constant 7 : i32
    %shift_right_arithmetic3A_18 = arith.shrsi %squeeze3A_17, %shift_right_arithmetic3A : i32
    %mul3A_19 = arith.constant 128 : i32
    %mul3A_20 = arith.muli %shift_right_arithmetic3A_18, %mul3A_19 : i32
    %multiple_of3A = tpu.assume_multiple %mul3A_20, 128 : i32
    %slice3A_21 = vector.extract_strided_slice %get3A_15 {offsets = [0], sizes = [1], strides = [1]} : vector<16xi32> to vector<1xi32>
    %squeeze3A_22 = vector.extract %slice3A_21[0] : i32 from vector<1xi32>
    %shift_right_arithmetic3A_23 = arith.constant 7 : i32
    %shift_right_arithmetic3A_24 = arith.shrsi %squeeze3A_22, %shift_right_arithmetic3A_23 : i32
    %mul3A_25 = arith.constant 128 : i32
    %mul3A_26 = arith.muli %shift_right_arithmetic3A_24, %mul3A_25 : i32
    %multiple_of3A_27 = tpu.assume_multiple %mul3A_26, 128 : i32
    %dma_start3A = arith.constant 0 : i32
    %dma_start3A_28 = arith.constant 0 : i32
    %dma_start3A_29 = arith.constant 0 : i32
    %dma_start3A_30 = arith.constant 0 : i32
    %dma_start3A_31 = tpu.memref_slice %arg10[%dma_start3A, %dma_start3A_28, %dma_start3A_29, %dma_start3A_30] : memref<2x4x32x128xf32, #tpu.memory_space<vmem>> -> memref<1x1x32x128xf32, #tpu.memory_space<vmem>>
    %dma_start3A_32 = tpu.memref_squeeze %dma_start3A_31 : memref<1x1x32x128xf32, #tpu.memory_space<vmem>> -> memref<32x128xf32, #tpu.memory_space<vmem>>
    %dma_start3A_33 = arith.constant 0 : i32
    %dma_start3A_34 = tpu.memref_slice %arg4[%dma_start3A_33, %multiple_of3A] : memref<32x1000000xf32, #tpu.memory_space<hbm>> -> memref<32x128xf32, #tpu.memory_space<hbm>>
    %dma_start3A_35 = arith.constant 0 : i32
    %dma_start3A_36 = arith.constant 0 : i32
    %dma_start3A_37 = tpu.memref_slice %arg10[%dma_start3A, %dma_start3A_28, %dma_start3A_35, %dma_start3A_36] : memref<2x4x32x128xf32, #tpu.memory_space<vmem>> -> memref<1x1x32x128xf32, #tpu.memory_space<vmem>>
    %dma_start3A_38 = tpu.memref_squeeze %dma_start3A_37 : memref<1x1x32x128xf32, #tpu.memory_space<vmem>> -> memref<32x128xf32, #tpu.memory_space<vmem>>
    %dma_start3A_39 = arith.constant 0 : i32
    %dma_start3A_40 = tpu.memref_slice %arg4[%dma_start3A_39, %multiple_of3A] : memref<32x1000000xf32, #tpu.memory_space<hbm>> -> memref<32x128xf32, #tpu.memory_space<hbm>>
    tpu.enqueue_dma source(%dma_start3A_40 : memref<32x128xf32, #tpu.memory_space<hbm>>) target(%dma_start3A_38 : memref<32x128xf32, #tpu.memory_space<vmem>>) target_semaphore(%arg14 : memref<!tpu.dma_semaphore, #tpu.memory_space<semaphore_mem>>)
    %dma_start3A_41 = arith.constant 0 : i32
    %dma_start3A_42 = arith.constant 0 : i32
    %dma_start3A_43 = arith.constant 0 : i32
    %dma_start3A_44 = arith.constant 0 : i32
    %dma_start3A_45 = tpu.memref_slice %arg11[%dma_start3A_41, %dma_start3A_42, %dma_start3A_43, %dma_start3A_44] : memref<2x4x32x128xf32, #tpu.memory_space<vmem>> -> memref<1x1x32x128xf32, #tpu.memory_space<vmem>>
    %dma_start3A_46 = tpu.memref_squeeze %dma_start3A_45 : memref<1x1x32x128xf32, #tpu.memory_space<vmem>> -> memref<32x128xf32, #tpu.memory_space<vmem>>
    %dma_start3A_47 = arith.constant 0 : i32
    %dma_start3A_48 = tpu.memref_slice %arg5[%dma_start3A_47, %multiple_of3A_27] : memref<32x1000000xf32, #tpu.memory_space<hbm>> -> memref<32x128xf32, #tpu.memory_space<hbm>>
    %dma_start3A_49 = arith.constant 0 : i32
    %dma_start3A_50 = arith.constant 0 : i32
    %dma_start3A_51 = tpu.memref_slice %arg11[%dma_start3A_41, %dma_start3A_42, %dma_start3A_49, %dma_start3A_50] : memref<2x4x32x128xf32, #tpu.memory_space<vmem>> -> memref<1x1x32x128xf32, #tpu.memory_space<vmem>>
    %dma_start3A_52 = tpu.memref_squeeze %dma_start3A_51 : memref<1x1x32x128xf32, #tpu.memory_space<vmem>> -> memref<32x128xf32, #tpu.memory_space<vmem>>
    %dma_start3A_53 = arith.constant 0 : i32
    %dma_start3A_54 = tpu.memref_slice %arg5[%dma_start3A_53, %multiple_of3A_27] : memref<32x1000000xf32, #tpu.memory_space<hbm>> -> memref<32x128xf32, #tpu.memory_space<hbm>>
    tpu.enqueue_dma source(%dma_start3A_54 : memref<32x128xf32, #tpu.memory_space<hbm>>) target(%dma_start3A_52 : memref<32x128xf32, #tpu.memory_space<vmem>>) target_semaphore(%arg16 : memref<!tpu.dma_semaphore, #tpu.memory_space<semaphore_mem>>)
    %slice3A_55 = vector.extract_strided_slice %get3A_13 {offsets = [1], sizes = [1], strides = [1]} : vector<16xi32> to vector<1xi32>
    %squeeze3A_56 = vector.extract %slice3A_55[0] : i32 from vector<1xi32>
    %shift_right_arithmetic3A_57 = arith.constant 7 : i32
    %shift_right_arithmetic3A_58 = arith.shrsi %squeeze3A_56, %shift_right_arithmetic3A_57 : i32
    %mul3A_59 = arith.constant 128 : i32
    %mul3A_60 = arith.muli %shift_right_arithmetic3A_58, %mul3A_59 : i32
    %multiple_of3A_61 = tpu.assume_multiple %mul3A_60, 128 : i32
    %slice3A_62 = vector.extract_strided_slice %get3A_15 {offsets = [1], sizes = [1], strides = [1]} : vector<16xi32> to vector<1xi32>
    %squeeze3A_63 = vector.extract %slice3A_62[0] : i32 from vector<1xi32>
    %shift_right_arithmetic3A_64 = arith.constant 7 : i32
    %shift_right_arithmetic3A_65 = arith.shrsi %squeeze3A_63, %shift_right_arithmetic3A_64 : i32
    %mul3A_66 = arith.constant 128 : i32
    %mul3A_67 = arith.muli %shift_right_arithmetic3A_65, %mul3A_66 : i32
    %multiple_of3A_68 = tpu.assume_multiple %mul3A_67, 128 : i32
    %dma_start3A_69 = arith.constant 0 : i32
    %dma_start3A_70 = arith.constant 1 : i32
    %dma_start3A_71 = arith.constant 0 : i32
    %dma_start3A_72 = arith.constant 0 : i32
    %dma_start3A_73 = tpu.memref_slice %arg10[%dma_start3A_69, %dma_start3A_70, %dma_start3A_71, %dma_start3A_72] : memref<2x4x32x128xf32, #tpu.memory_space<vmem>> -> memref<1x1x32x128xf32, #tpu.memory_space<vmem>>
    %dma_start3A_74 = tpu.memref_squeeze %dma_start3A_73 : memref<1x1x32x128xf32, #tpu.memory_space<vmem>> -> memref<32x128xf32, #tpu.memory_space<vmem>>
    %dma_start3A_75 = arith.constant 0 : i32
    %dma_start3A_76 = tpu.memref_slice %arg4[%dma_start3A_75, %multiple_of3A_61] : memref<32x1000000xf32, #tpu.memory_space<hbm>> -> memref<32x128xf32, #tpu.memory_space<hbm>>
    %dma_start3A_77 = arith.constant 0 : i32
    %dma_start3A_78 = arith.constant 0 : i32
    %dma_start3A_79 = tpu.memref_slice %arg10[%dma_start3A_69, %dma_start3A_70, %dma_start3A_77, %dma_start3A_78] : memref<2x4x32x128xf32, #tpu.memory_space<vmem>> -> memref<1x1x32x128xf32, #tpu.memory_space<vmem>>
    %dma_start3A_80 = tpu.memref_squeeze %dma_start3A_79 : memref<1x1x32x128xf32, #tpu.memory_space<vmem>> -> memref<32x128xf32, #tpu.memory_space<vmem>>
    %dma_start3A_81 = arith.constant 0 : i32
    %dma_start3A_82 = tpu.memref_slice %arg4[%dma_start3A_81, %multiple_of3A_61] : memref<32x1000000xf32, #tpu.memory_space<hbm>> -> memref<32x128xf32, #tpu.memory_space<hbm>>
    tpu.enqueue_dma source(%dma_start3A_82 : memref<32x128xf32, #tpu.memory_space<hbm>>) target(%dma_start3A_80 : memref<32x128xf32, #tpu.memory_space<vmem>>) target_semaphore(%arg14 : memref<!tpu.dma_semaphore, #tpu.memory_space<semaphore_mem>>)
    %dma_start3A_83 = arith.constant 0 : i32
    %dma_start3A_84 = arith.constant 1 : i32
    %dma_start3A_85 = arith.constant 0 : i32
    %dma_start3A_86 = arith.constant 0 : i32
    %dma_start3A_87 = tpu.memref_slice %arg11[%dma_start3A_83, %dma_start3A_84, %dma_start3A_85, %dma_start3A_86] : memref<2x4x32x128xf32, #tpu.memory_space<vmem>> -> memref<1x1x32x128xf32, #tpu.memory_space<vmem>>
    %dma_start3A_88 = tpu.memref_squeeze %dma_start3A_87 : memref<1x1x32x128xf32, #tpu.memory_space<vmem>> -> memref<32x128xf32, #tpu.memory_space<vmem>>
    %dma_start3A_89 = arith.constant 0 : i32
    %dma_start3A_90 = tpu.memref_slice %arg5[%dma_start3A_89, %multiple_of3A_68] : memref<32x1000000xf32, #tpu.memory_space<hbm>> -> memref<32x128xf32, #tpu.memory_space<hbm>>
    %dma_start3A_91 = arith.constant 0 : i32
    %dma_start3A_92 = arith.constant 0 : i32
    %dma_start3A_93 = tpu.memref_slice %arg11[%dma_start3A_83, %dma_start3A_84, %dma_start3A_91, %dma_start3A_92] : memref<2x4x32x128xf32, #tpu.memory_space<vmem>> -> memref<1x1x32x128xf32, #tpu.memory_space<vmem>>
    %dma_start3A_94 = tpu.memref_squeeze %dma_start3A_93 : memref<1x1x32x128xf32, #tpu.memory_space<vmem>> -> memref<32x128xf32, #tpu.memory_space<vmem>>
    %dma_start3A_95 = arith.constant 0 : i32
    %dma_start3A_96 = tpu.memref_slice %arg5[%dma_start3A_95, %multiple_of3A_68] : memref<32x1000000xf32, #tpu.memory_space<hbm>> -> memref<32x128xf32, #tpu.memory_space<hbm>>
    tpu.enqueue_dma source(%dma_start3A_96 : memref<32x128xf32, #tpu.memory_space<hbm>>) target(%dma_start3A_94 : memref<32x128xf32, #tpu.memory_space<vmem>>) target_semaphore(%arg16 : memref<!tpu.dma_semaphore, #tpu.memory_space<semaphore_mem>>)
    %slice3A_97 = vector.extract_strided_slice %get3A_13 {offsets = [2], sizes = [1], strides = [1]} : vector<16xi32> to vector<1xi32>
    %squeeze3A_98 = vector.extract %slice3A_97[0] : i32 from vector<1xi32>
    %shift_right_arithmetic3A_99 = arith.constant 7 : i32
    %shift_right_arithmetic3A_100 = arith.shrsi %squeeze3A_98, %shift_right_arithmetic3A_99 : i32
    %mul3A_101 = arith.constant 128 : i32
    %mul3A_102 = arith.muli %shift_right_arithmetic3A_100, %mul3A_101 : i32
    %multiple_of3A_103 = tpu.assume_multiple %mul3A_102, 128 : i32
    %slice3A_104 = vector.extract_strided_slice %get3A_15 {offsets = [2], sizes = [1], strides = [1]} : vector<16xi32> to vector<1xi32>
    %squeeze3A_105 = vector.extract %slice3A_104[0] : i32 from vector<1xi32>
    %shift_right_arithmetic3A_106 = arith.constant 7 : i32
    %shift_right_arithmetic3A_107 = arith.shrsi %squeeze3A_105, %shift_right_arithmetic3A_106 : i32
    %mul3A_108 = arith.constant 128 : i32
    %mul3A_109 = arith.muli %shift_right_arithmetic3A_107, %mul3A_108 : i32
    %multiple_of3A_110 = tpu.assume_multiple %mul3A_109, 128 : i32
    %dma_start3A_111 = arith.constant 0 : i32
    %dma_start3A_112 = arith.constant 2 : i32
    %dma_start3A_113 = arith.constant 0 : i32
    %dma_start3A_114 = arith.constant 0 : i32
    %dma_start3A_115 = tpu.memref_slice %arg10[%dma_start3A_111, %dma_start3A_112, %dma_start3A_113, %dma_start3A_114] : memref<2x4x32x128xf32, #tpu.memory_space<vmem>> -> memref<1x1x32x128xf32, #tpu.memory_space<vmem>>
    %dma_start3A_116 = tpu.memref_squeeze %dma_start3A_115 : memref<1x1x32x128xf32, #tpu.memory_space<vmem>> -> memref<32x128xf32, #tpu.memory_space<vmem>>
    %dma_start3A_117 = arith.constant 0 : i32
    %dma_start3A_118 = tpu.memref_slice %arg4[%dma_start3A_117, %multiple_of3A_103] : memref<32x1000000xf32, #tpu.memory_space<hbm>> -> memref<32x128xf32, #tpu.memory_space<hbm>>
    %dma_start3A_119 = arith.constant 0 : i32
    %dma_start3A_120 = arith.constant 0 : i32
    %dma_start3A_121 = tpu.memref_slice %arg10[%dma_start3A_111, %dma_start3A_112, %dma_start3A_119, %dma_start3A_120] : memref<2x4x32x128xf32, #tpu.memory_space<vmem>> -> memref<1x1x32x128xf32, #tpu.memory_space<vmem>>
    %dma_start3A_122 = tpu.memref_squeeze %dma_start3A_121 : memref<1x1x32x128xf32, #tpu.memory_space<vmem>> -> memref<32x128xf32, #tpu.memory_space<vmem>>
    %dma_start3A_123 = arith.constant 0 : i32
    %dma_start3A_124 = tpu.memref_slice %arg4[%dma_start3A_123, %multiple_of3A_103] : memref<32x1000000xf32, #tpu.memory_space<hbm>> -> memref<32x128xf32, #tpu.memory_space<hbm>>
    tpu.enqueue_dma source(%dma_start3A_124 : memref<32x128xf32, #tpu.memory_space<hbm>>) target(%dma_start3A_122 : memref<32x128xf32, #tpu.memory_space<vmem>>) target_semaphore(%arg14 : memref<!tpu.dma_semaphore, #tpu.memory_space<semaphore_mem>>)
    %dma_start3A_125 = arith.constant 0 : i32
    %dma_start3A_126 = arith.constant 2 : i32
    %dma_start3A_127 = arith.constant 0 : i32
    %dma_start3A_128 = arith.constant 0 : i32
    %dma_start3A_129 = tpu.memref_slice %arg11[%dma_start3A_125, %dma_start3A_126, %dma_start3A_127, %dma_start3A_128] : memref<2x4x32x128xf32, #tpu.memory_space<vmem>> -> memref<1x1x32x128xf32, #tpu.memory_space<vmem>>
    %dma_start3A_130 = tpu.memref_squeeze %dma_start3A_129 : memref<1x1x32x128xf32, #tpu.memory_space<vmem>> -> memref<32x128xf32, #tpu.memory_space<vmem>>
    %dma_start3A_131 = arith.constant 0 : i32
    %dma_start3A_132 = tpu.memref_slice %arg5[%dma_start3A_131, %multiple_of3A_110] : memref<32x1000000xf32, #tpu.memory_space<hbm>> -> memref<32x128xf32, #tpu.memory_space<hbm>>
    %dma_start3A_133 = arith.constant 0 : i32
    %dma_start3A_134 = arith.constant 0 : i32
    %dma_start3A_135 = tpu.memref_slice %arg11[%dma_start3A_125, %dma_start3A_126, %dma_start3A_133, %dma_start3A_134] : memref<2x4x32x128xf32, #tpu.memory_space<vmem>> -> memref<1x1x32x128xf32, #tpu.memory_space<vmem>>
    %dma_start3A_136 = tpu.memref_squeeze %dma_start3A_135 : memref<1x1x32x128xf32, #tpu.memory_space<vmem>> -> memref<32x128xf32, #tpu.memory_space<vmem>>
    %dma_start3A_137 = arith.constant 0 : i32
    %dma_start3A_138 = tpu.memref_slice %arg5[%dma_start3A_137, %multiple_of3A_110] : memref<32x1000000xf32, #tpu.memory_space<hbm>> -> memref<32x128xf32, #tpu.memory_space<hbm>>
    tpu.enqueue_dma source(%dma_start3A_138 : memref<32x128xf32, #tpu.memory_space<hbm>>) target(%dma_start3A_136 : memref<32x128xf32, #tpu.memory_space<vmem>>) target_semaphore(%arg16 : memref<!tpu.dma_semaphore, #tpu.memory_space<semaphore_mem>>)
    %slice3A_139 = vector.extract_strided_slice %get3A_13 {offsets = [3], sizes = [1], strides = [1]} : vector<16xi32> to vector<1xi32>
    %squeeze3A_140 = vector.extract %slice3A_139[0] : i32 from vector<1xi32>
    %shift_right_arithmetic3A_141 = arith.constant 7 : i32
    %shift_right_arithmetic3A_142 = arith.shrsi %squeeze3A_140, %shift_right_arithmetic3A_141 : i32
    %mul3A_143 = arith.constant 128 : i32
    %mul3A_144 = arith.muli %shift_right_arithmetic3A_142, %mul3A_143 : i32
    %multiple_of3A_145 = tpu.assume_multiple %mul3A_144, 128 : i32
    %slice3A_146 = vector.extract_strided_slice %get3A_15 {offsets = [3], sizes = [1], strides = [1]} : vector<16xi32> to vector<1xi32>
    %squeeze3A_147 = vector.extract %slice3A_146[0] : i32 from vector<1xi32>
    %shift_right_arithmetic3A_148 = arith.constant 7 : i32
    %shift_right_arithmetic3A_149 = arith.shrsi %squeeze3A_147, %shift_right_arithmetic3A_148 : i32
    %mul3A_150 = arith.constant 128 : i32
    %mul3A_151 = arith.muli %shift_right_arithmetic3A_149, %mul3A_150 : i32
    %multiple_of3A_152 = tpu.assume_multiple %mul3A_151, 128 : i32
    %dma_start3A_153 = arith.constant 0 : i32
    %dma_start3A_154 = arith.constant 3 : i32
    %dma_start3A_155 = arith.constant 0 : i32
    %dma_start3A_156 = arith.constant 0 : i32
    %dma_start3A_157 = tpu.memref_slice %arg10[%dma_start3A_153, %dma_start3A_154, %dma_start3A_155, %dma_start3A_156] : memref<2x4x32x128xf32, #tpu.memory_space<vmem>> -> memref<1x1x32x128xf32, #tpu.memory_space<vmem>>
    %dma_start3A_158 = tpu.memref_squeeze %dma_start3A_157 : memref<1x1x32x128xf32, #tpu.memory_space<vmem>> -> memref<32x128xf32, #tpu.memory_space<vmem>>
    %dma_start3A_159 = arith.constant 0 : i32
    %dma_start3A_160 = tpu.memref_slice %arg4[%dma_start3A_159, %multiple_of3A_145] : memref<32x1000000xf32, #tpu.memory_space<hbm>> -> memref<32x128xf32, #tpu.memory_space<hbm>>
    %dma_start3A_161 = arith.constant 0 : i32
    %dma_start3A_162 = arith.constant 0 : i32
    %dma_start3A_163 = tpu.memref_slice %arg10[%dma_start3A_153, %dma_start3A_154, %dma_start3A_161, %dma_start3A_162] : memref<2x4x32x128xf32, #tpu.memory_space<vmem>> -> memref<1x1x32x128xf32, #tpu.memory_space<vmem>>
    %dma_start3A_164 = tpu.memref_squeeze %dma_start3A_163 : memref<1x1x32x128xf32, #tpu.memory_space<vmem>> -> memref<32x128xf32, #tpu.memory_space<vmem>>
    %dma_start3A_165 = arith.constant 0 : i32
    %dma_start3A_166 = tpu.memref_slice %arg4[%dma_start3A_165, %multiple_of3A_145] : memref<32x1000000xf32, #tpu.memory_space<hbm>> -> memref<32x128xf32, #tpu.memory_space<hbm>>
    tpu.enqueue_dma source(%dma_start3A_166 : memref<32x128xf32, #tpu.memory_space<hbm>>) target(%dma_start3A_164 : memref<32x128xf32, #tpu.memory_space<vmem>>) target_semaphore(%arg14 : memref<!tpu.dma_semaphore, #tpu.memory_space<semaphore_mem>>)
    %dma_start3A_167 = arith.constant 0 : i32
    %dma_start3A_168 = arith.constant 3 : i32
    %dma_start3A_169 = arith.constant 0 : i32
    %dma_start3A_170 = arith.constant 0 : i32
    %dma_start3A_171 = tpu.memref_slice %arg11[%dma_start3A_167, %dma_start3A_168, %dma_start3A_169, %dma_start3A_170] : memref<2x4x32x128xf32, #tpu.memory_space<vmem>> -> memref<1x1x32x128xf32, #tpu.memory_space<vmem>>
    %dma_start3A_172 = tpu.memref_squeeze %dma_start3A_171 : memref<1x1x32x128xf32, #tpu.memory_space<vmem>> -> memref<32x128xf32, #tpu.memory_space<vmem>>
    %dma_start3A_173 = arith.constant 0 : i32
    %dma_start3A_174 = tpu.memref_slice %arg5[%dma_start3A_173, %multiple_of3A_152] : memref<32x1000000xf32, #tpu.memory_space<hbm>> -> memref<32x128xf32, #tpu.memory_space<hbm>>
    %dma_start3A_175 = arith.constant 0 : i32
    %dma_start3A_176 = arith.constant 0 : i32
    %dma_start3A_177 = tpu.memref_slice %arg11[%dma_start3A_167, %dma_start3A_168, %dma_start3A_175, %dma_start3A_176] : memref<2x4x32x128xf32, #tpu.memory_space<vmem>> -> memref<1x1x32x128xf32, #tpu.memory_space<vmem>>
    %dma_start3A_178 = tpu.memref_squeeze %dma_start3A_177 : memref<1x1x32x128xf32, #tpu.memory_space<vmem>> -> memref<32x128xf32, #tpu.memory_space<vmem>>
    %dma_start3A_179 = arith.constant 0 : i32
    %dma_start3A_180 = tpu.memref_slice %arg5[%dma_start3A_179, %multiple_of3A_152] : memref<32x1000000xf32, #tpu.memory_space<hbm>> -> memref<32x128xf32, #tpu.memory_space<hbm>>
    tpu.enqueue_dma source(%dma_start3A_180 : memref<32x128xf32, #tpu.memory_space<hbm>>) target(%dma_start3A_178 : memref<32x128xf32, #tpu.memory_space<vmem>>) target_semaphore(%arg16 : memref<!tpu.dma_semaphore, #tpu.memory_space<semaphore_mem>>)
    %scan3A = arith.constant 0 : i32
    %scan3A_181 = arith.constant 64 : i32
    %scan3A_182 = arith.addi %scan3A, %scan3A_181 : i32
    %scan3A_183 = arith.constant 1 : i32
    %scan3A_184 = scf.for %scan3A_186 = %scan3A to %scan3A_182 step %scan3A_183 iter_args(%scan3A_187 = %get3A_7) -> (vector<16xf32>)  : i32 {
      %mul3A_188 = arith.constant 2 : i32
      %mul3A_189 = arith.muli %mul3A_188, %scan3A_186 : i32
      %add3A_190 = arith.constant 1 : i32
      %add3A_191 = arith.addi %mul3A_189, %add3A_190 : i32
      %mul3A_192 = arith.constant 4 : i32
      %mul3A_193 = arith.muli %add3A_191, %mul3A_192 : i32
      %get3A_194 = arith.index_cast %mul3A_193 : i32 to index
      %get3A_195 = tpu.vector_load %arg8[%get3A_194] {strides = array<i32>} : memref<528xi32, #tpu.memory_space<vmem>>, vector<16xi32>,
      %mul3A_196 = arith.constant 4 : i32
      %mul3A_197 = arith.muli %add3A_191, %mul3A_196 : i32
      %get3A_198 = arith.index_cast %mul3A_197 : i32 to index
      %get3A_199 = tpu.vector_load %arg9[%get3A_198] {strides = array<i32>} : memref<528xi32, #tpu.memory_space<vmem>>, vector<16xi32>,
      %slice3A_200 = vector.extract_strided_slice %get3A_195 {offsets = [0], sizes = [1], strides = [1]} : vector<16xi32> to vector<1xi32>
      %squeeze3A_201 = vector.extract %slice3A_200[0] : i32 from vector<1xi32>
      %shift_right_arithmetic3A_202 = arith.constant 7 : i32
      %shift_right_arithmetic3A_203 = arith.shrsi %squeeze3A_201, %shift_right_arithmetic3A_202 : i32
      %mul3A_204 = arith.constant 128 : i32
      %mul3A_205 = arith.muli %shift_right_arithmetic3A_203, %mul3A_204 : i32
      %multiple_of3A_206 = tpu.assume_multiple %mul3A_205, 128 : i32
      %slice3A_207 = vector.extract_strided_slice %get3A_199 {offsets = [0], sizes = [1], strides = [1]} : vector<16xi32> to vector<1xi32>
      %squeeze3A_208 = vector.extract %slice3A_207[0] : i32 from vector<1xi32>
      %shift_right_arithmetic3A_209 = arith.constant 7 : i32
      %shift_right_arithmetic3A_210 = arith.shrsi %squeeze3A_208, %shift_right_arithmetic3A_209 : i32
      %mul3A_211 = arith.constant 128 : i32
      %mul3A_212 = arith.muli %shift_right_arithmetic3A_210, %mul3A_211 : i32
      %multiple_of3A_213 = tpu.assume_multiple %mul3A_212, 128 : i32
      %dma_start3A_214 = arith.constant 1 : i32
      %dma_start3A_215 = arith.constant 0 : i32
      %dma_start3A_216 = arith.constant 0 : i32
      %dma_start3A_217 = arith.constant 0 : i32
      %dma_start3A_218 = tpu.memref_slice %arg10[%dma_start3A_214, %dma_start3A_215, %dma_start3A_216, %dma_start3A_217] : memref<2x4x32x128xf32, #tpu.memory_space<vmem>> -> memref<1x1x32x128xf32, #tpu.memory_space<vmem>>
      %dma_start3A_219 = tpu.memref_squeeze %dma_start3A_218 : memref<1x1x32x128xf32, #tpu.memory_space<vmem>> -> memref<32x128xf32, #tpu.memory_space<vmem>>
      %dma_start3A_220 = arith.constant 0 : i32
      %dma_start3A_221 = tpu.memref_slice %arg4[%dma_start3A_220, %multiple_of3A_206] : memref<32x1000000xf32, #tpu.memory_space<hbm>> -> memref<32x128xf32, #tpu.memory_space<hbm>>
      %dma_start3A_222 = arith.constant 0 : i32
      %dma_start3A_223 = arith.constant 0 : i32
      %dma_start3A_224 = tpu.memref_slice %arg10[%dma_start3A_214, %dma_start3A_215, %dma_start3A_222, %dma_start3A_223] : memref<2x4x32x128xf32, #tpu.memory_space<vmem>> -> memref<1x1x32x128xf32, #tpu.memory_space<vmem>>
      %dma_start3A_225 = tpu.memref_squeeze %dma_start3A_224 : memref<1x1x32x128xf32, #tpu.memory_space<vmem>> -> memref<32x128xf32, #tpu.memory_space<vmem>>
      %dma_start3A_226 = arith.constant 0 : i32
      %dma_start3A_227 = tpu.memref_slice %arg4[%dma_start3A_226, %multiple_of3A_206] : memref<32x1000000xf32, #tpu.memory_space<hbm>> -> memref<32x128xf32, #tpu.memory_space<hbm>>
      tpu.enqueue_dma source(%dma_start3A_227 : memref<32x128xf32, #tpu.memory_space<hbm>>) target(%dma_start3A_225 : memref<32x128xf32, #tpu.memory_space<vmem>>) target_semaphore(%arg15 : memref<!tpu.dma_semaphore, #tpu.memory_space<semaphore_mem>>)
      %dma_start3A_228 = arith.constant 1 : i32
      %dma_start3A_229 = arith.constant 0 : i32
      %dma_start3A_230 = arith.constant 0 : i32
      %dma_start3A_231 = arith.constant 0 : i32
      %dma_start3A_232 = tpu.memref_slice %arg11[%dma_start3A_228, %dma_start3A_229, %dma_start3A_230, %dma_start3A_231] : memref<2x4x32x128xf32, #tpu.memory_space<vmem>> -> memref<1x1x32x128xf32, #tpu.memory_space<vmem>>
      %dma_start3A_233 = tpu.memref_squeeze %dma_start3A_232 : memref<1x1x32x128xf32, #tpu.memory_space<vmem>> -> memref<32x128xf32, #tpu.memory_space<vmem>>
      %dma_start3A_234 = arith.constant 0 : i32
      %dma_start3A_235 = tpu.memref_slice %arg5[%dma_start3A_234, %multiple_of3A_213] : memref<32x1000000xf32, #tpu.memory_space<hbm>> -> memref<32x128xf32, #tpu.memory_space<hbm>>
      %dma_start3A_236 = arith.constant 0 : i32
      %dma_start3A_237 = arith.constant 0 : i32
      %dma_start3A_238 = tpu.memref_slice %arg11[%dma_start3A_228, %dma_start3A_229, %dma_start3A_236, %dma_start3A_237] : memref<2x4x32x128xf32, #tpu.memory_space<vmem>> -> memref<1x1x32x128xf32, #tpu.memory_space<vmem>>
      %dma_start3A_239 = tpu.memref_squeeze %dma_start3A_238 : memref<1x1x32x128xf32, #tpu.memory_space<vmem>> -> memref<32x128xf32, #tpu.memory_space<vmem>>
      %dma_start3A_240 = arith.constant 0 : i32
      %dma_start3A_241 = tpu.memref_slice %arg5[%dma_start3A_240, %multiple_of3A_213] : memref<32x1000000xf32, #tpu.memory_space<hbm>> -> memref<32x128xf32, #tpu.memory_space<hbm>>
      tpu.enqueue_dma source(%dma_start3A_241 : memref<32x128xf32, #tpu.memory_space<hbm>>) target(%dma_start3A_239 : memref<32x128xf32, #tpu.memory_space<vmem>>) target_semaphore(%arg17 : memref<!tpu.dma_semaphore, #tpu.memory_space<semaphore_mem>>)
      %slice3A_242 = vector.extract_strided_slice %get3A_195 {offsets = [1], sizes = [1], strides = [1]} : vector<16xi32> to vector<1xi32>
      %squeeze3A_243 = vector.extract %slice3A_242[0] : i32 from vector<1xi32>
      %shift_right_arithmetic3A_244 = arith.constant 7 : i32
      %shift_right_arithmetic3A_245 = arith.shrsi %squeeze3A_243, %shift_right_arithmetic3A_244 : i32
      %mul3A_246 = arith.constant 128 : i32
      %mul3A_247 = arith.muli %shift_right_arithmetic3A_245, %mul3A_246 : i32
      %multiple_of3A_248 = tpu.assume_multiple %mul3A_247, 128 : i32
      %slice3A_249 = vector.extract_strided_slice %get3A_199 {offsets = [1], sizes = [1], strides = [1]} : vector<16xi32> to vector<1xi32>
      %squeeze3A_250 = vector.extract %slice3A_249[0] : i32 from vector<1xi32>
      %shift_right_arithmetic3A_251 = arith.constant 7 : i32
      %shift_right_arithmetic3A_252 = arith.shrsi %squeeze3A_250, %shift_right_arithmetic3A_251 : i32
      %mul3A_253 = arith.constant 128 : i32
      %mul3A_254 = arith.muli %shift_right_arithmetic3A_252, %mul3A_253 : i32
      %multiple_of3A_255 = tpu.assume_multiple %mul3A_254, 128 : i32
      %dma_start3A_256 = arith.constant 1 : i32
      %dma_start3A_257 = arith.constant 1 : i32
      %dma_start3A_258 = arith.constant 0 : i32
      %dma_start3A_259 = arith.constant 0 : i32
      %dma_start3A_260 = tpu.memref_slice %arg10[%dma_start3A_256, %dma_start3A_257, %dma_start3A_258, %dma_start3A_259] : memref<2x4x32x128xf32, #tpu.memory_space<vmem>> -> memref<1x1x32x128xf32, #tpu.memory_space<vmem>>
      %dma_start3A_261 = tpu.memref_squeeze %dma_start3A_260 : memref<1x1x32x128xf32, #tpu.memory_space<vmem>> -> memref<32x128xf32, #tpu.memory_space<vmem>>
      %dma_start3A_262 = arith.constant 0 : i32
      %dma_start3A_263 = tpu.memref_slice %arg4[%dma_start3A_262, %multiple_of3A_248] : memref<32x1000000xf32, #tpu.memory_space<hbm>> -> memref<32x128xf32, #tpu.memory_space<hbm>>
      %dma_start3A_264 = arith.constant 0 : i32
      %dma_start3A_265 = arith.constant 0 : i32
      %dma_start3A_266 = tpu.memref_slice %arg10[%dma_start3A_256, %dma_start3A_257, %dma_start3A_264, %dma_start3A_265] : memref<2x4x32x128xf32, #tpu.memory_space<vmem>> -> memref<1x1x32x128xf32, #tpu.memory_space<vmem>>
      %dma_start3A_267 = tpu.memref_squeeze %dma_start3A_266 : memref<1x1x32x128xf32, #tpu.memory_space<vmem>> -> memref<32x128xf32, #tpu.memory_space<vmem>>
      %dma_start3A_268 = arith.constant 0 : i32
      %dma_start3A_269 = tpu.memref_slice %arg4[%dma_start3A_268, %multiple_of3A_248] : memref<32x1000000xf32, #tpu.memory_space<hbm>> -> memref<32x128xf32, #tpu.memory_space<hbm>>
      tpu.enqueue_dma source(%dma_start3A_269 : memref<32x128xf32, #tpu.memory_space<hbm>>) target(%dma_start3A_267 : memref<32x128xf32, #tpu.memory_space<vmem>>) target_semaphore(%arg15 : memref<!tpu.dma_semaphore, #tpu.memory_space<semaphore_mem>>)
      %dma_start3A_270 = arith.constant 1 : i32
      %dma_start3A_271 = arith.constant 1 : i32
      %dma_start3A_272 = arith.constant 0 : i32
      %dma_start3A_273 = arith.constant 0 : i32
      %dma_start3A_274 = tpu.memref_slice %arg11[%dma_start3A_270, %dma_start3A_271, %dma_start3A_272, %dma_start3A_273] : memref<2x4x32x128xf32, #tpu.memory_space<vmem>> -> memref<1x1x32x128xf32, #tpu.memory_space<vmem>>
      %dma_start3A_275 = tpu.memref_squeeze %dma_start3A_274 : memref<1x1x32x128xf32, #tpu.memory_space<vmem>> -> memref<32x128xf32, #tpu.memory_space<vmem>>
      %dma_start3A_276 = arith.constant 0 : i32
      %dma_start3A_277 = tpu.memref_slice %arg5[%dma_start3A_276, %multiple_of3A_255] : memref<32x1000000xf32, #tpu.memory_space<hbm>> -> memref<32x128xf32, #tpu.memory_space<hbm>>
      %dma_start3A_278 = arith.constant 0 : i32
      %dma_start3A_279 = arith.constant 0 : i32
      %dma_start3A_280 = tpu.memref_slice %arg11[%dma_start3A_270, %dma_start3A_271, %dma_start3A_278, %dma_start3A_279] : memref<2x4x32x128xf32, #tpu.memory_space<vmem>> -> memref<1x1x32x128xf32, #tpu.memory_space<vmem>>
      %dma_start3A_281 = tpu.memref_squeeze %dma_start3A_280 : memref<1x1x32x128xf32, #tpu.memory_space<vmem>> -> memref<32x128xf32, #tpu.memory_space<vmem>>
      %dma_start3A_282 = arith.constant 0 : i32
      %dma_start3A_283 = tpu.memref_slice %arg5[%dma_start3A_282, %multiple_of3A_255] : memref<32x1000000xf32, #tpu.memory_space<hbm>> -> memref<32x128xf32, #tpu.memory_space<hbm>>
      tpu.enqueue_dma source(%dma_start3A_283 : memref<32x128xf32, #tpu.memory_space<hbm>>) target(%dma_start3A_281 : memref<32x128xf32, #tpu.memory_space<vmem>>) target_semaphore(%arg17 : memref<!tpu.dma_semaphore, #tpu.memory_space<semaphore_mem>>)
      %slice3A_284 = vector.extract_strided_slice %get3A_195 {offsets = [2], sizes = [1], strides = [1]} : vector<16xi32> to vector<1xi32>
      %squeeze3A_285 = vector.extract %slice3A_284[0] : i32 from vector<1xi32>
      %shift_right_arithmetic3A_286 = arith.constant 7 : i32
      %shift_right_arithmetic3A_287 = arith.shrsi %squeeze3A_285, %shift_right_arithmetic3A_286 : i32
      %mul3A_288 = arith.constant 128 : i32
      %mul3A_289 = arith.muli %shift_right_arithmetic3A_287, %mul3A_288 : i32
      %multiple_of3A_290 = tpu.assume_multiple %mul3A_289, 128 : i32
      %slice3A_291 = vector.extract_strided_slice %get3A_199 {offsets = [2], sizes = [1], strides = [1]} : vector<16xi32> to vector<1xi32>
      %squeeze3A_292 = vector.extract %slice3A_291[0] : i32 from vector<1xi32>
      %shift_right_arithmetic3A_293 = arith.constant 7 : i32
      %shift_right_arithmetic3A_294 = arith.shrsi %squeeze3A_292, %shift_right_arithmetic3A_293 : i32
      %mul3A_295 = arith.constant 128 : i32
      %mul3A_296 = arith.muli %shift_right_arithmetic3A_294, %mul3A_295 : i32
      %multiple_of3A_297 = tpu.assume_multiple %mul3A_296, 128 : i32
      %dma_start3A_298 = arith.constant 1 : i32
      %dma_start3A_299 = arith.constant 2 : i32
      %dma_start3A_300 = arith.constant 0 : i32
      %dma_start3A_301 = arith.constant 0 : i32
      %dma_start3A_302 = tpu.memref_slice %arg10[%dma_start3A_298, %dma_start3A_299, %dma_start3A_300, %dma_start3A_301] : memref<2x4x32x128xf32, #tpu.memory_space<vmem>> -> memref<1x1x32x128xf32, #tpu.memory_space<vmem>>
      %dma_start3A_303 = tpu.memref_squeeze %dma_start3A_302 : memref<1x1x32x128xf32, #tpu.memory_space<vmem>> -> memref<32x128xf32, #tpu.memory_space<vmem>>
      %dma_start3A_304 = arith.constant 0 : i32
      %dma_start3A_305 = tpu.memref_slice %arg4[%dma_start3A_304, %multiple_of3A_290] : memref<32x1000000xf32, #tpu.memory_space<hbm>> -> memref<32x128xf32, #tpu.memory_space<hbm>>
      %dma_start3A_306 = arith.constant 0 : i32
      %dma_start3A_307 = arith.constant 0 : i32
      %dma_start3A_308 = tpu.memref_slice %arg10[%dma_start3A_298, %dma_start3A_299, %dma_start3A_306, %dma_start3A_307] : memref<2x4x32x128xf32, #tpu.memory_space<vmem>> -> memref<1x1x32x128xf32, #tpu.memory_space<vmem>>
      %dma_start3A_309 = tpu.memref_squeeze %dma_start3A_308 : memref<1x1x32x128xf32, #tpu.memory_space<vmem>> -> memref<32x128xf32, #tpu.memory_space<vmem>>
      %dma_start3A_310 = arith.constant 0 : i32
      %dma_start3A_311 = tpu.memref_slice %arg4[%dma_start3A_310, %multiple_of3A_290] : memref<32x1000000xf32, #tpu.memory_space<hbm>> -> memref<32x128xf32, #tpu.memory_space<hbm>>
      tpu.enqueue_dma source(%dma_start3A_311 : memref<32x128xf32, #tpu.memory_space<hbm>>) target(%dma_start3A_309 : memref<32x128xf32, #tpu.memory_space<vmem>>) target_semaphore(%arg15 : memref<!tpu.dma_semaphore, #tpu.memory_space<semaphore_mem>>)
      %dma_start3A_312 = arith.constant 1 : i32
      %dma_start3A_313 = arith.constant 2 : i32
      %dma_start3A_314 = arith.constant 0 : i32
      %dma_start3A_315 = arith.constant 0 : i32
      %dma_start3A_316 = tpu.memref_slice %arg11[%dma_start3A_312, %dma_start3A_313, %dma_start3A_314, %dma_start3A_315] : memref<2x4x32x128xf32, #tpu.memory_space<vmem>> -> memref<1x1x32x128xf32, #tpu.memory_space<vmem>>
      %dma_start3A_317 = tpu.memref_squeeze %dma_start3A_316 : memref<1x1x32x128xf32, #tpu.memory_space<vmem>> -> memref<32x128xf32, #tpu.memory_space<vmem>>
      %dma_start3A_318 = arith.constant 0 : i32
      %dma_start3A_319 = tpu.memref_slice %arg5[%dma_start3A_318, %multiple_of3A_297] : memref<32x1000000xf32, #tpu.memory_space<hbm>> -> memref<32x128xf32, #tpu.memory_space<hbm>>
      %dma_start3A_320 = arith.constant 0 : i32
      %dma_start3A_321 = arith.constant 0 : i32
      %dma_start3A_322 = tpu.memref_slice %arg11[%dma_start3A_312, %dma_start3A_313, %dma_start3A_320, %dma_start3A_321] : memref<2x4x32x128xf32, #tpu.memory_space<vmem>> -> memref<1x1x32x128xf32, #tpu.memory_space<vmem>>
      %dma_start3A_323 = tpu.memref_squeeze %dma_start3A_322 : memref<1x1x32x128xf32, #tpu.memory_space<vmem>> -> memref<32x128xf32, #tpu.memory_space<vmem>>
      %dma_start3A_324 = arith.constant 0 : i32
      %dma_start3A_325 = tpu.memref_slice %arg5[%dma_start3A_324, %multiple_of3A_297] : memref<32x1000000xf32, #tpu.memory_space<hbm>> -> memref<32x128xf32, #tpu.memory_space<hbm>>
      tpu.enqueue_dma source(%dma_start3A_325 : memref<32x128xf32, #tpu.memory_space<hbm>>) target(%dma_start3A_323 : memref<32x128xf32, #tpu.memory_space<vmem>>) target_semaphore(%arg17 : memref<!tpu.dma_semaphore, #tpu.memory_space<semaphore_mem>>)
      %slice3A_326 = vector.extract_strided_slice %get3A_195 {offsets = [3], sizes = [1], strides = [1]} : vector<16xi32> to vector<1xi32>
      %squeeze3A_327 = vector.extract %slice3A_326[0] : i32 from vector<1xi32>
      %shift_right_arithmetic3A_328 = arith.constant 7 : i32
      %shift_right_arithmetic3A_329 = arith.shrsi %squeeze3A_327, %shift_right_arithmetic3A_328 : i32
      %mul3A_330 = arith.constant 128 : i32
      %mul3A_331 = arith.muli %shift_right_arithmetic3A_329, %mul3A_330 : i32
      %multiple_of3A_332 = tpu.assume_multiple %mul3A_331, 128 : i32
      %slice3A_333 = vector.extract_strided_slice %get3A_199 {offsets = [3], sizes = [1], strides = [1]} : vector<16xi32> to vector<1xi32>
      %squeeze3A_334 = vector.extract %slice3A_333[0] : i32 from vector<1xi32>
      %shift_right_arithmetic3A_335 = arith.constant 7 : i32
      %shift_right_arithmetic3A_336 = arith.shrsi %squeeze3A_334, %shift_right_arithmetic3A_335 : i32
      %mul3A_337 = arith.constant 128 : i32
      %mul3A_338 = arith.muli %shift_right_arithmetic3A_336, %mul3A_337 : i32
      %multiple_of3A_339 = tpu.assume_multiple %mul3A_338, 128 : i32
      %dma_start3A_340 = arith.constant 1 : i32
      %dma_start3A_341 = arith.constant 3 : i32
      %dma_start3A_342 = arith.constant 0 : i32
      %dma_start3A_343 = arith.constant 0 : i32
      %dma_start3A_344 = tpu.memref_slice %arg10[%dma_start3A_340, %dma_start3A_341, %dma_start3A_342, %dma_start3A_343] : memref<2x4x32x128xf32, #tpu.memory_space<vmem>> -> memref<1x1x32x128xf32, #tpu.memory_space<vmem>>
      %dma_start3A_345 = tpu.memref_squeeze %dma_start3A_344 : memref<1x1x32x128xf32, #tpu.memory_space<vmem>> -> memref<32x128xf32, #tpu.memory_space<vmem>>
      %dma_start3A_346 = arith.constant 0 : i32
      %dma_start3A_347 = tpu.memref_slice %arg4[%dma_start3A_346, %multiple_of3A_332] : memref<32x1000000xf32, #tpu.memory_space<hbm>> -> memref<32x128xf32, #tpu.memory_space<hbm>>
      %dma_start3A_348 = arith.constant 0 : i32
      %dma_start3A_349 = arith.constant 0 : i32
      %dma_start3A_350 = tpu.memref_slice %arg10[%dma_start3A_340, %dma_start3A_341, %dma_start3A_348, %dma_start3A_349] : memref<2x4x32x128xf32, #tpu.memory_space<vmem>> -> memref<1x1x32x128xf32, #tpu.memory_space<vmem>>
      %dma_start3A_351 = tpu.memref_squeeze %dma_start3A_350 : memref<1x1x32x128xf32, #tpu.memory_space<vmem>> -> memref<32x128xf32, #tpu.memory_space<vmem>>
      %dma_start3A_352 = arith.constant 0 : i32
      %dma_start3A_353 = tpu.memref_slice %arg4[%dma_start3A_352, %multiple_of3A_332] : memref<32x1000000xf32, #tpu.memory_space<hbm>> -> memref<32x128xf32, #tpu.memory_space<hbm>>
      tpu.enqueue_dma source(%dma_start3A_353 : memref<32x128xf32, #tpu.memory_space<hbm>>) target(%dma_start3A_351 : memref<32x128xf32, #tpu.memory_space<vmem>>) target_semaphore(%arg15 : memref<!tpu.dma_semaphore, #tpu.memory_space<semaphore_mem>>)
      %dma_start3A_354 = arith.constant 1 : i32
      %dma_start3A_355 = arith.constant 3 : i32
      %dma_start3A_356 = arith.constant 0 : i32
      %dma_start3A_357 = arith.constant 0 : i32
      %dma_start3A_358 = tpu.memref_slice %arg11[%dma_start3A_354, %dma_start3A_355, %dma_start3A_356, %dma_start3A_357] : memref<2x4x32x128xf32, #tpu.memory_space<vmem>> -> memref<1x1x32x128xf32, #tpu.memory_space<vmem>>
      %dma_start3A_359 = tpu.memref_squeeze %dma_start3A_358 : memref<1x1x32x128xf32, #tpu.memory_space<vmem>> -> memref<32x128xf32, #tpu.memory_space<vmem>>
      %dma_start3A_360 = arith.constant 0 : i32
      %dma_start3A_361 = tpu.memref_slice %arg5[%dma_start3A_360, %multiple_of3A_339] : memref<32x1000000xf32, #tpu.memory_space<hbm>> -> memref<32x128xf32, #tpu.memory_space<hbm>>
      %dma_start3A_362 = arith.constant 0 : i32
      %dma_start3A_363 = arith.constant 0 : i32
      %dma_start3A_364 = tpu.memref_slice %arg11[%dma_start3A_354, %dma_start3A_355, %dma_start3A_362, %dma_start3A_363] : memref<2x4x32x128xf32, #tpu.memory_space<vmem>> -> memref<1x1x32x128xf32, #tpu.memory_space<vmem>>
      %dma_start3A_365 = tpu.memref_squeeze %dma_start3A_364 : memref<1x1x32x128xf32, #tpu.memory_space<vmem>> -> memref<32x128xf32, #tpu.memory_space<vmem>>
      %dma_start3A_366 = arith.constant 0 : i32
      %dma_start3A_367 = tpu.memref_slice %arg5[%dma_start3A_366, %multiple_of3A_339] : memref<32x1000000xf32, #tpu.memory_space<hbm>> -> memref<32x128xf32, #tpu.memory_space<hbm>>
      tpu.enqueue_dma source(%dma_start3A_367 : memref<32x128xf32, #tpu.memory_space<hbm>>) target(%dma_start3A_365 : memref<32x128xf32, #tpu.memory_space<vmem>>) target_semaphore(%arg17 : memref<!tpu.dma_semaphore, #tpu.memory_space<semaphore_mem>>)
      %mul3A_368 = arith.constant 2 : i32
      %mul3A_369 = arith.muli %mul3A_368, %scan3A_186 : i32
      %mul3A_370 = arith.constant 4 : i32
      %mul3A_371 = arith.muli %mul3A_369, %mul3A_370 : i32
      %get3A_372 = arith.index_cast %mul3A_371 : i32 to index
      %get3A_373 = tpu.vector_load %arg8[%get3A_372] {strides = array<i32>} : memref<528xi32, #tpu.memory_space<vmem>>, vector<16xi32>,
      %mul3A_374 = arith.constant 4 : i32
      %mul3A_375 = arith.muli %mul3A_369, %mul3A_374 : i32
      %get3A_376 = arith.index_cast %mul3A_375 : i32 to index
      %get3A_377 = tpu.vector_load %arg9[%get3A_376] {strides = array<i32>} : memref<528xi32, #tpu.memory_space<vmem>>, vector<16xi32>,
      %slice3A_378 = vector.extract_strided_slice %get3A_373 {offsets = [0], sizes = [1], strides = [1]} : vector<16xi32> to vector<1xi32>
      %squeeze3A_379 = vector.extract %slice3A_378[0] : i32 from vector<1xi32>
      %shift_right_arithmetic3A_380 = arith.constant 7 : i32
      %shift_right_arithmetic3A_381 = arith.shrsi %squeeze3A_379, %shift_right_arithmetic3A_380 : i32
      %mul3A_382 = arith.constant 128 : i32
      %mul3A_383 = arith.muli %shift_right_arithmetic3A_381, %mul3A_382 : i32
      %multiple_of3A_384 = tpu.assume_multiple %mul3A_383, 128 : i32
      %slice3A_385 = vector.extract_strided_slice %get3A_377 {offsets = [0], sizes = [1], strides = [1]} : vector<16xi32> to vector<1xi32>
      %squeeze3A_386 = vector.extract %slice3A_385[0] : i32 from vector<1xi32>
      %shift_right_arithmetic3A_387 = arith.constant 7 : i32
      %shift_right_arithmetic3A_388 = arith.shrsi %squeeze3A_386, %shift_right_arithmetic3A_387 : i32
      %mul3A_389 = arith.constant 128 : i32
      %mul3A_390 = arith.muli %shift_right_arithmetic3A_388, %mul3A_389 : i32
      %multiple_of3A_391 = tpu.assume_multiple %mul3A_390, 128 : i32
      %dma_wait3A = arith.constant 0 : i32
      %dma_wait3A_392 = arith.constant 0 : i32
      %dma_wait3A_393 = arith.constant 0 : i32
      %dma_wait3A_394 = arith.constant 0 : i32
      %dma_wait3A_395 = tpu.memref_slice %arg10[%dma_wait3A, %dma_wait3A_392, %dma_wait3A_393, %dma_wait3A_394] : memref<2x4x32x128xf32, #tpu.memory_space<vmem>> -> memref<1x1x32x128xf32, #tpu.memory_space<vmem>>
      %dma_wait3A_396 = tpu.memref_squeeze %dma_wait3A_395 : memref<1x1x32x128xf32, #tpu.memory_space<vmem>> -> memref<32x128xf32, #tpu.memory_space<vmem>>
      %dma_wait3A_397 = arith.constant 0 : i32
      %dma_wait3A_398 = tpu.memref_slice %arg4[%dma_wait3A_397, %multiple_of3A_384] : memref<32x1000000xf32, #tpu.memory_space<hbm>> -> memref<32x128xf32, #tpu.memory_space<hbm>>
      %dma_wait3A_399 = arith.constant 0 : i32
      %dma_wait3A_400 = arith.constant 0 : i32
      %dma_wait3A_401 = tpu.memref_slice %arg10[%dma_wait3A, %dma_wait3A_392, %dma_wait3A_399, %dma_wait3A_400] : memref<2x4x32x128xf32, #tpu.memory_space<vmem>> -> memref<1x1x32x128xf32, #tpu.memory_space<vmem>>
      %dma_wait3A_402 = tpu.memref_squeeze %dma_wait3A_401 : memref<1x1x32x128xf32, #tpu.memory_space<vmem>> -> memref<32x128xf32, #tpu.memory_space<vmem>>
      %dma_wait3A_403 = arith.constant 0 : i32
      %dma_wait3A_404 = tpu.memref_slice %arg4[%dma_wait3A_403, %multiple_of3A_384] : memref<32x1000000xf32, #tpu.memory_space<hbm>> -> memref<32x128xf32, #tpu.memory_space<hbm>>
      tpu.wait_dma2 semaphore(%arg14 : memref<!tpu.dma_semaphore, #tpu.memory_space<semaphore_mem>>) src(%dma_wait3A_404 : memref<32x128xf32, #tpu.memory_space<hbm>>) dst(%dma_wait3A_402 : memref<32x128xf32, #tpu.memory_space<vmem>>)
      %dma_wait3A_405 = arith.constant 0 : i32
      %dma_wait3A_406 = arith.constant 0 : i32
      %dma_wait3A_407 = arith.constant 0 : i32
      %dma_wait3A_408 = arith.constant 0 : i32
      %dma_wait3A_409 = tpu.memref_slice %arg11[%dma_wait3A_405, %dma_wait3A_406, %dma_wait3A_407, %dma_wait3A_408] : memref<2x4x32x128xf32, #tpu.memory_space<vmem>> -> memref<1x1x32x128xf32, #tpu.memory_space<vmem>>
      %dma_wait3A_410 = tpu.memref_squeeze %dma_wait3A_409 : memref<1x1x32x128xf32, #tpu.memory_space<vmem>> -> memref<32x128xf32, #tpu.memory_space<vmem>>
      %dma_wait3A_411 = arith.constant 0 : i32
      %dma_wait3A_412 = tpu.memref_slice %arg5[%dma_wait3A_411, %multiple_of3A_391] : memref<32x1000000xf32, #tpu.memory_space<hbm>> -> memref<32x128xf32, #tpu.memory_space<hbm>>
      %dma_wait3A_413 = arith.constant 0 : i32
      %dma_wait3A_414 = arith.constant 0 : i32
      %dma_wait3A_415 = tpu.memref_slice %arg11[%dma_wait3A_405, %dma_wait3A_406, %dma_wait3A_413, %dma_wait3A_414] : memref<2x4x32x128xf32, #tpu.memory_space<vmem>> -> memref<1x1x32x128xf32, #tpu.memory_space<vmem>>
      %dma_wait3A_416 = tpu.memref_squeeze %dma_wait3A_415 : memref<1x1x32x128xf32, #tpu.memory_space<vmem>> -> memref<32x128xf32, #tpu.memory_space<vmem>>
      %dma_wait3A_417 = arith.constant 0 : i32
      %dma_wait3A_418 = tpu.memref_slice %arg5[%dma_wait3A_417, %multiple_of3A_391] : memref<32x1000000xf32, #tpu.memory_space<hbm>> -> memref<32x128xf32, #tpu.memory_space<hbm>>
      tpu.wait_dma2 semaphore(%arg16 : memref<!tpu.dma_semaphore, #tpu.memory_space<semaphore_mem>>) src(%dma_wait3A_418 : memref<32x128xf32, #tpu.memory_space<hbm>>) dst(%dma_wait3A_416 : memref<32x128xf32, #tpu.memory_space<vmem>>)
      %slice3A_419 = vector.extract_strided_slice %get3A_373 {offsets = [1], sizes = [1], strides = [1]} : vector<16xi32> to vector<1xi32>
      %squeeze3A_420 = vector.extract %slice3A_419[0] : i32 from vector<1xi32>
      %shift_right_arithmetic3A_421 = arith.constant 7 : i32
      %shift_right_arithmetic3A_422 = arith.shrsi %squeeze3A_420, %shift_right_arithmetic3A_421 : i32
      %mul3A_423 = arith.constant 128 : i32
      %mul3A_424 = arith.muli %shift_right_arithmetic3A_422, %mul3A_423 : i32
      %multiple_of3A_425 = tpu.assume_multiple %mul3A_424, 128 : i32
      %slice3A_426 = vector.extract_strided_slice %get3A_377 {offsets = [1], sizes = [1], strides = [1]} : vector<16xi32> to vector<1xi32>
      %squeeze3A_427 = vector.extract %slice3A_426[0] : i32 from vector<1xi32>
      %shift_right_arithmetic3A_428 = arith.constant 7 : i32
      %shift_right_arithmetic3A_429 = arith.shrsi %squeeze3A_427, %shift_right_arithmetic3A_428 : i32
      %mul3A_430 = arith.constant 128 : i32
      %mul3A_431 = arith.muli %shift_right_arithmetic3A_429, %mul3A_430 : i32
      %multiple_of3A_432 = tpu.assume_multiple %mul3A_431, 128 : i32
      %dma_wait3A_433 = arith.constant 0 : i32
      %dma_wait3A_434 = arith.constant 1 : i32
      %dma_wait3A_435 = arith.constant 0 : i32
      %dma_wait3A_436 = arith.constant 0 : i32
      %dma_wait3A_437 = tpu.memref_slice %arg10[%dma_wait3A_433, %dma_wait3A_434, %dma_wait3A_435, %dma_wait3A_436] : memref<2x4x32x128xf32, #tpu.memory_space<vmem>> -> memref<1x1x32x128xf32, #tpu.memory_space<vmem>>
      %dma_wait3A_438 = tpu.memref_squeeze %dma_wait3A_437 : memref<1x1x32x128xf32, #tpu.memory_space<vmem>> -> memref<32x128xf32, #tpu.memory_space<vmem>>
      %dma_wait3A_439 = arith.constant 0 : i32
      %dma_wait3A_440 = tpu.memref_slice %arg4[%dma_wait3A_439, %multiple_of3A_425] : memref<32x1000000xf32, #tpu.memory_space<hbm>> -> memref<32x128xf32, #tpu.memory_space<hbm>>
      %dma_wait3A_441 = arith.constant 0 : i32
      %dma_wait3A_442 = arith.constant 0 : i32
      %dma_wait3A_443 = tpu.memref_slice %arg10[%dma_wait3A_433, %dma_wait3A_434, %dma_wait3A_441, %dma_wait3A_442] : memref<2x4x32x128xf32, #tpu.memory_space<vmem>> -> memref<1x1x32x128xf32, #tpu.memory_space<vmem>>
      %dma_wait3A_444 = tpu.memref_squeeze %dma_wait3A_443 : memref<1x1x32x128xf32, #tpu.memory_space<vmem>> -> memref<32x128xf32, #tpu.memory_space<vmem>>
      %dma_wait3A_445 = arith.constant 0 : i32
      %dma_wait3A_446 = tpu.memref_slice %arg4[%dma_wait3A_445, %multiple_of3A_425] : memref<32x1000000xf32, #tpu.memory_space<hbm>> -> memref<32x128xf32, #tpu.memory_space<hbm>>
      tpu.wait_dma2 semaphore(%arg14 : memref<!tpu.dma_semaphore, #tpu.memory_space<semaphore_mem>>) src(%dma_wait3A_446 : memref<32x128xf32, #tpu.memory_space<hbm>>) dst(%dma_wait3A_444 : memref<32x128xf32, #tpu.memory_space<vmem>>)
      %dma_wait3A_447 = arith.constant 0 : i32
      %dma_wait3A_448 = arith.constant 1 : i32
      %dma_wait3A_449 = arith.constant 0 : i32
      %dma_wait3A_450 = arith.constant 0 : i32
      %dma_wait3A_451 = tpu.memref_slice %arg11[%dma_wait3A_447, %dma_wait3A_448, %dma_wait3A_449, %dma_wait3A_450] : memref<2x4x32x128xf32, #tpu.memory_space<vmem>> -> memref<1x1x32x128xf32, #tpu.memory_space<vmem>>
      %dma_wait3A_452 = tpu.memref_squeeze %dma_wait3A_451 : memref<1x1x32x128xf32, #tpu.memory_space<vmem>> -> memref<32x128xf32, #tpu.memory_space<vmem>>
      %dma_wait3A_453 = arith.constant 0 : i32
      %dma_wait3A_454 = tpu.memref_slice %arg5[%dma_wait3A_453, %multiple_of3A_432] : memref<32x1000000xf32, #tpu.memory_space<hbm>> -> memref<32x128xf32, #tpu.memory_space<hbm>>
      %dma_wait3A_455 = arith.constant 0 : i32
      %dma_wait3A_456 = arith.constant 0 : i32
      %dma_wait3A_457 = tpu.memref_slice %arg11[%dma_wait3A_447, %dma_wait3A_448, %dma_wait3A_455, %dma_wait3A_456] : memref<2x4x32x128xf32, #tpu.memory_space<vmem>> -> memref<1x1x32x128xf32, #tpu.memory_space<vmem>>
      %dma_wait3A_458 = tpu.memref_squeeze %dma_wait3A_457 : memref<1x1x32x128xf32, #tpu.memory_space<vmem>> -> memref<32x128xf32, #tpu.memory_space<vmem>>
      %dma_wait3A_459 = arith.constant 0 : i32
      %dma_wait3A_460 = tpu.memref_slice %arg5[%dma_wait3A_459, %multiple_of3A_432] : memref<32x1000000xf32, #tpu.memory_space<hbm>> -> memref<32x128xf32, #tpu.memory_space<hbm>>
      tpu.wait_dma2 semaphore(%arg16 : memref<!tpu.dma_semaphore, #tpu.memory_space<semaphore_mem>>) src(%dma_wait3A_460 : memref<32x128xf32, #tpu.memory_space<hbm>>) dst(%dma_wait3A_458 : memref<32x128xf32, #tpu.memory_space<vmem>>)
      %slice3A_461 = vector.extract_strided_slice %get3A_373 {offsets = [2], sizes = [1], strides = [1]} : vector<16xi32> to vector<1xi32>
      %squeeze3A_462 = vector.extract %slice3A_461[0] : i32 from vector<1xi32>
      %shift_right_arithmetic3A_463 = arith.constant 7 : i32
      %shift_right_arithmetic3A_464 = arith.shrsi %squeeze3A_462, %shift_right_arithmetic3A_463 : i32
      %mul3A_465 = arith.constant 128 : i32
      %mul3A_466 = arith.muli %shift_right_arithmetic3A_464, %mul3A_465 : i32
      %multiple_of3A_467 = tpu.assume_multiple %mul3A_466, 128 : i32
      %slice3A_468 = vector.extract_strided_slice %get3A_377 {offsets = [2], sizes = [1], strides = [1]} : vector<16xi32> to vector<1xi32>
      %squeeze3A_469 = vector.extract %slice3A_468[0] : i32 from vector<1xi32>
      %shift_right_arithmetic3A_470 = arith.constant 7 : i32
      %shift_right_arithmetic3A_471 = arith.shrsi %squeeze3A_469, %shift_right_arithmetic3A_470 : i32
      %mul3A_472 = arith.constant 128 : i32
      %mul3A_473 = arith.muli %shift_right_arithmetic3A_471, %mul3A_472 : i32
      %multiple_of3A_474 = tpu.assume_multiple %mul3A_473, 128 : i32
      %dma_wait3A_475 = arith.constant 0 : i32
      %dma_wait3A_476 = arith.constant 2 : i32
      %dma_wait3A_477 = arith.constant 0 : i32
      %dma_wait3A_478 = arith.constant 0 : i32
      %dma_wait3A_479 = tpu.memref_slice %arg10[%dma_wait3A_475, %dma_wait3A_476, %dma_wait3A_477, %dma_wait3A_478] : memref<2x4x32x128xf32, #tpu.memory_space<vmem>> -> memref<1x1x32x128xf32, #tpu.memory_space<vmem>>
      %dma_wait3A_480 = tpu.memref_squeeze %dma_wait3A_479 : memref<1x1x32x128xf32, #tpu.memory_space<vmem>> -> memref<32x128xf32, #tpu.memory_space<vmem>>
      %dma_wait3A_481 = arith.constant 0 : i32
      %dma_wait3A_482 = tpu.memref_slice %arg4[%dma_wait3A_481, %multiple_of3A_467] : memref<32x1000000xf32, #tpu.memory_space<hbm>> -> memref<32x128xf32, #tpu.memory_space<hbm>>
      %dma_wait3A_483 = arith.constant 0 : i32
      %dma_wait3A_484 = arith.constant 0 : i32
      %dma_wait3A_485 = tpu.memref_slice %arg10[%dma_wait3A_475, %dma_wait3A_476, %dma_wait3A_483, %dma_wait3A_484] : memref<2x4x32x128xf32, #tpu.memory_space<vmem>> -> memref<1x1x32x128xf32, #tpu.memory_space<vmem>>
      %dma_wait3A_486 = tpu.memref_squeeze %dma_wait3A_485 : memref<1x1x32x128xf32, #tpu.memory_space<vmem>> -> memref<32x128xf32, #tpu.memory_space<vmem>>
      %dma_wait3A_487 = arith.constant 0 : i32
      %dma_wait3A_488 = tpu.memref_slice %arg4[%dma_wait3A_487, %multiple_of3A_467] : memref<32x1000000xf32, #tpu.memory_space<hbm>> -> memref<32x128xf32, #tpu.memory_space<hbm>>
      tpu.wait_dma2 semaphore(%arg14 : memref<!tpu.dma_semaphore, #tpu.memory_space<semaphore_mem>>) src(%dma_wait3A_488 : memref<32x128xf32, #tpu.memory_space<hbm>>) dst(%dma_wait3A_486 : memref<32x128xf32, #tpu.memory_space<vmem>>)
      %dma_wait3A_489 = arith.constant 0 : i32
      %dma_wait3A_490 = arith.constant 2 : i32
      %dma_wait3A_491 = arith.constant 0 : i32
      %dma_wait3A_492 = arith.constant 0 : i32
      %dma_wait3A_493 = tpu.memref_slice %arg11[%dma_wait3A_489, %dma_wait3A_490, %dma_wait3A_491, %dma_wait3A_492] : memref<2x4x32x128xf32, #tpu.memory_space<vmem>> -> memref<1x1x32x128xf32, #tpu.memory_space<vmem>>
      %dma_wait3A_494 = tpu.memref_squeeze %dma_wait3A_493 : memref<1x1x32x128xf32, #tpu.memory_space<vmem>> -> memref<32x128xf32, #tpu.memory_space<vmem>>
      %dma_wait3A_495 = arith.constant 0 : i32
      %dma_wait3A_496 = tpu.memref_slice %arg5[%dma_wait3A_495, %multiple_of3A_474] : memref<32x1000000xf32, #tpu.memory_space<hbm>> -> memref<32x128xf32, #tpu.memory_space<hbm>>
      %dma_wait3A_497 = arith.constant 0 : i32
      %dma_wait3A_498 = arith.constant 0 : i32
      %dma_wait3A_499 = tpu.memref_slice %arg11[%dma_wait3A_489, %dma_wait3A_490, %dma_wait3A_497, %dma_wait3A_498] : memref<2x4x32x128xf32, #tpu.memory_space<vmem>> -> memref<1x1x32x128xf32, #tpu.memory_space<vmem>>
      %dma_wait3A_500 = tpu.memref_squeeze %dma_wait3A_499 : memref<1x1x32x128xf32, #tpu.memory_space<vmem>> -> memref<32x128xf32, #tpu.memory_space<vmem>>
      %dma_wait3A_501 = arith.constant 0 : i32
      %dma_wait3A_502 = tpu.memref_slice %arg5[%dma_wait3A_501, %multiple_of3A_474] : memref<32x1000000xf32, #tpu.memory_space<hbm>> -> memref<32x128xf32, #tpu.memory_space<hbm>>
      tpu.wait_dma2 semaphore(%arg16 : memref<!tpu.dma_semaphore, #tpu.memory_space<semaphore_mem>>) src(%dma_wait3A_502 : memref<32x128xf32, #tpu.memory_space<hbm>>) dst(%dma_wait3A_500 : memref<32x128xf32, #tpu.memory_space<vmem>>)
      %slice3A_503 = vector.extract_strided_slice %get3A_373 {offsets = [3], sizes = [1], strides = [1]} : vector<16xi32> to vector<1xi32>
      %squeeze3A_504 = vector.extract %slice3A_503[0] : i32 from vector<1xi32>
      %shift_right_arithmetic3A_505 = arith.constant 7 : i32
      %shift_right_arithmetic3A_506 = arith.shrsi %squeeze3A_504, %shift_right_arithmetic3A_505 : i32
      %mul3A_507 = arith.constant 128 : i32
      %mul3A_508 = arith.muli %shift_right_arithmetic3A_506, %mul3A_507 : i32
      %multiple_of3A_509 = tpu.assume_multiple %mul3A_508, 128 : i32
      %slice3A_510 = vector.extract_strided_slice %get3A_377 {offsets = [3], sizes = [1], strides = [1]} : vector<16xi32> to vector<1xi32>
      %squeeze3A_511 = vector.extract %slice3A_510[0] : i32 from vector<1xi32>
      %shift_right_arithmetic3A_512 = arith.constant 7 : i32
      %shift_right_arithmetic3A_513 = arith.shrsi %squeeze3A_511, %shift_right_arithmetic3A_512 : i32
      %mul3A_514 = arith.constant 128 : i32
      %mul3A_515 = arith.muli %shift_right_arithmetic3A_513, %mul3A_514 : i32
      %multiple_of3A_516 = tpu.assume_multiple %mul3A_515, 128 : i32
      %dma_wait3A_517 = arith.constant 0 : i32
      %dma_wait3A_518 = arith.constant 3 : i32
      %dma_wait3A_519 = arith.constant 0 : i32
      %dma_wait3A_520 = arith.constant 0 : i32
      %dma_wait3A_521 = tpu.memref_slice %arg10[%dma_wait3A_517, %dma_wait3A_518, %dma_wait3A_519, %dma_wait3A_520] : memref<2x4x32x128xf32, #tpu.memory_space<vmem>> -> memref<1x1x32x128xf32, #tpu.memory_space<vmem>>
      %dma_wait3A_522 = tpu.memref_squeeze %dma_wait3A_521 : memref<1x1x32x128xf32, #tpu.memory_space<vmem>> -> memref<32x128xf32, #tpu.memory_space<vmem>>
      %dma_wait3A_523 = arith.constant 0 : i32
      %dma_wait3A_524 = tpu.memref_slice %arg4[%dma_wait3A_523, %multiple_of3A_509] : memref<32x1000000xf32, #tpu.memory_space<hbm>> -> memref<32x128xf32, #tpu.memory_space<hbm>>
      %dma_wait3A_525 = arith.constant 0 : i32
      %dma_wait3A_526 = arith.constant 0 : i32
      %dma_wait3A_527 = tpu.memref_slice %arg10[%dma_wait3A_517, %dma_wait3A_518, %dma_wait3A_525, %dma_wait3A_526] : memref<2x4x32x128xf32, #tpu.memory_space<vmem>> -> memref<1x1x32x128xf32, #tpu.memory_space<vmem>>
      %dma_wait3A_528 = tpu.memref_squeeze %dma_wait3A_527 : memref<1x1x32x128xf32, #tpu.memory_space<vmem>> -> memref<32x128xf32, #tpu.memory_space<vmem>>
      %dma_wait3A_529 = arith.constant 0 : i32
      %dma_wait3A_530 = tpu.memref_slice %arg4[%dma_wait3A_529, %multiple_of3A_509] : memref<32x1000000xf32, #tpu.memory_space<hbm>> -> memref<32x128xf32, #tpu.memory_space<hbm>>
      tpu.wait_dma2 semaphore(%arg14 : memref<!tpu.dma_semaphore, #tpu.memory_space<semaphore_mem>>) src(%dma_wait3A_530 : memref<32x128xf32, #tpu.memory_space<hbm>>) dst(%dma_wait3A_528 : memref<32x128xf32, #tpu.memory_space<vmem>>)
      %dma_wait3A_531 = arith.constant 0 : i32
      %dma_wait3A_532 = arith.constant 3 : i32
      %dma_wait3A_533 = arith.constant 0 : i32
      %dma_wait3A_534 = arith.constant 0 : i32
      %dma_wait3A_535 = tpu.memref_slice %arg11[%dma_wait3A_531, %dma_wait3A_532, %dma_wait3A_533, %dma_wait3A_534] : memref<2x4x32x128xf32, #tpu.memory_space<vmem>> -> memref<1x1x32x128xf32, #tpu.memory_space<vmem>>
      %dma_wait3A_536 = tpu.memref_squeeze %dma_wait3A_535 : memref<1x1x32x128xf32, #tpu.memory_space<vmem>> -> memref<32x128xf32, #tpu.memory_space<vmem>>
      %dma_wait3A_537 = arith.constant 0 : i32
      %dma_wait3A_538 = tpu.memref_slice %arg5[%dma_wait3A_537, %multiple_of3A_516] : memref<32x1000000xf32, #tpu.memory_space<hbm>> -> memref<32x128xf32, #tpu.memory_space<hbm>>
      %dma_wait3A_539 = arith.constant 0 : i32
      %dma_wait3A_540 = arith.constant 0 : i32
      %dma_wait3A_541 = tpu.memref_slice %arg11[%dma_wait3A_531, %dma_wait3A_532, %dma_wait3A_539, %dma_wait3A_540] : memref<2x4x32x128xf32, #tpu.memory_space<vmem>> -> memref<1x1x32x128xf32, #tpu.memory_space<vmem>>
      %dma_wait3A_542 = tpu.memref_squeeze %dma_wait3A_541 : memref<1x1x32x128xf32, #tpu.memory_space<vmem>> -> memref<32x128xf32, #tpu.memory_space<vmem>>
      %dma_wait3A_543 = arith.constant 0 : i32
      %dma_wait3A_544 = tpu.memref_slice %arg5[%dma_wait3A_543, %multiple_of3A_516] : memref<32x1000000xf32, #tpu.memory_space<hbm>> -> memref<32x128xf32, #tpu.memory_space<hbm>>
      tpu.wait_dma2 semaphore(%arg16 : memref<!tpu.dma_semaphore, #tpu.memory_space<semaphore_mem>>) src(%dma_wait3A_544 : memref<32x128xf32, #tpu.memory_space<hbm>>) dst(%dma_wait3A_542 : memref<32x128xf32, #tpu.memory_space<vmem>>)
      %jit3A = arith.constant 4 : i32
      %eq3A = arith.constant 0 : i32
      %eq3A_545 = arith.cmpi eq, %jit3A, %eq3A : i32
      %jit3A_546 = arith.constant 1 : i32
      %select_n3A = arith.select %eq3A_545, %jit3A_546, %jit3A : i32
      %rem3A = arith.remsi %mul3A_369, %select_n3A : i32
      %ne3A = arith.constant 0 : i32
      %ne3A_547 = arith.cmpi ne, %rem3A, %ne3A : i32
      %lt3A = arith.constant 0 : i32
      %lt3A_548 = arith.cmpi slt, %rem3A, %lt3A : i32
      %lt3A_549 = arith.constant 0 : i32
      %lt3A_550 = arith.cmpi slt, %select_n3A, %lt3A_549 : i32
      %ne3A_551 = arith.xori %lt3A_548, %lt3A_550 : i1
      %and3A = arith.andi %ne3A_551, %ne3A_547 : i1
      %add3A_552 = arith.addi %rem3A, %select_n3A : i32
      %select_n3A_553 = arith.select %and3A, %add3A_552, %rem3A : i32
      %mul3A_554 = arith.constant 4 : i32
      %mul3A_555 = arith.muli %select_n3A_553, %mul3A_554 : i32
      %slice3A_556 = vector.extract_strided_slice %get3A_373 {offsets = [0], sizes = [1], strides = [1]} : vector<16xi32> to vector<1xi32>
      %squeeze3A_557 = vector.extract %slice3A_556[0] : i32 from vector<1xi32>
      %and3A_558 = arith.constant 127 : i32
      %and3A_559 = arith.andi %squeeze3A_557, %and3A_558 : i32
      %broadcast_in_dim3A = vector.broadcast %and3A_559 : i32 to vector<16xi32>
      %slice3A_560 = vector.extract_strided_slice %get3A_377 {offsets = [0], sizes = [1], strides = [1]} : vector<16xi32> to vector<1xi32>
      %squeeze3A_561 = vector.extract %slice3A_560[0] : i32 from vector<1xi32>
      %and3A_562 = arith.constant 127 : i32
      %and3A_563 = arith.andi %squeeze3A_561, %and3A_562 : i32
      %broadcast_in_dim3A_564 = vector.broadcast %and3A_563 : i32 to vector<16xi32>
      %gather3A = arith.constant 0 : i32
      %gather3A_565 = arith.constant 0 : i32
      %gather3A_566 = arith.constant 0 : i32
      %gather3A_567 = arith.constant 0 : i32
      %gather3A_568 = tpu.memref_slice %arg10[%gather3A, %gather3A_565, %gather3A_566, %gather3A_567] : memref<2x4x32x128xf32, #tpu.memory_space<vmem>> -> memref<1x1x32x128xf32, #tpu.memory_space<vmem>>
      %gather3A_569 = tpu.memref_squeeze %gather3A_568 : memref<1x1x32x128xf32, #tpu.memory_space<vmem>> -> memref<32x128xf32, #tpu.memory_space<vmem>>
      %gather3A_570 = tpu.vector_load_idx %gather3A_569[%iota3A_8, %broadcast_in_dim3A] : memref<32x128xf32, #tpu.memory_space<vmem>>[vector<16xi32>, vector<16xi32>], vector<16xf32>,
      %gather3A_571 = arith.constant 0 : i32
      %gather3A_572 = arith.constant 0 : i32
      %gather3A_573 = arith.constant 0 : i32
      %gather3A_574 = arith.constant 0 : i32
      %gather3A_575 = tpu.memref_slice %arg10[%gather3A_571, %gather3A_572, %gather3A_573, %gather3A_574] : memref<2x4x32x128xf32, #tpu.memory_space<vmem>> -> memref<1x1x32x128xf32, #tpu.memory_space<vmem>>
      %gather3A_576 = tpu.memref_squeeze %gather3A_575 : memref<1x1x32x128xf32, #tpu.memory_space<vmem>> -> memref<32x128xf32, #tpu.memory_space<vmem>>
      %gather3A_577 = tpu.vector_load_idx %gather3A_576[%add3A_11, %broadcast_in_dim3A] : memref<32x128xf32, #tpu.memory_space<vmem>>[vector<16xi32>, vector<16xi32>], vector<16xf32>,
      %gather3A_578 = arith.constant 0 : i32
      %gather3A_579 = arith.constant 0 : i32
      %gather3A_580 = arith.constant 0 : i32
      %gather3A_581 = arith.constant 0 : i32
      %gather3A_582 = tpu.memref_slice %arg11[%gather3A_578, %gather3A_579, %gather3A_580, %gather3A_581] : memref<2x4x32x128xf32, #tpu.memory_space<vmem>> -> memref<1x1x32x128xf32, #tpu.memory_space<vmem>>
      %gather3A_583 = tpu.memref_squeeze %gather3A_582 : memref<1x1x32x128xf32, #tpu.memory_space<vmem>> -> memref<32x128xf32, #tpu.memory_space<vmem>>
      %gather3A_584 = tpu.vector_load_idx %gather3A_583[%iota3A_8, %broadcast_in_dim3A_564] : memref<32x128xf32, #tpu.memory_space<vmem>>[vector<16xi32>, vector<16xi32>], vector<16xf32>,
      %gather3A_585 = arith.constant 0 : i32
      %gather3A_586 = arith.constant 0 : i32
      %gather3A_587 = arith.constant 0 : i32
      %gather3A_588 = arith.constant 0 : i32
      %gather3A_589 = tpu.memref_slice %arg11[%gather3A_585, %gather3A_586, %gather3A_587, %gather3A_588] : memref<2x4x32x128xf32, #tpu.memory_space<vmem>> -> memref<1x1x32x128xf32, #tpu.memory_space<vmem>>
      %gather3A_590 = tpu.memref_squeeze %gather3A_589 : memref<1x1x32x128xf32, #tpu.memory_space<vmem>> -> memref<32x128xf32, #tpu.memory_space<vmem>>
      %gather3A_591 = tpu.vector_load_idx %gather3A_590[%add3A_11, %broadcast_in_dim3A_564] : memref<32x128xf32, #tpu.memory_space<vmem>>[vector<16xi32>, vector<16xi32>], vector<16xf32>,
      %mul3A_592 = arith.mulf %gather3A_570, %gather3A_584 : vector<16xf32>
      %mul3A_593 = arith.mulf %mul3A_592, %get3A_3 : vector<16xf32>
      %mul3A_594 = arith.mulf %gather3A_577, %gather3A_591 : vector<16xf32>
      %mul3A_595 = arith.mulf %mul3A_594, %get3A_5 : vector<16xf32>
      %add3A_596 = arith.addf %mul3A_593, %mul3A_595 : vector<16xf32>
      %reduce_sum3A = arith.constant true
      %reduce_sum3A_597 = vector.broadcast %reduce_sum3A : i1 to vector<16xi1>
      %reduce_sum3A_598 = tpu.scan <sum>, %add3A_596 masked %reduce_sum3A_597 : vector<16xf32>, vector<16xi1> -> vector<16xf32>
      %reduce_sum3A_599 = vector.extract %reduce_sum3A_598[15] : f32 from vector<16xf32>
      %add3A_600 = arith.addf %reduce_sum3A_599, %squeeze3A : f32
      %add3A_601 = arith.constant 0 : i32
      %add3A_602 = arith.addi %mul3A_555, %add3A_601 : i32
      %eq3A_603 = vector.broadcast %add3A_602 : i32 to vector<16xi32>
      %eq3A_604 = arith.cmpi eq, %iota3A, %eq3A_603 : vector<16xi32>
      %broadcast_in_dim3A_605 = vector.broadcast %add3A_600 : f32 to vector<16xf32>
      %select_n3A_606 = arith.select %eq3A_604, %broadcast_in_dim3A_605, %scan3A_187 : vector<16xi1>, vector<16xf32>
      %slice3A_607 = vector.extract_strided_slice %get3A_373 {offsets = [1], sizes = [1], strides = [1]} : vector<16xi32> to vector<1xi32>
      %squeeze3A_608 = vector.extract %slice3A_607[0] : i32 from vector<1xi32>
      %and3A_609 = arith.constant 127 : i32
      %and3A_610 = arith.andi %squeeze3A_608, %and3A_609 : i32
      %broadcast_in_dim3A_611 = vector.broadcast %and3A_610 : i32 to vector<16xi32>
      %slice3A_612 = vector.extract_strided_slice %get3A_377 {offsets = [1], sizes = [1], strides = [1]} : vector<16xi32> to vector<1xi32>
      %squeeze3A_613 = vector.extract %slice3A_612[0] : i32 from vector<1xi32>
      %and3A_614 = arith.constant 127 : i32
      %and3A_615 = arith.andi %squeeze3A_613, %and3A_614 : i32
      %broadcast_in_dim3A_616 = vector.broadcast %and3A_615 : i32 to vector<16xi32>
      %gather3A_617 = arith.constant 0 : i32
      %gather3A_618 = arith.constant 1 : i32
      %gather3A_619 = arith.constant 0 : i32
      %gather3A_620 = arith.constant 0 : i32
      %gather3A_621 = tpu.memref_slice %arg10[%gather3A_617, %gather3A_618, %gather3A_619, %gather3A_620] : memref<2x4x32x128xf32, #tpu.memory_space<vmem>> -> memref<1x1x32x128xf32, #tpu.memory_space<vmem>>
      %gather3A_622 = tpu.memref_squeeze %gather3A_621 : memref<1x1x32x128xf32, #tpu.memory_space<vmem>> -> memref<32x128xf32, #tpu.memory_space<vmem>>
      %gather3A_623 = tpu.vector_load_idx %gather3A_622[%iota3A_8, %broadcast_in_dim3A_611] : memref<32x128xf32, #tpu.memory_space<vmem>>[vector<16xi32>, vector<16xi32>], vector<16xf32>,
      %gather3A_624 = arith.constant 0 : i32
      %gather3A_625 = arith.constant 1 : i32
      %gather3A_626 = arith.constant 0 : i32
      %gather3A_627 = arith.constant 0 : i32
      %gather3A_628 = tpu.memref_slice %arg10[%gather3A_624, %gather3A_625, %gather3A_626, %gather3A_627] : memref<2x4x32x128xf32, #tpu.memory_space<vmem>> -> memref<1x1x32x128xf32, #tpu.memory_space<vmem>>
      %gather3A_629 = tpu.memref_squeeze %gather3A_628 : memref<1x1x32x128xf32, #tpu.memory_space<vmem>> -> memref<32x128xf32, #tpu.memory_space<vmem>>
      %gather3A_630 = tpu.vector_load_idx %gather3A_629[%add3A_11, %broadcast_in_dim3A_611] : memref<32x128xf32, #tpu.memory_space<vmem>>[vector<16xi32>, vector<16xi32>], vector<16xf32>,
      %gather3A_631 = arith.constant 0 : i32
      %gather3A_632 = arith.constant 1 : i32
      %gather3A_633 = arith.constant 0 : i32
      %gather3A_634 = arith.constant 0 : i32
      %gather3A_635 = tpu.memref_slice %arg11[%gather3A_631, %gather3A_632, %gather3A_633, %gather3A_634] : memref<2x4x32x128xf32, #tpu.memory_space<vmem>> -> memref<1x1x32x128xf32, #tpu.memory_space<vmem>>
      %gather3A_636 = tpu.memref_squeeze %gather3A_635 : memref<1x1x32x128xf32, #tpu.memory_space<vmem>> -> memref<32x128xf32, #tpu.memory_space<vmem>>
      %gather3A_637 = tpu.vector_load_idx %gather3A_636[%iota3A_8, %broadcast_in_dim3A_616] : memref<32x128xf32, #tpu.memory_space<vmem>>[vector<16xi32>, vector<16xi32>], vector<16xf32>,
      %gather3A_638 = arith.constant 0 : i32
      %gather3A_639 = arith.constant 1 : i32
      %gather3A_640 = arith.constant 0 : i32
      %gather3A_641 = arith.constant 0 : i32
      %gather3A_642 = tpu.memref_slice %arg11[%gather3A_638, %gather3A_639, %gather3A_640, %gather3A_641] : memref<2x4x32x128xf32, #tpu.memory_space<vmem>> -> memref<1x1x32x128xf32, #tpu.memory_space<vmem>>
      %gather3A_643 = tpu.memref_squeeze %gather3A_642 : memref<1x1x32x128xf32, #tpu.memory_space<vmem>> -> memref<32x128xf32, #tpu.memory_space<vmem>>
      %gather3A_644 = tpu.vector_load_idx %gather3A_643[%add3A_11, %broadcast_in_dim3A_616] : memref<32x128xf32, #tpu.memory_space<vmem>>[vector<16xi32>, vector<16xi32>], vector<16xf32>,
      %mul3A_645 = arith.mulf %gather3A_623, %gather3A_637 : vector<16xf32>
      %mul3A_646 = arith.mulf %mul3A_645, %get3A_3 : vector<16xf32>
      %mul3A_647 = arith.mulf %gather3A_630, %gather3A_644 : vector<16xf32>
      %mul3A_648 = arith.mulf %mul3A_647, %get3A_5 : vector<16xf32>
      %add3A_649 = arith.addf %mul3A_646, %mul3A_648 : vector<16xf32>
      %reduce_sum3A_650 = arith.constant true
      %reduce_sum3A_651 = vector.broadcast %reduce_sum3A_650 : i1 to vector<16xi1>
      %reduce_sum3A_652 = tpu.scan <sum>, %add3A_649 masked %reduce_sum3A_651 : vector<16xf32>, vector<16xi1> -> vector<16xf32>
      %reduce_sum3A_653 = vector.extract %reduce_sum3A_652[15] : f32 from vector<16xf32>
      %add3A_654 = arith.addf %reduce_sum3A_653, %squeeze3A : f32
      %add3A_655 = arith.constant 1 : i32
      %add3A_656 = arith.addi %mul3A_555, %add3A_655 : i32
      %eq3A_657 = vector.broadcast %add3A_656 : i32 to vector<16xi32>
      %eq3A_658 = arith.cmpi eq, %iota3A, %eq3A_657 : vector<16xi32>
      %broadcast_in_dim3A_659 = vector.broadcast %add3A_654 : f32 to vector<16xf32>
      %select_n3A_660 = arith.select %eq3A_658, %broadcast_in_dim3A_659, %select_n3A_606 : vector<16xi1>, vector<16xf32>
      %slice3A_661 = vector.extract_strided_slice %get3A_373 {offsets = [2], sizes = [1], strides = [1]} : vector<16xi32> to vector<1xi32>
      %squeeze3A_662 = vector.extract %slice3A_661[0] : i32 from vector<1xi32>
      %and3A_663 = arith.constant 127 : i32
      %and3A_664 = arith.andi %squeeze3A_662, %and3A_663 : i32
      %broadcast_in_dim3A_665 = vector.broadcast %and3A_664 : i32 to vector<16xi32>
      %slice3A_666 = vector.extract_strided_slice %get3A_377 {offsets = [2], sizes = [1], strides = [1]} : vector<16xi32> to vector<1xi32>
      %squeeze3A_667 = vector.extract %slice3A_666[0] : i32 from vector<1xi32>
      %and3A_668 = arith.constant 127 : i32
      %and3A_669 = arith.andi %squeeze3A_667, %and3A_668 : i32
      %broadcast_in_dim3A_670 = vector.broadcast %and3A_669 : i32 to vector<16xi32>
      %gather3A_671 = arith.constant 0 : i32
      %gather3A_672 = arith.constant 2 : i32
      %gather3A_673 = arith.constant 0 : i32
      %gather3A_674 = arith.constant 0 : i32
      %gather3A_675 = tpu.memref_slice %arg10[%gather3A_671, %gather3A_672, %gather3A_673, %gather3A_674] : memref<2x4x32x128xf32, #tpu.memory_space<vmem>> -> memref<1x1x32x128xf32, #tpu.memory_space<vmem>>
      %gather3A_676 = tpu.memref_squeeze %gather3A_675 : memref<1x1x32x128xf32, #tpu.memory_space<vmem>> -> memref<32x128xf32, #tpu.memory_space<vmem>>
      %gather3A_677 = tpu.vector_load_idx %gather3A_676[%iota3A_8, %broadcast_in_dim3A_665] : memref<32x128xf32, #tpu.memory_space<vmem>>[vector<16xi32>, vector<16xi32>], vector<16xf32>,
      %gather3A_678 = arith.constant 0 : i32
      %gather3A_679 = arith.constant 2 : i32
      %gather3A_680 = arith.constant 0 : i32
      %gather3A_681 = arith.constant 0 : i32
      %gather3A_682 = tpu.memref_slice %arg10[%gather3A_678, %gather3A_679, %gather3A_680, %gather3A_681] : memref<2x4x32x128xf32, #tpu.memory_space<vmem>> -> memref<1x1x32x128xf32, #tpu.memory_space<vmem>>
      %gather3A_683 = tpu.memref_squeeze %gather3A_682 : memref<1x1x32x128xf32, #tpu.memory_space<vmem>> -> memref<32x128xf32, #tpu.memory_space<vmem>>
      %gather3A_684 = tpu.vector_load_idx %gather3A_683[%add3A_11, %broadcast_in_dim3A_665] : memref<32x128xf32, #tpu.memory_space<vmem>>[vector<16xi32>, vector<16xi32>], vector<16xf32>,
      %gather3A_685 = arith.constant 0 : i32
      %gather3A_686 = arith.constant 2 : i32
      %gather3A_687 = arith.constant 0 : i32
      %gather3A_688 = arith.constant 0 : i32
      %gather3A_689 = tpu.memref_slice %arg11[%gather3A_685, %gather3A_686, %gather3A_687, %gather3A_688] : memref<2x4x32x128xf32, #tpu.memory_space<vmem>> -> memref<1x1x32x128xf32, #tpu.memory_space<vmem>>
      %gather3A_690 = tpu.memref_squeeze %gather3A_689 : memref<1x1x32x128xf32, #tpu.memory_space<vmem>> -> memref<32x128xf32, #tpu.memory_space<vmem>>
      %gather3A_691 = tpu.vector_load_idx %gather3A_690[%iota3A_8, %broadcast_in_dim3A_670] : memref<32x128xf32, #tpu.memory_space<vmem>>[vector<16xi32>, vector<16xi32>], vector<16xf32>,
      %gather3A_692 = arith.constant 0 : i32
      %gather3A_693 = arith.constant 2 : i32
      %gather3A_694 = arith.constant 0 : i32
      %gather3A_695 = arith.constant 0 : i32
      %gather3A_696 = tpu.memref_slice %arg11[%gather3A_692, %gather3A_693, %gather3A_694, %gather3A_695] : memref<2x4x32x128xf32, #tpu.memory_space<vmem>> -> memref<1x1x32x128xf32, #tpu.memory_space<vmem>>
      %gather3A_697 = tpu.memref_squeeze %gather3A_696 : memref<1x1x32x128xf32, #tpu.memory_space<vmem>> -> memref<32x128xf32, #tpu.memory_space<vmem>>
      %gather3A_698 = tpu.vector_load_idx %gather3A_697[%add3A_11, %broadcast_in_dim3A_670] : memref<32x128xf32, #tpu.memory_space<vmem>>[vector<16xi32>, vector<16xi32>], vector<16xf32>,
      %mul3A_699 = arith.mulf %gather3A_677, %gather3A_691 : vector<16xf32>
      %mul3A_700 = arith.mulf %mul3A_699, %get3A_3 : vector<16xf32>
      %mul3A_701 = arith.mulf %gather3A_684, %gather3A_698 : vector<16xf32>
      %mul3A_702 = arith.mulf %mul3A_701, %get3A_5 : vector<16xf32>
      %add3A_703 = arith.addf %mul3A_700, %mul3A_702 : vector<16xf32>
      %reduce_sum3A_704 = arith.constant true
      %reduce_sum3A_705 = vector.broadcast %reduce_sum3A_704 : i1 to vector<16xi1>
      %reduce_sum3A_706 = tpu.scan <sum>, %add3A_703 masked %reduce_sum3A_705 : vector<16xf32>, vector<16xi1> -> vector<16xf32>
      %reduce_sum3A_707 = vector.extract %reduce_sum3A_706[15] : f32 from vector<16xf32>
      %add3A_708 = arith.addf %reduce_sum3A_707, %squeeze3A : f32
      %add3A_709 = arith.constant 2 : i32
      %add3A_710 = arith.addi %mul3A_555, %add3A_709 : i32
      %eq3A_711 = vector.broadcast %add3A_710 : i32 to vector<16xi32>
      %eq3A_712 = arith.cmpi eq, %iota3A, %eq3A_711 : vector<16xi32>
      %broadcast_in_dim3A_713 = vector.broadcast %add3A_708 : f32 to vector<16xf32>
      %select_n3A_714 = arith.select %eq3A_712, %broadcast_in_dim3A_713, %select_n3A_660 : vector<16xi1>, vector<16xf32>
      %slice3A_715 = vector.extract_strided_slice %get3A_373 {offsets = [3], sizes = [1], strides = [1]} : vector<16xi32> to vector<1xi32>
      %squeeze3A_716 = vector.extract %slice3A_715[0] : i32 from vector<1xi32>
      %and3A_717 = arith.constant 127 : i32
      %and3A_718 = arith.andi %squeeze3A_716, %and3A_717 : i32
      %broadcast_in_dim3A_719 = vector.broadcast %and3A_718 : i32 to vector<16xi32>
      %slice3A_720 = vector.extract_strided_slice %get3A_377 {offsets = [3], sizes = [1], strides = [1]} : vector<16xi32> to vector<1xi32>
      %squeeze3A_721 = vector.extract %slice3A_720[0] : i32 from vector<1xi32>
      %and3A_722 = arith.constant 127 : i32
      %and3A_723 = arith.andi %squeeze3A_721, %and3A_722 : i32
      %broadcast_in_dim3A_724 = vector.broadcast %and3A_723 : i32 to vector<16xi32>
      %gather3A_725 = arith.constant 0 : i32
      %gather3A_726 = arith.constant 3 : i32
      %gather3A_727 = arith.constant 0 : i32
      %gather3A_728 = arith.constant 0 : i32
      %gather3A_729 = tpu.memref_slice %arg10[%gather3A_725, %gather3A_726, %gather3A_727, %gather3A_728] : memref<2x4x32x128xf32, #tpu.memory_space<vmem>> -> memref<1x1x32x128xf32, #tpu.memory_space<vmem>>
      %gather3A_730 = tpu.memref_squeeze %gather3A_729 : memref<1x1x32x128xf32, #tpu.memory_space<vmem>> -> memref<32x128xf32, #tpu.memory_space<vmem>>
      %gather3A_731 = tpu.vector_load_idx %gather3A_730[%iota3A_8, %broadcast_in_dim3A_719] : memref<32x128xf32, #tpu.memory_space<vmem>>[vector<16xi32>, vector<16xi32>], vector<16xf32>,
      %gather3A_732 = arith.constant 0 : i32
      %gather3A_733 = arith.constant 3 : i32
      %gather3A_734 = arith.constant 0 : i32
      %gather3A_735 = arith.constant 0 : i32
      %gather3A_736 = tpu.memref_slice %arg10[%gather3A_732, %gather3A_733, %gather3A_734, %gather3A_735] : memref<2x4x32x128xf32, #tpu.memory_space<vmem>> -> memref<1x1x32x128xf32, #tpu.memory_space<vmem>>
      %gather3A_737 = tpu.memref_squeeze %gather3A_736 : memref<1x1x32x128xf32, #tpu.memory_space<vmem>> -> memref<32x128xf32, #tpu.memory_space<vmem>>
      %gather3A_738 = tpu.vector_load_idx %gather3A_737[%add3A_11, %broadcast_in_dim3A_719] : memref<32x128xf32, #tpu.memory_space<vmem>>[vector<16xi32>, vector<16xi32>], vector<16xf32>,
      %gather3A_739 = arith.constant 0 : i32
      %gather3A_740 = arith.constant 3 : i32
      %gather3A_741 = arith.constant 0 : i32
      %gather3A_742 = arith.constant 0 : i32
      %gather3A_743 = tpu.memref_slice %arg11[%gather3A_739, %gather3A_740, %gather3A_741, %gather3A_742] : memref<2x4x32x128xf32, #tpu.memory_space<vmem>> -> memref<1x1x32x128xf32, #tpu.memory_space<vmem>>
      %gather3A_744 = tpu.memref_squeeze %gather3A_743 : memref<1x1x32x128xf32, #tpu.memory_space<vmem>> -> memref<32x128xf32, #tpu.memory_space<vmem>>
      %gather3A_745 = tpu.vector_load_idx %gather3A_744[%iota3A_8, %broadcast_in_dim3A_724] : memref<32x128xf32, #tpu.memory_space<vmem>>[vector<16xi32>, vector<16xi32>], vector<16xf32>,
      %gather3A_746 = arith.constant 0 : i32
      %gather3A_747 = arith.constant 3 : i32
      %gather3A_748 = arith.constant 0 : i32
      %gather3A_749 = arith.constant 0 : i32
      %gather3A_750 = tpu.memref_slice %arg11[%gather3A_746, %gather3A_747, %gather3A_748, %gather3A_749] : memref<2x4x32x128xf32, #tpu.memory_space<vmem>> -> memref<1x1x32x128xf32, #tpu.memory_space<vmem>>
      %gather3A_751 = tpu.memref_squeeze %gather3A_750 : memref<1x1x32x128xf32, #tpu.memory_space<vmem>> -> memref<32x128xf32, #tpu.memory_space<vmem>>
      %gather3A_752 = tpu.vector_load_idx %gather3A_751[%add3A_11, %broadcast_in_dim3A_724] : memref<32x128xf32, #tpu.memory_space<vmem>>[vector<16xi32>, vector<16xi32>], vector<16xf32>,
      %mul3A_753 = arith.mulf %gather3A_731, %gather3A_745 : vector<16xf32>
      %mul3A_754 = arith.mulf %mul3A_753, %get3A_3 : vector<16xf32>
      %mul3A_755 = arith.mulf %gather3A_738, %gather3A_752 : vector<16xf32>
      %mul3A_756 = arith.mulf %mul3A_755, %get3A_5 : vector<16xf32>
      %add3A_757 = arith.addf %mul3A_754, %mul3A_756 : vector<16xf32>
      %reduce_sum3A_758 = arith.constant true
      %reduce_sum3A_759 = vector.broadcast %reduce_sum3A_758 : i1 to vector<16xi1>
      %reduce_sum3A_760 = tpu.scan <sum>, %add3A_757 masked %reduce_sum3A_759 : vector<16xf32>, vector<16xi1> -> vector<16xf32>
      %reduce_sum3A_761 = vector.extract %reduce_sum3A_760[15] : f32 from vector<16xf32>
      %add3A_762 = arith.addf %reduce_sum3A_761, %squeeze3A : f32
      %add3A_763 = arith.constant 3 : i32
      %add3A_764 = arith.addi %mul3A_555, %add3A_763 : i32
      %eq3A_765 = vector.broadcast %add3A_764 : i32 to vector<16xi32>
      %eq3A_766 = arith.cmpi eq, %iota3A, %eq3A_765 : vector<16xi32>
      %broadcast_in_dim3A_767 = vector.broadcast %add3A_762 : f32 to vector<16xf32>
      %select_n3A_768 = arith.select %eq3A_766, %broadcast_in_dim3A_767, %select_n3A_714 : vector<16xi1>, vector<16xf32>
      %lt3A_769 = arith.constant 63 : i32
      %lt3A_770 = arith.cmpi slt, %scan3A_186, %lt3A_769 : i32
      %convert_element_type3A = arith.extui %lt3A_770 : i1 to i32
      %cond3A = arith.constant 0 : i32
      %cond3A_771 = arith.cmpi ne, %convert_element_type3A, %cond3A : i32
      scf.if %cond3A_771 {
        %mul3A_1207 = arith.constant 2 : i32
        %mul3A_1208 = arith.muli %mul3A_1207, %scan3A_186 : i32
        %add3A_1209 = arith.constant 2 : i32
        %add3A_1210 = arith.addi %mul3A_1208, %add3A_1209 : i32
        %mul3A_1211 = arith.constant 4 : i32
        %mul3A_1212 = arith.muli %add3A_1210, %mul3A_1211 : i32
        %get3A_1213 = arith.index_cast %mul3A_1212 : i32 to index
        %get3A_1214 = tpu.vector_load %arg8[%get3A_1213] {strides = array<i32>} : memref<528xi32, #tpu.memory_space<vmem>>, vector<16xi32>,
        %mul3A_1215 = arith.constant 4 : i32
        %mul3A_1216 = arith.muli %add3A_1210, %mul3A_1215 : i32
        %get3A_1217 = arith.index_cast %mul3A_1216 : i32 to index
        %get3A_1218 = tpu.vector_load %arg9[%get3A_1217] {strides = array<i32>} : memref<528xi32, #tpu.memory_space<vmem>>, vector<16xi32>,
        %slice3A_1219 = vector.extract_strided_slice %get3A_1214 {offsets = [0], sizes = [1], strides = [1]} : vector<16xi32> to vector<1xi32>
        %squeeze3A_1220 = vector.extract %slice3A_1219[0] : i32 from vector<1xi32>
        %shift_right_arithmetic3A_1221 = arith.constant 7 : i32
        %shift_right_arithmetic3A_1222 = arith.shrsi %squeeze3A_1220, %shift_right_arithmetic3A_1221 : i32
        %mul3A_1223 = arith.constant 128 : i32
        %mul3A_1224 = arith.muli %shift_right_arithmetic3A_1222, %mul3A_1223 : i32
        %multiple_of3A_1225 = tpu.assume_multiple %mul3A_1224, 128 : i32
        %slice3A_1226 = vector.extract_strided_slice %get3A_1218 {offsets = [0], sizes = [1], strides = [1]} : vector<16xi32> to vector<1xi32>
        %squeeze3A_1227 = vector.extract %slice3A_1226[0] : i32 from vector<1xi32>
        %shift_right_arithmetic3A_1228 = arith.constant 7 : i32
        %shift_right_arithmetic3A_1229 = arith.shrsi %squeeze3A_1227, %shift_right_arithmetic3A_1228 : i32
        %mul3A_1230 = arith.constant 128 : i32
        %mul3A_1231 = arith.muli %shift_right_arithmetic3A_1229, %mul3A_1230 : i32
        %multiple_of3A_1232 = tpu.assume_multiple %mul3A_1231, 128 : i32
        %dma_start3A_1233 = arith.constant 0 : i32
        %dma_start3A_1234 = arith.constant 0 : i32
        %dma_start3A_1235 = arith.constant 0 : i32
        %dma_start3A_1236 = arith.constant 0 : i32
        %dma_start3A_1237 = tpu.memref_slice %arg10[%dma_start3A_1233, %dma_start3A_1234, %dma_start3A_1235, %dma_start3A_1236] : memref<2x4x32x128xf32, #tpu.memory_space<vmem>> -> memref<1x1x32x128xf32, #tpu.memory_space<vmem>>
        %dma_start3A_1238 = tpu.memref_squeeze %dma_start3A_1237 : memref<1x1x32x128xf32, #tpu.memory_space<vmem>> -> memref<32x128xf32, #tpu.memory_space<vmem>>
        %dma_start3A_1239 = arith.constant 0 : i32
        %dma_start3A_1240 = tpu.memref_slice %arg4[%dma_start3A_1239, %multiple_of3A_1225] : memref<32x1000000xf32, #tpu.memory_space<hbm>> -> memref<32x128xf32, #tpu.memory_space<hbm>>
        %dma_start3A_1241 = arith.constant 0 : i32
        %dma_start3A_1242 = arith.constant 0 : i32
        %dma_start3A_1243 = tpu.memref_slice %arg10[%dma_start3A_1233, %dma_start3A_1234, %dma_start3A_1241, %dma_start3A_1242] : memref<2x4x32x128xf32, #tpu.memory_space<vmem>> -> memref<1x1x32x128xf32, #tpu.memory_space<vmem>>
        %dma_start3A_1244 = tpu.memref_squeeze %dma_start3A_1243 : memref<1x1x32x128xf32, #tpu.memory_space<vmem>> -> memref<32x128xf32, #tpu.memory_space<vmem>>
        %dma_start3A_1245 = arith.constant 0 : i32
        %dma_start3A_1246 = tpu.memref_slice %arg4[%dma_start3A_1245, %multiple_of3A_1225] : memref<32x1000000xf32, #tpu.memory_space<hbm>> -> memref<32x128xf32, #tpu.memory_space<hbm>>
        tpu.enqueue_dma source(%dma_start3A_1246 : memref<32x128xf32, #tpu.memory_space<hbm>>) target(%dma_start3A_1244 : memref<32x128xf32, #tpu.memory_space<vmem>>) target_semaphore(%arg14 : memref<!tpu.dma_semaphore, #tpu.memory_space<semaphore_mem>>)
        %dma_start3A_1247 = arith.constant 0 : i32
        %dma_start3A_1248 = arith.constant 0 : i32
        %dma_start3A_1249 = arith.constant 0 : i32
        %dma_start3A_1250 = arith.constant 0 : i32
        %dma_start3A_1251 = tpu.memref_slice %arg11[%dma_start3A_1247, %dma_start3A_1248, %dma_start3A_1249, %dma_start3A_1250] : memref<2x4x32x128xf32, #tpu.memory_space<vmem>> -> memref<1x1x32x128xf32, #tpu.memory_space<vmem>>
        %dma_start3A_1252 = tpu.memref_squeeze %dma_start3A_1251 : memref<1x1x32x128xf32, #tpu.memory_space<vmem>> -> memref<32x128xf32, #tpu.memory_space<vmem>>
        %dma_start3A_1253 = arith.constant 0 : i32
        %dma_start3A_1254 = tpu.memref_slice %arg5[%dma_start3A_1253, %multiple_of3A_1232] : memref<32x1000000xf32, #tpu.memory_space<hbm>> -> memref<32x128xf32, #tpu.memory_space<hbm>>
        %dma_start3A_1255 = arith.constant 0 : i32
        %dma_start3A_1256 = arith.constant 0 : i32
        %dma_start3A_1257 = tpu.memref_slice %arg11[%dma_start3A_1247, %dma_start3A_1248, %dma_start3A_1255, %dma_start3A_1256] : memref<2x4x32x128xf32, #tpu.memory_space<vmem>> -> memref<1x1x32x128xf32, #tpu.memory_space<vmem>>
        %dma_start3A_1258 = tpu.memref_squeeze %dma_start3A_1257 : memref<1x1x32x128xf32, #tpu.memory_space<vmem>> -> memref<32x128xf32, #tpu.memory_space<vmem>>
        %dma_start3A_1259 = arith.constant 0 : i32
        %dma_start3A_1260 = tpu.memref_slice %arg5[%dma_start3A_1259, %multiple_of3A_1232] : memref<32x1000000xf32, #tpu.memory_space<hbm>> -> memref<32x128xf32, #tpu.memory_space<hbm>>
        tpu.enqueue_dma source(%dma_start3A_1260 : memref<32x128xf32, #tpu.memory_space<hbm>>) target(%dma_start3A_1258 : memref<32x128xf32, #tpu.memory_space<vmem>>) target_semaphore(%arg16 : memref<!tpu.dma_semaphore, #tpu.memory_space<semaphore_mem>>)
        %slice3A_1261 = vector.extract_strided_slice %get3A_1214 {offsets = [1], sizes = [1], strides = [1]} : vector<16xi32> to vector<1xi32>
        %squeeze3A_1262 = vector.extract %slice3A_1261[0] : i32 from vector<1xi32>
        %shift_right_arithmetic3A_1263 = arith.constant 7 : i32
        %shift_right_arithmetic3A_1264 = arith.shrsi %squeeze3A_1262, %shift_right_arithmetic3A_1263 : i32
        %mul3A_1265 = arith.constant 128 : i32
        %mul3A_1266 = arith.muli %shift_right_arithmetic3A_1264, %mul3A_1265 : i32
        %multiple_of3A_1267 = tpu.assume_multiple %mul3A_1266, 128 : i32
        %slice3A_1268 = vector.extract_strided_slice %get3A_1218 {offsets = [1], sizes = [1], strides = [1]} : vector<16xi32> to vector<1xi32>
        %squeeze3A_1269 = vector.extract %slice3A_1268[0] : i32 from vector<1xi32>
        %shift_right_arithmetic3A_1270 = arith.constant 7 : i32
        %shift_right_arithmetic3A_1271 = arith.shrsi %squeeze3A_1269, %shift_right_arithmetic3A_1270 : i32
        %mul3A_1272 = arith.constant 128 : i32
        %mul3A_1273 = arith.muli %shift_right_arithmetic3A_1271, %mul3A_1272 : i32
        %multiple_of3A_1274 = tpu.assume_multiple %mul3A_1273, 128 : i32
        %dma_start3A_1275 = arith.constant 0 : i32
        %dma_start3A_1276 = arith.constant 1 : i32
        %dma_start3A_1277 = arith.constant 0 : i32
        %dma_start3A_1278 = arith.constant 0 : i32
        %dma_start3A_1279 = tpu.memref_slice %arg10[%dma_start3A_1275, %dma_start3A_1276, %dma_start3A_1277, %dma_start3A_1278] : memref<2x4x32x128xf32, #tpu.memory_space<vmem>> -> memref<1x1x32x128xf32, #tpu.memory_space<vmem>>
        %dma_start3A_1280 = tpu.memref_squeeze %dma_start3A_1279 : memref<1x1x32x128xf32, #tpu.memory_space<vmem>> -> memref<32x128xf32, #tpu.memory_space<vmem>>
        %dma_start3A_1281 = arith.constant 0 : i32
        %dma_start3A_1282 = tpu.memref_slice %arg4[%dma_start3A_1281, %multiple_of3A_1267] : memref<32x1000000xf32, #tpu.memory_space<hbm>> -> memref<32x128xf32, #tpu.memory_space<hbm>>
        %dma_start3A_1283 = arith.constant 0 : i32
        %dma_start3A_1284 = arith.constant 0 : i32
        %dma_start3A_1285 = tpu.memref_slice %arg10[%dma_start3A_1275, %dma_start3A_1276, %dma_start3A_1283, %dma_start3A_1284] : memref<2x4x32x128xf32, #tpu.memory_space<vmem>> -> memref<1x1x32x128xf32, #tpu.memory_space<vmem>>
        %dma_start3A_1286 = tpu.memref_squeeze %dma_start3A_1285 : memref<1x1x32x128xf32, #tpu.memory_space<vmem>> -> memref<32x128xf32, #tpu.memory_space<vmem>>
        %dma_start3A_1287 = arith.constant 0 : i32
        %dma_start3A_1288 = tpu.memref_slice %arg4[%dma_start3A_1287, %multiple_of3A_1267] : memref<32x1000000xf32, #tpu.memory_space<hbm>> -> memref<32x128xf32, #tpu.memory_space<hbm>>
        tpu.enqueue_dma source(%dma_start3A_1288 : memref<32x128xf32, #tpu.memory_space<hbm>>) target(%dma_start3A_1286 : memref<32x128xf32, #tpu.memory_space<vmem>>) target_semaphore(%arg14 : memref<!tpu.dma_semaphore, #tpu.memory_space<semaphore_mem>>)
        %dma_start3A_1289 = arith.constant 0 : i32
        %dma_start3A_1290 = arith.constant 1 : i32
        %dma_start3A_1291 = arith.constant 0 : i32
        %dma_start3A_1292 = arith.constant 0 : i32
        %dma_start3A_1293 = tpu.memref_slice %arg11[%dma_start3A_1289, %dma_start3A_1290, %dma_start3A_1291, %dma_start3A_1292] : memref<2x4x32x128xf32, #tpu.memory_space<vmem>> -> memref<1x1x32x128xf32, #tpu.memory_space<vmem>>
        %dma_start3A_1294 = tpu.memref_squeeze %dma_start3A_1293 : memref<1x1x32x128xf32, #tpu.memory_space<vmem>> -> memref<32x128xf32, #tpu.memory_space<vmem>>
        %dma_start3A_1295 = arith.constant 0 : i32
        %dma_start3A_1296 = tpu.memref_slice %arg5[%dma_start3A_1295, %multiple_of3A_1274] : memref<32x1000000xf32, #tpu.memory_space<hbm>> -> memref<32x128xf32, #tpu.memory_space<hbm>>
        %dma_start3A_1297 = arith.constant 0 : i32
        %dma_start3A_1298 = arith.constant 0 : i32
        %dma_start3A_1299 = tpu.memref_slice %arg11[%dma_start3A_1289, %dma_start3A_1290, %dma_start3A_1297, %dma_start3A_1298] : memref<2x4x32x128xf32, #tpu.memory_space<vmem>> -> memref<1x1x32x128xf32, #tpu.memory_space<vmem>>
        %dma_start3A_1300 = tpu.memref_squeeze %dma_start3A_1299 : memref<1x1x32x128xf32, #tpu.memory_space<vmem>> -> memref<32x128xf32, #tpu.memory_space<vmem>>
        %dma_start3A_1301 = arith.constant 0 : i32
        %dma_start3A_1302 = tpu.memref_slice %arg5[%dma_start3A_1301, %multiple_of3A_1274] : memref<32x1000000xf32, #tpu.memory_space<hbm>> -> memref<32x128xf32, #tpu.memory_space<hbm>>
        tpu.enqueue_dma source(%dma_start3A_1302 : memref<32x128xf32, #tpu.memory_space<hbm>>) target(%dma_start3A_1300 : memref<32x128xf32, #tpu.memory_space<vmem>>) target_semaphore(%arg16 : memref<!tpu.dma_semaphore, #tpu.memory_space<semaphore_mem>>)
        %slice3A_1303 = vector.extract_strided_slice %get3A_1214 {offsets = [2], sizes = [1], strides = [1]} : vector<16xi32> to vector<1xi32>
        %squeeze3A_1304 = vector.extract %slice3A_1303[0] : i32 from vector<1xi32>
        %shift_right_arithmetic3A_1305 = arith.constant 7 : i32
        %shift_right_arithmetic3A_1306 = arith.shrsi %squeeze3A_1304, %shift_right_arithmetic3A_1305 : i32
        %mul3A_1307 = arith.constant 128 : i32
        %mul3A_1308 = arith.muli %shift_right_arithmetic3A_1306, %mul3A_1307 : i32
        %multiple_of3A_1309 = tpu.assume_multiple %mul3A_1308, 128 : i32
        %slice3A_1310 = vector.extract_strided_slice %get3A_1218 {offsets = [2], sizes = [1], strides = [1]} : vector<16xi32> to vector<1xi32>
        %squeeze3A_1311 = vector.extract %slice3A_1310[0] : i32 from vector<1xi32>
        %shift_right_arithmetic3A_1312 = arith.constant 7 : i32
        %shift_right_arithmetic3A_1313 = arith.shrsi %squeeze3A_1311, %shift_right_arithmetic3A_1312 : i32
        %mul3A_1314 = arith.constant 128 : i32
        %mul3A_1315 = arith.muli %shift_right_arithmetic3A_1313, %mul3A_1314 : i32
        %multiple_of3A_1316 = tpu.assume_multiple %mul3A_1315, 128 : i32
        %dma_start3A_1317 = arith.constant 0 : i32
        %dma_start3A_1318 = arith.constant 2 : i32
        %dma_start3A_1319 = arith.constant 0 : i32
        %dma_start3A_1320 = arith.constant 0 : i32
        %dma_start3A_1321 = tpu.memref_slice %arg10[%dma_start3A_1317, %dma_start3A_1318, %dma_start3A_1319, %dma_start3A_1320] : memref<2x4x32x128xf32, #tpu.memory_space<vmem>> -> memref<1x1x32x128xf32, #tpu.memory_space<vmem>>
        %dma_start3A_1322 = tpu.memref_squeeze %dma_start3A_1321 : memref<1x1x32x128xf32, #tpu.memory_space<vmem>> -> memref<32x128xf32, #tpu.memory_space<vmem>>
        %dma_start3A_1323 = arith.constant 0 : i32
        %dma_start3A_1324 = tpu.memref_slice %arg4[%dma_start3A_1323, %multiple_of3A_1309] : memref<32x1000000xf32, #tpu.memory_space<hbm>> -> memref<32x128xf32, #tpu.memory_space<hbm>>
        %dma_start3A_1325 = arith.constant 0 : i32
        %dma_start3A_1326 = arith.constant 0 : i32
        %dma_start3A_1327 = tpu.memref_slice %arg10[%dma_start3A_1317, %dma_start3A_1318, %dma_start3A_1325, %dma_start3A_1326] : memref<2x4x32x128xf32, #tpu.memory_space<vmem>> -> memref<1x1x32x128xf32, #tpu.memory_space<vmem>>
        %dma_start3A_1328 = tpu.memref_squeeze %dma_start3A_1327 : memref<1x1x32x128xf32, #tpu.memory_space<vmem>> -> memref<32x128xf32, #tpu.memory_space<vmem>>
        %dma_start3A_1329 = arith.constant 0 : i32
        %dma_start3A_1330 = tpu.memref_slice %arg4[%dma_start3A_1329, %multiple_of3A_1309] : memref<32x1000000xf32, #tpu.memory_space<hbm>> -> memref<32x128xf32, #tpu.memory_space<hbm>>
        tpu.enqueue_dma source(%dma_start3A_1330 : memref<32x128xf32, #tpu.memory_space<hbm>>) target(%dma_start3A_1328 : memref<32x128xf32, #tpu.memory_space<vmem>>) target_semaphore(%arg14 : memref<!tpu.dma_semaphore, #tpu.memory_space<semaphore_mem>>)
        %dma_start3A_1331 = arith.constant 0 : i32
        %dma_start3A_1332 = arith.constant 2 : i32
        %dma_start3A_1333 = arith.constant 0 : i32
        %dma_start3A_1334 = arith.constant 0 : i32
        %dma_start3A_1335 = tpu.memref_slice %arg11[%dma_start3A_1331, %dma_start3A_1332, %dma_start3A_1333, %dma_start3A_1334] : memref<2x4x32x128xf32, #tpu.memory_space<vmem>> -> memref<1x1x32x128xf32, #tpu.memory_space<vmem>>
        %dma_start3A_1336 = tpu.memref_squeeze %dma_start3A_1335 : memref<1x1x32x128xf32, #tpu.memory_space<vmem>> -> memref<32x128xf32, #tpu.memory_space<vmem>>
        %dma_start3A_1337 = arith.constant 0 : i32
        %dma_start3A_1338 = tpu.memref_slice %arg5[%dma_start3A_1337, %multiple_of3A_1316] : memref<32x1000000xf32, #tpu.memory_space<hbm>> -> memref<32x128xf32, #tpu.memory_space<hbm>>
        %dma_start3A_1339 = arith.constant 0 : i32
        %dma_start3A_1340 = arith.constant 0 : i32
        %dma_start3A_1341 = tpu.memref_slice %arg11[%dma_start3A_1331, %dma_start3A_1332, %dma_start3A_1339, %dma_start3A_1340] : memref<2x4x32x128xf32, #tpu.memory_space<vmem>> -> memref<1x1x32x128xf32, #tpu.memory_space<vmem>>
        %dma_start3A_1342 = tpu.memref_squeeze %dma_start3A_1341 : memref<1x1x32x128xf32, #tpu.memory_space<vmem>> -> memref<32x128xf32, #tpu.memory_space<vmem>>
        %dma_start3A_1343 = arith.constant 0 : i32
        %dma_start3A_1344 = tpu.memref_slice %arg5[%dma_start3A_1343, %multiple_of3A_1316] : memref<32x1000000xf32, #tpu.memory_space<hbm>> -> memref<32x128xf32, #tpu.memory_space<hbm>>
        tpu.enqueue_dma source(%dma_start3A_1344 : memref<32x128xf32, #tpu.memory_space<hbm>>) target(%dma_start3A_1342 : memref<32x128xf32, #tpu.memory_space<vmem>>) target_semaphore(%arg16 : memref<!tpu.dma_semaphore, #tpu.memory_space<semaphore_mem>>)
        %slice3A_1345 = vector.extract_strided_slice %get3A_1214 {offsets = [3], sizes = [1], strides = [1]} : vector<16xi32> to vector<1xi32>
        %squeeze3A_1346 = vector.extract %slice3A_1345[0] : i32 from vector<1xi32>
        %shift_right_arithmetic3A_1347 = arith.constant 7 : i32
        %shift_right_arithmetic3A_1348 = arith.shrsi %squeeze3A_1346, %shift_right_arithmetic3A_1347 : i32
        %mul3A_1349 = arith.constant 128 : i32
        %mul3A_1350 = arith.muli %shift_right_arithmetic3A_1348, %mul3A_1349 : i32
        %multiple_of3A_1351 = tpu.assume_multiple %mul3A_1350, 128 : i32
        %slice3A_1352 = vector.extract_strided_slice %get3A_1218 {offsets = [3], sizes = [1], strides = [1]} : vector<16xi32> to vector<1xi32>
        %squeeze3A_1353 = vector.extract %slice3A_1352[0] : i32 from vector<1xi32>
        %shift_right_arithmetic3A_1354 = arith.constant 7 : i32
        %shift_right_arithmetic3A_1355 = arith.shrsi %squeeze3A_1353, %shift_right_arithmetic3A_1354 : i32
        %mul3A_1356 = arith.constant 128 : i32
        %mul3A_1357 = arith.muli %shift_right_arithmetic3A_1355, %mul3A_1356 : i32
        %multiple_of3A_1358 = tpu.assume_multiple %mul3A_1357, 128 : i32
        %dma_start3A_1359 = arith.constant 0 : i32
        %dma_start3A_1360 = arith.constant 3 : i32
        %dma_start3A_1361 = arith.constant 0 : i32
        %dma_start3A_1362 = arith.constant 0 : i32
        %dma_start3A_1363 = tpu.memref_slice %arg10[%dma_start3A_1359, %dma_start3A_1360, %dma_start3A_1361, %dma_start3A_1362] : memref<2x4x32x128xf32, #tpu.memory_space<vmem>> -> memref<1x1x32x128xf32, #tpu.memory_space<vmem>>
        %dma_start3A_1364 = tpu.memref_squeeze %dma_start3A_1363 : memref<1x1x32x128xf32, #tpu.memory_space<vmem>> -> memref<32x128xf32, #tpu.memory_space<vmem>>
        %dma_start3A_1365 = arith.constant 0 : i32
        %dma_start3A_1366 = tpu.memref_slice %arg4[%dma_start3A_1365, %multiple_of3A_1351] : memref<32x1000000xf32, #tpu.memory_space<hbm>> -> memref<32x128xf32, #tpu.memory_space<hbm>>
        %dma_start3A_1367 = arith.constant 0 : i32
        %dma_start3A_1368 = arith.constant 0 : i32
        %dma_start3A_1369 = tpu.memref_slice %arg10[%dma_start3A_1359, %dma_start3A_1360, %dma_start3A_1367, %dma_start3A_1368] : memref<2x4x32x128xf32, #tpu.memory_space<vmem>> -> memref<1x1x32x128xf32, #tpu.memory_space<vmem>>
        %dma_start3A_1370 = tpu.memref_squeeze %dma_start3A_1369 : memref<1x1x32x128xf32, #tpu.memory_space<vmem>> -> memref<32x128xf32, #tpu.memory_space<vmem>>
        %dma_start3A_1371 = arith.constant 0 : i32
        %dma_start3A_1372 = tpu.memref_slice %arg4[%dma_start3A_1371, %multiple_of3A_1351] : memref<32x1000000xf32, #tpu.memory_space<hbm>> -> memref<32x128xf32, #tpu.memory_space<hbm>>
        tpu.enqueue_dma source(%dma_start3A_1372 : memref<32x128xf32, #tpu.memory_space<hbm>>) target(%dma_start3A_1370 : memref<32x128xf32, #tpu.memory_space<vmem>>) target_semaphore(%arg14 : memref<!tpu.dma_semaphore, #tpu.memory_space<semaphore_mem>>)
        %dma_start3A_1373 = arith.constant 0 : i32
        %dma_start3A_1374 = arith.constant 3 : i32
        %dma_start3A_1375 = arith.constant 0 : i32
        %dma_start3A_1376 = arith.constant 0 : i32
        %dma_start3A_1377 = tpu.memref_slice %arg11[%dma_start3A_1373, %dma_start3A_1374, %dma_start3A_1375, %dma_start3A_1376] : memref<2x4x32x128xf32, #tpu.memory_space<vmem>> -> memref<1x1x32x128xf32, #tpu.memory_space<vmem>>
        %dma_start3A_1378 = tpu.memref_squeeze %dma_start3A_1377 : memref<1x1x32x128xf32, #tpu.memory_space<vmem>> -> memref<32x128xf32, #tpu.memory_space<vmem>>
        %dma_start3A_1379 = arith.constant 0 : i32
        %dma_start3A_1380 = tpu.memref_slice %arg5[%dma_start3A_1379, %multiple_of3A_1358] : memref<32x1000000xf32, #tpu.memory_space<hbm>> -> memref<32x128xf32, #tpu.memory_space<hbm>>
        %dma_start3A_1381 = arith.constant 0 : i32
        %dma_start3A_1382 = arith.constant 0 : i32
        %dma_start3A_1383 = tpu.memref_slice %arg11[%dma_start3A_1373, %dma_start3A_1374, %dma_start3A_1381, %dma_start3A_1382] : memref<2x4x32x128xf32, #tpu.memory_space<vmem>> -> memref<1x1x32x128xf32, #tpu.memory_space<vmem>>
        %dma_start3A_1384 = tpu.memref_squeeze %dma_start3A_1383 : memref<1x1x32x128xf32, #tpu.memory_space<vmem>> -> memref<32x128xf32, #tpu.memory_space<vmem>>
        %dma_start3A_1385 = arith.constant 0 : i32
        %dma_start3A_1386 = tpu.memref_slice %arg5[%dma_start3A_1385, %multiple_of3A_1358] : memref<32x1000000xf32, #tpu.memory_space<hbm>> -> memref<32x128xf32, #tpu.memory_space<hbm>>
        tpu.enqueue_dma source(%dma_start3A_1386 : memref<32x128xf32, #tpu.memory_space<hbm>>) target(%dma_start3A_1384 : memref<32x128xf32, #tpu.memory_space<vmem>>) target_semaphore(%arg16 : memref<!tpu.dma_semaphore, #tpu.memory_space<semaphore_mem>>)
      } else {
      }
      %mul3A_772 = arith.constant 2 : i32
      %mul3A_773 = arith.muli %mul3A_772, %scan3A_186 : i32
      %add3A_774 = arith.constant 1 : i32
      %add3A_775 = arith.addi %mul3A_773, %add3A_774 : i32
      %mul3A_776 = arith.constant 4 : i32
      %mul3A_777 = arith.muli %add3A_775, %mul3A_776 : i32
      %get3A_778 = arith.index_cast %mul3A_777 : i32 to index
      %get3A_779 = tpu.vector_load %arg8[%get3A_778] {strides = array<i32>} : memref<528xi32, #tpu.memory_space<vmem>>, vector<16xi32>,
      %mul3A_780 = arith.constant 4 : i32
      %mul3A_781 = arith.muli %add3A_775, %mul3A_780 : i32
      %get3A_782 = arith.index_cast %mul3A_781 : i32 to index
      %get3A_783 = tpu.vector_load %arg9[%get3A_782] {strides = array<i32>} : memref<528xi32, #tpu.memory_space<vmem>>, vector<16xi32>,
      %slice3A_784 = vector.extract_strided_slice %get3A_779 {offsets = [0], sizes = [1], strides = [1]} : vector<16xi32> to vector<1xi32>
      %squeeze3A_785 = vector.extract %slice3A_784[0] : i32 from vector<1xi32>
      %shift_right_arithmetic3A_786 = arith.constant 7 : i32
      %shift_right_arithmetic3A_787 = arith.shrsi %squeeze3A_785, %shift_right_arithmetic3A_786 : i32
      %mul3A_788 = arith.constant 128 : i32
      %mul3A_789 = arith.muli %shift_right_arithmetic3A_787, %mul3A_788 : i32
      %multiple_of3A_790 = tpu.assume_multiple %mul3A_789, 128 : i32
      %slice3A_791 = vector.extract_strided_slice %get3A_783 {offsets = [0], sizes = [1], strides = [1]} : vector<16xi32> to vector<1xi32>
      %squeeze3A_792 = vector.extract %slice3A_791[0] : i32 from vector<1xi32>
      %shift_right_arithmetic3A_793 = arith.constant 7 : i32
      %shift_right_arithmetic3A_794 = arith.shrsi %squeeze3A_792, %shift_right_arithmetic3A_793 : i32
      %mul3A_795 = arith.constant 128 : i32
      %mul3A_796 = arith.muli %shift_right_arithmetic3A_794, %mul3A_795 : i32
      %multiple_of3A_797 = tpu.assume_multiple %mul3A_796, 128 : i32
      %dma_wait3A_798 = arith.constant 1 : i32
      %dma_wait3A_799 = arith.constant 0 : i32
      %dma_wait3A_800 = arith.constant 0 : i32
      %dma_wait3A_801 = arith.constant 0 : i32
      %dma_wait3A_802 = tpu.memref_slice %arg10[%dma_wait3A_798, %dma_wait3A_799, %dma_wait3A_800, %dma_wait3A_801] : memref<2x4x32x128xf32, #tpu.memory_space<vmem>> -> memref<1x1x32x128xf32, #tpu.memory_space<vmem>>
      %dma_wait3A_803 = tpu.memref_squeeze %dma_wait3A_802 : memref<1x1x32x128xf32, #tpu.memory_space<vmem>> -> memref<32x128xf32, #tpu.memory_space<vmem>>
      %dma_wait3A_804 = arith.constant 0 : i32
      %dma_wait3A_805 = tpu.memref_slice %arg4[%dma_wait3A_804, %multiple_of3A_790] : memref<32x1000000xf32, #tpu.memory_space<hbm>> -> memref<32x128xf32, #tpu.memory_space<hbm>>
      %dma_wait3A_806 = arith.constant 0 : i32
      %dma_wait3A_807 = arith.constant 0 : i32
      %dma_wait3A_808 = tpu.memref_slice %arg10[%dma_wait3A_798, %dma_wait3A_799, %dma_wait3A_806, %dma_wait3A_807] : memref<2x4x32x128xf32, #tpu.memory_space<vmem>> -> memref<1x1x32x128xf32, #tpu.memory_space<vmem>>
      %dma_wait3A_809 = tpu.memref_squeeze %dma_wait3A_808 : memref<1x1x32x128xf32, #tpu.memory_space<vmem>> -> memref<32x128xf32, #tpu.memory_space<vmem>>
      %dma_wait3A_810 = arith.constant 0 : i32
      %dma_wait3A_811 = tpu.memref_slice %arg4[%dma_wait3A_810, %multiple_of3A_790] : memref<32x1000000xf32, #tpu.memory_space<hbm>> -> memref<32x128xf32, #tpu.memory_space<hbm>>
      tpu.wait_dma2 semaphore(%arg15 : memref<!tpu.dma_semaphore, #tpu.memory_space<semaphore_mem>>) src(%dma_wait3A_811 : memref<32x128xf32, #tpu.memory_space<hbm>>) dst(%dma_wait3A_809 : memref<32x128xf32, #tpu.memory_space<vmem>>)
      %dma_wait3A_812 = arith.constant 1 : i32
      %dma_wait3A_813 = arith.constant 0 : i32
      %dma_wait3A_814 = arith.constant 0 : i32
      %dma_wait3A_815 = arith.constant 0 : i32
      %dma_wait3A_816 = tpu.memref_slice %arg11[%dma_wait3A_812, %dma_wait3A_813, %dma_wait3A_814, %dma_wait3A_815] : memref<2x4x32x128xf32, #tpu.memory_space<vmem>> -> memref<1x1x32x128xf32, #tpu.memory_space<vmem>>
      %dma_wait3A_817 = tpu.memref_squeeze %dma_wait3A_816 : memref<1x1x32x128xf32, #tpu.memory_space<vmem>> -> memref<32x128xf32, #tpu.memory_space<vmem>>
      %dma_wait3A_818 = arith.constant 0 : i32
      %dma_wait3A_819 = tpu.memref_slice %arg5[%dma_wait3A_818, %multiple_of3A_797] : memref<32x1000000xf32, #tpu.memory_space<hbm>> -> memref<32x128xf32, #tpu.memory_space<hbm>>
      %dma_wait3A_820 = arith.constant 0 : i32
      %dma_wait3A_821 = arith.constant 0 : i32
      %dma_wait3A_822 = tpu.memref_slice %arg11[%dma_wait3A_812, %dma_wait3A_813, %dma_wait3A_820, %dma_wait3A_821] : memref<2x4x32x128xf32, #tpu.memory_space<vmem>> -> memref<1x1x32x128xf32, #tpu.memory_space<vmem>>
      %dma_wait3A_823 = tpu.memref_squeeze %dma_wait3A_822 : memref<1x1x32x128xf32, #tpu.memory_space<vmem>> -> memref<32x128xf32, #tpu.memory_space<vmem>>
      %dma_wait3A_824 = arith.constant 0 : i32
      %dma_wait3A_825 = tpu.memref_slice %arg5[%dma_wait3A_824, %multiple_of3A_797] : memref<32x1000000xf32, #tpu.memory_space<hbm>> -> memref<32x128xf32, #tpu.memory_space<hbm>>
      tpu.wait_dma2 semaphore(%arg17 : memref<!tpu.dma_semaphore, #tpu.memory_space<semaphore_mem>>) src(%dma_wait3A_825 : memref<32x128xf32, #tpu.memory_space<hbm>>) dst(%dma_wait3A_823 : memref<32x128xf32, #tpu.memory_space<vmem>>)
      %slice3A_826 = vector.extract_strided_slice %get3A_779 {offsets = [1], sizes = [1], strides = [1]} : vector<16xi32> to vector<1xi32>
      %squeeze3A_827 = vector.extract %slice3A_826[0] : i32 from vector<1xi32>
      %shift_right_arithmetic3A_828 = arith.constant 7 : i32
      %shift_right_arithmetic3A_829 = arith.shrsi %squeeze3A_827, %shift_right_arithmetic3A_828 : i32
      %mul3A_830 = arith.constant 128 : i32
      %mul3A_831 = arith.muli %shift_right_arithmetic3A_829, %mul3A_830 : i32
      %multiple_of3A_832 = tpu.assume_multiple %mul3A_831, 128 : i32
      %slice3A_833 = vector.extract_strided_slice %get3A_783 {offsets = [1], sizes = [1], strides = [1]} : vector<16xi32> to vector<1xi32>
      %squeeze3A_834 = vector.extract %slice3A_833[0] : i32 from vector<1xi32>
      %shift_right_arithmetic3A_835 = arith.constant 7 : i32
      %shift_right_arithmetic3A_836 = arith.shrsi %squeeze3A_834, %shift_right_arithmetic3A_835 : i32
      %mul3A_837 = arith.constant 128 : i32
      %mul3A_838 = arith.muli %shift_right_arithmetic3A_836, %mul3A_837 : i32
      %multiple_of3A_839 = tpu.assume_multiple %mul3A_838, 128 : i32
      %dma_wait3A_840 = arith.constant 1 : i32
      %dma_wait3A_841 = arith.constant 1 : i32
      %dma_wait3A_842 = arith.constant 0 : i32
      %dma_wait3A_843 = arith.constant 0 : i32
      %dma_wait3A_844 = tpu.memref_slice %arg10[%dma_wait3A_840, %dma_wait3A_841, %dma_wait3A_842, %dma_wait3A_843] : memref<2x4x32x128xf32, #tpu.memory_space<vmem>> -> memref<1x1x32x128xf32, #tpu.memory_space<vmem>>
      %dma_wait3A_845 = tpu.memref_squeeze %dma_wait3A_844 : memref<1x1x32x128xf32, #tpu.memory_space<vmem>> -> memref<32x128xf32, #tpu.memory_space<vmem>>
      %dma_wait3A_846 = arith.constant 0 : i32
      %dma_wait3A_847 = tpu.memref_slice %arg4[%dma_wait3A_846, %multiple_of3A_832] : memref<32x1000000xf32, #tpu.memory_space<hbm>> -> memref<32x128xf32, #tpu.memory_space<hbm>>
      %dma_wait3A_848 = arith.constant 0 : i32
      %dma_wait3A_849 = arith.constant 0 : i32
      %dma_wait3A_850 = tpu.memref_slice %arg10[%dma_wait3A_840, %dma_wait3A_841, %dma_wait3A_848, %dma_wait3A_849] : memref<2x4x32x128xf32, #tpu.memory_space<vmem>> -> memref<1x1x32x128xf32, #tpu.memory_space<vmem>>
      %dma_wait3A_851 = tpu.memref_squeeze %dma_wait3A_850 : memref<1x1x32x128xf32, #tpu.memory_space<vmem>> -> memref<32x128xf32, #tpu.memory_space<vmem>>
      %dma_wait3A_852 = arith.constant 0 : i32
      %dma_wait3A_853 = tpu.memref_slice %arg4[%dma_wait3A_852, %multiple_of3A_832] : memref<32x1000000xf32, #tpu.memory_space<hbm>> -> memref<32x128xf32, #tpu.memory_space<hbm>>
      tpu.wait_dma2 semaphore(%arg15 : memref<!tpu.dma_semaphore, #tpu.memory_space<semaphore_mem>>) src(%dma_wait3A_853 : memref<32x128xf32, #tpu.memory_space<hbm>>) dst(%dma_wait3A_851 : memref<32x128xf32, #tpu.memory_space<vmem>>)
      %dma_wait3A_854 = arith.constant 1 : i32
      %dma_wait3A_855 = arith.constant 1 : i32
      %dma_wait3A_856 = arith.constant 0 : i32
      %dma_wait3A_857 = arith.constant 0 : i32
      %dma_wait3A_858 = tpu.memref_slice %arg11[%dma_wait3A_854, %dma_wait3A_855, %dma_wait3A_856, %dma_wait3A_857] : memref<2x4x32x128xf32, #tpu.memory_space<vmem>> -> memref<1x1x32x128xf32, #tpu.memory_space<vmem>>
      %dma_wait3A_859 = tpu.memref_squeeze %dma_wait3A_858 : memref<1x1x32x128xf32, #tpu.memory_space<vmem>> -> memref<32x128xf32, #tpu.memory_space<vmem>>
      %dma_wait3A_860 = arith.constant 0 : i32
      %dma_wait3A_861 = tpu.memref_slice %arg5[%dma_wait3A_860, %multiple_of3A_839] : memref<32x1000000xf32, #tpu.memory_space<hbm>> -> memref<32x128xf32, #tpu.memory_space<hbm>>
      %dma_wait3A_862 = arith.constant 0 : i32
      %dma_wait3A_863 = arith.constant 0 : i32
      %dma_wait3A_864 = tpu.memref_slice %arg11[%dma_wait3A_854, %dma_wait3A_855, %dma_wait3A_862, %dma_wait3A_863] : memref<2x4x32x128xf32, #tpu.memory_space<vmem>> -> memref<1x1x32x128xf32, #tpu.memory_space<vmem>>
      %dma_wait3A_865 = tpu.memref_squeeze %dma_wait3A_864 : memref<1x1x32x128xf32, #tpu.memory_space<vmem>> -> memref<32x128xf32, #tpu.memory_space<vmem>>
      %dma_wait3A_866 = arith.constant 0 : i32
      %dma_wait3A_867 = tpu.memref_slice %arg5[%dma_wait3A_866, %multiple_of3A_839] : memref<32x1000000xf32, #tpu.memory_space<hbm>> -> memref<32x128xf32, #tpu.memory_space<hbm>>
      tpu.wait_dma2 semaphore(%arg17 : memref<!tpu.dma_semaphore, #tpu.memory_space<semaphore_mem>>) src(%dma_wait3A_867 : memref<32x128xf32, #tpu.memory_space<hbm>>) dst(%dma_wait3A_865 : memref<32x128xf32, #tpu.memory_space<vmem>>)
      %slice3A_868 = vector.extract_strided_slice %get3A_779 {offsets = [2], sizes = [1], strides = [1]} : vector<16xi32> to vector<1xi32>
      %squeeze3A_869 = vector.extract %slice3A_868[0] : i32 from vector<1xi32>
      %shift_right_arithmetic3A_870 = arith.constant 7 : i32
      %shift_right_arithmetic3A_871 = arith.shrsi %squeeze3A_869, %shift_right_arithmetic3A_870 : i32
      %mul3A_872 = arith.constant 128 : i32
      %mul3A_873 = arith.muli %shift_right_arithmetic3A_871, %mul3A_872 : i32
      %multiple_of3A_874 = tpu.assume_multiple %mul3A_873, 128 : i32
      %slice3A_875 = vector.extract_strided_slice %get3A_783 {offsets = [2], sizes = [1], strides = [1]} : vector<16xi32> to vector<1xi32>
      %squeeze3A_876 = vector.extract %slice3A_875[0] : i32 from vector<1xi32>
      %shift_right_arithmetic3A_877 = arith.constant 7 : i32
      %shift_right_arithmetic3A_878 = arith.shrsi %squeeze3A_876, %shift_right_arithmetic3A_877 : i32
      %mul3A_879 = arith.constant 128 : i32
      %mul3A_880 = arith.muli %shift_right_arithmetic3A_878, %mul3A_879 : i32
      %multiple_of3A_881 = tpu.assume_multiple %mul3A_880, 128 : i32
      %dma_wait3A_882 = arith.constant 1 : i32
      %dma_wait3A_883 = arith.constant 2 : i32
      %dma_wait3A_884 = arith.constant 0 : i32
      %dma_wait3A_885 = arith.constant 0 : i32
      %dma_wait3A_886 = tpu.memref_slice %arg10[%dma_wait3A_882, %dma_wait3A_883, %dma_wait3A_884, %dma_wait3A_885] : memref<2x4x32x128xf32, #tpu.memory_space<vmem>> -> memref<1x1x32x128xf32, #tpu.memory_space<vmem>>
      %dma_wait3A_887 = tpu.memref_squeeze %dma_wait3A_886 : memref<1x1x32x128xf32, #tpu.memory_space<vmem>> -> memref<32x128xf32, #tpu.memory_space<vmem>>
      %dma_wait3A_888 = arith.constant 0 : i32
      %dma_wait3A_889 = tpu.memref_slice %arg4[%dma_wait3A_888, %multiple_of3A_874] : memref<32x1000000xf32, #tpu.memory_space<hbm>> -> memref<32x128xf32, #tpu.memory_space<hbm>>
      %dma_wait3A_890 = arith.constant 0 : i32
      %dma_wait3A_891 = arith.constant 0 : i32
      %dma_wait3A_892 = tpu.memref_slice %arg10[%dma_wait3A_882, %dma_wait3A_883, %dma_wait3A_890, %dma_wait3A_891] : memref<2x4x32x128xf32, #tpu.memory_space<vmem>> -> memref<1x1x32x128xf32, #tpu.memory_space<vmem>>
      %dma_wait3A_893 = tpu.memref_squeeze %dma_wait3A_892 : memref<1x1x32x128xf32, #tpu.memory_space<vmem>> -> memref<32x128xf32, #tpu.memory_space<vmem>>
      %dma_wait3A_894 = arith.constant 0 : i32
      %dma_wait3A_895 = tpu.memref_slice %arg4[%dma_wait3A_894, %multiple_of3A_874] : memref<32x1000000xf32, #tpu.memory_space<hbm>> -> memref<32x128xf32, #tpu.memory_space<hbm>>
      tpu.wait_dma2 semaphore(%arg15 : memref<!tpu.dma_semaphore, #tpu.memory_space<semaphore_mem>>) src(%dma_wait3A_895 : memref<32x128xf32, #tpu.memory_space<hbm>>) dst(%dma_wait3A_893 : memref<32x128xf32, #tpu.memory_space<vmem>>)
      %dma_wait3A_896 = arith.constant 1 : i32
      %dma_wait3A_897 = arith.constant 2 : i32
      %dma_wait3A_898 = arith.constant 0 : i32
      %dma_wait3A_899 = arith.constant 0 : i32
      %dma_wait3A_900 = tpu.memref_slice %arg11[%dma_wait3A_896, %dma_wait3A_897, %dma_wait3A_898, %dma_wait3A_899] : memref<2x4x32x128xf32, #tpu.memory_space<vmem>> -> memref<1x1x32x128xf32, #tpu.memory_space<vmem>>
      %dma_wait3A_901 = tpu.memref_squeeze %dma_wait3A_900 : memref<1x1x32x128xf32, #tpu.memory_space<vmem>> -> memref<32x128xf32, #tpu.memory_space<vmem>>
      %dma_wait3A_902 = arith.constant 0 : i32
      %dma_wait3A_903 = tpu.memref_slice %arg5[%dma_wait3A_902, %multiple_of3A_881] : memref<32x1000000xf32, #tpu.memory_space<hbm>> -> memref<32x128xf32, #tpu.memory_space<hbm>>
      %dma_wait3A_904 = arith.constant 0 : i32
      %dma_wait3A_905 = arith.constant 0 : i32
      %dma_wait3A_906 = tpu.memref_slice %arg11[%dma_wait3A_896, %dma_wait3A_897, %dma_wait3A_904, %dma_wait3A_905] : memref<2x4x32x128xf32, #tpu.memory_space<vmem>> -> memref<1x1x32x128xf32, #tpu.memory_space<vmem>>
      %dma_wait3A_907 = tpu.memref_squeeze %dma_wait3A_906 : memref<1x1x32x128xf32, #tpu.memory_space<vmem>> -> memref<32x128xf32, #tpu.memory_space<vmem>>
      %dma_wait3A_908 = arith.constant 0 : i32
      %dma_wait3A_909 = tpu.memref_slice %arg5[%dma_wait3A_908, %multiple_of3A_881] : memref<32x1000000xf32, #tpu.memory_space<hbm>> -> memref<32x128xf32, #tpu.memory_space<hbm>>
      tpu.wait_dma2 semaphore(%arg17 : memref<!tpu.dma_semaphore, #tpu.memory_space<semaphore_mem>>) src(%dma_wait3A_909 : memref<32x128xf32, #tpu.memory_space<hbm>>) dst(%dma_wait3A_907 : memref<32x128xf32, #tpu.memory_space<vmem>>)
      %slice3A_910 = vector.extract_strided_slice %get3A_779 {offsets = [3], sizes = [1], strides = [1]} : vector<16xi32> to vector<1xi32>
      %squeeze3A_911 = vector.extract %slice3A_910[0] : i32 from vector<1xi32>
      %shift_right_arithmetic3A_912 = arith.constant 7 : i32
      %shift_right_arithmetic3A_913 = arith.shrsi %squeeze3A_911, %shift_right_arithmetic3A_912 : i32
      %mul3A_914 = arith.constant 128 : i32
      %mul3A_915 = arith.muli %shift_right_arithmetic3A_913, %mul3A_914 : i32
      %multiple_of3A_916 = tpu.assume_multiple %mul3A_915, 128 : i32
      %slice3A_917 = vector.extract_strided_slice %get3A_783 {offsets = [3], sizes = [1], strides = [1]} : vector<16xi32> to vector<1xi32>
      %squeeze3A_918 = vector.extract %slice3A_917[0] : i32 from vector<1xi32>
      %shift_right_arithmetic3A_919 = arith.constant 7 : i32
      %shift_right_arithmetic3A_920 = arith.shrsi %squeeze3A_918, %shift_right_arithmetic3A_919 : i32
      %mul3A_921 = arith.constant 128 : i32
      %mul3A_922 = arith.muli %shift_right_arithmetic3A_920, %mul3A_921 : i32
      %multiple_of3A_923 = tpu.assume_multiple %mul3A_922, 128 : i32
      %dma_wait3A_924 = arith.constant 1 : i32
      %dma_wait3A_925 = arith.constant 3 : i32
      %dma_wait3A_926 = arith.constant 0 : i32
      %dma_wait3A_927 = arith.constant 0 : i32
      %dma_wait3A_928 = tpu.memref_slice %arg10[%dma_wait3A_924, %dma_wait3A_925, %dma_wait3A_926, %dma_wait3A_927] : memref<2x4x32x128xf32, #tpu.memory_space<vmem>> -> memref<1x1x32x128xf32, #tpu.memory_space<vmem>>
      %dma_wait3A_929 = tpu.memref_squeeze %dma_wait3A_928 : memref<1x1x32x128xf32, #tpu.memory_space<vmem>> -> memref<32x128xf32, #tpu.memory_space<vmem>>
      %dma_wait3A_930 = arith.constant 0 : i32
      %dma_wait3A_931 = tpu.memref_slice %arg4[%dma_wait3A_930, %multiple_of3A_916] : memref<32x1000000xf32, #tpu.memory_space<hbm>> -> memref<32x128xf32, #tpu.memory_space<hbm>>
      %dma_wait3A_932 = arith.constant 0 : i32
      %dma_wait3A_933 = arith.constant 0 : i32
      %dma_wait3A_934 = tpu.memref_slice %arg10[%dma_wait3A_924, %dma_wait3A_925, %dma_wait3A_932, %dma_wait3A_933] : memref<2x4x32x128xf32, #tpu.memory_space<vmem>> -> memref<1x1x32x128xf32, #tpu.memory_space<vmem>>
      %dma_wait3A_935 = tpu.memref_squeeze %dma_wait3A_934 : memref<1x1x32x128xf32, #tpu.memory_space<vmem>> -> memref<32x128xf32, #tpu.memory_space<vmem>>
      %dma_wait3A_936 = arith.constant 0 : i32
      %dma_wait3A_937 = tpu.memref_slice %arg4[%dma_wait3A_936, %multiple_of3A_916] : memref<32x1000000xf32, #tpu.memory_space<hbm>> -> memref<32x128xf32, #tpu.memory_space<hbm>>
      tpu.wait_dma2 semaphore(%arg15 : memref<!tpu.dma_semaphore, #tpu.memory_space<semaphore_mem>>) src(%dma_wait3A_937 : memref<32x128xf32, #tpu.memory_space<hbm>>) dst(%dma_wait3A_935 : memref<32x128xf32, #tpu.memory_space<vmem>>)
      %dma_wait3A_938 = arith.constant 1 : i32
      %dma_wait3A_939 = arith.constant 3 : i32
      %dma_wait3A_940 = arith.constant 0 : i32
      %dma_wait3A_941 = arith.constant 0 : i32
      %dma_wait3A_942 = tpu.memref_slice %arg11[%dma_wait3A_938, %dma_wait3A_939, %dma_wait3A_940, %dma_wait3A_941] : memref<2x4x32x128xf32, #tpu.memory_space<vmem>> -> memref<1x1x32x128xf32, #tpu.memory_space<vmem>>
      %dma_wait3A_943 = tpu.memref_squeeze %dma_wait3A_942 : memref<1x1x32x128xf32, #tpu.memory_space<vmem>> -> memref<32x128xf32, #tpu.memory_space<vmem>>
      %dma_wait3A_944 = arith.constant 0 : i32
      %dma_wait3A_945 = tpu.memref_slice %arg5[%dma_wait3A_944, %multiple_of3A_923] : memref<32x1000000xf32, #tpu.memory_space<hbm>> -> memref<32x128xf32, #tpu.memory_space<hbm>>
      %dma_wait3A_946 = arith.constant 0 : i32
      %dma_wait3A_947 = arith.constant 0 : i32
      %dma_wait3A_948 = tpu.memref_slice %arg11[%dma_wait3A_938, %dma_wait3A_939, %dma_wait3A_946, %dma_wait3A_947] : memref<2x4x32x128xf32, #tpu.memory_space<vmem>> -> memref<1x1x32x128xf32, #tpu.memory_space<vmem>>
      %dma_wait3A_949 = tpu.memref_squeeze %dma_wait3A_948 : memref<1x1x32x128xf32, #tpu.memory_space<vmem>> -> memref<32x128xf32, #tpu.memory_space<vmem>>
      %dma_wait3A_950 = arith.constant 0 : i32
      %dma_wait3A_951 = tpu.memref_slice %arg5[%dma_wait3A_950, %multiple_of3A_923] : memref<32x1000000xf32, #tpu.memory_space<hbm>> -> memref<32x128xf32, #tpu.memory_space<hbm>>
      tpu.wait_dma2 semaphore(%arg17 : memref<!tpu.dma_semaphore, #tpu.memory_space<semaphore_mem>>) src(%dma_wait3A_951 : memref<32x128xf32, #tpu.memory_space<hbm>>) dst(%dma_wait3A_949 : memref<32x128xf32, #tpu.memory_space<vmem>>)
      %jit3A_952 = arith.constant 4 : i32
      %eq3A_953 = arith.constant 0 : i32
      %eq3A_954 = arith.cmpi eq, %jit3A_952, %eq3A_953 : i32
      %jit3A_955 = arith.constant 1 : i32
      %select_n3A_956 = arith.select %eq3A_954, %jit3A_955, %jit3A_952 : i32
      %rem3A_957 = arith.remsi %add3A_775, %select_n3A_956 : i32
      %ne3A_958 = arith.constant 0 : i32
      %ne3A_959 = arith.cmpi ne, %rem3A_957, %ne3A_958 : i32
      %lt3A_960 = arith.constant 0 : i32
      %lt3A_961 = arith.cmpi slt, %rem3A_957, %lt3A_960 : i32
      %lt3A_962 = arith.constant 0 : i32
      %lt3A_963 = arith.cmpi slt, %select_n3A_956, %lt3A_962 : i32
      %ne3A_964 = arith.xori %lt3A_961, %lt3A_963 : i1
      %and3A_965 = arith.andi %ne3A_964, %ne3A_959 : i1
      %add3A_966 = arith.addi %rem3A_957, %select_n3A_956 : i32
      %select_n3A_967 = arith.select %and3A_965, %add3A_966, %rem3A_957 : i32
      %mul3A_968 = arith.constant 4 : i32
      %mul3A_969 = arith.muli %select_n3A_967, %mul3A_968 : i32
      %slice3A_970 = vector.extract_strided_slice %get3A_779 {offsets = [0], sizes = [1], strides = [1]} : vector<16xi32> to vector<1xi32>
      %squeeze3A_971 = vector.extract %slice3A_970[0] : i32 from vector<1xi32>
      %and3A_972 = arith.constant 127 : i32
      %and3A_973 = arith.andi %squeeze3A_971, %and3A_972 : i32
      %broadcast_in_dim3A_974 = vector.broadcast %and3A_973 : i32 to vector<16xi32>
      %slice3A_975 = vector.extract_strided_slice %get3A_783 {offsets = [0], sizes = [1], strides = [1]} : vector<16xi32> to vector<1xi32>
      %squeeze3A_976 = vector.extract %slice3A_975[0] : i32 from vector<1xi32>
      %and3A_977 = arith.constant 127 : i32
      %and3A_978 = arith.andi %squeeze3A_976, %and3A_977 : i32
      %broadcast_in_dim3A_979 = vector.broadcast %and3A_978 : i32 to vector<16xi32>
      %gather3A_980 = arith.constant 1 : i32
      %gather3A_981 = arith.constant 0 : i32
      %gather3A_982 = arith.constant 0 : i32
      %gather3A_983 = arith.constant 0 : i32
      %gather3A_984 = tpu.memref_slice %arg10[%gather3A_980, %gather3A_981, %gather3A_982, %gather3A_983] : memref<2x4x32x128xf32, #tpu.memory_space<vmem>> -> memref<1x1x32x128xf32, #tpu.memory_space<vmem>>
      %gather3A_985 = tpu.memref_squeeze %gather3A_984 : memref<1x1x32x128xf32, #tpu.memory_space<vmem>> -> memref<32x128xf32, #tpu.memory_space<vmem>>
      %gather3A_986 = tpu.vector_load_idx %gather3A_985[%iota3A_8, %broadcast_in_dim3A_974] : memref<32x128xf32, #tpu.memory_space<vmem>>[vector<16xi32>, vector<16xi32>], vector<16xf32>,
      %gather3A_987 = arith.constant 1 : i32
      %gather3A_988 = arith.constant 0 : i32
      %gather3A_989 = arith.constant 0 : i32
      %gather3A_990 = arith.constant 0 : i32
      %gather3A_991 = tpu.memref_slice %arg10[%gather3A_987, %gather3A_988, %gather3A_989, %gather3A_990] : memref<2x4x32x128xf32, #tpu.memory_space<vmem>> -> memref<1x1x32x128xf32, #tpu.memory_space<vmem>>
      %gather3A_992 = tpu.memref_squeeze %gather3A_991 : memref<1x1x32x128xf32, #tpu.memory_space<vmem>> -> memref<32x128xf32, #tpu.memory_space<vmem>>
      %gather3A_993 = tpu.vector_load_idx %gather3A_992[%add3A_11, %broadcast_in_dim3A_974] : memref<32x128xf32, #tpu.memory_space<vmem>>[vector<16xi32>, vector<16xi32>], vector<16xf32>,
      %gather3A_994 = arith.constant 1 : i32
      %gather3A_995 = arith.constant 0 : i32
      %gather3A_996 = arith.constant 0 : i32
      %gather3A_997 = arith.constant 0 : i32
      %gather3A_998 = tpu.memref_slice %arg11[%gather3A_994, %gather3A_995, %gather3A_996, %gather3A_997] : memref<2x4x32x128xf32, #tpu.memory_space<vmem>> -> memref<1x1x32x128xf32, #tpu.memory_space<vmem>>
      %gather3A_999 = tpu.memref_squeeze %gather3A_998 : memref<1x1x32x128xf32, #tpu.memory_space<vmem>> -> memref<32x128xf32, #tpu.memory_space<vmem>>
      %gather3A_1000 = tpu.vector_load_idx %gather3A_999[%iota3A_8, %broadcast_in_dim3A_979] : memref<32x128xf32, #tpu.memory_space<vmem>>[vector<16xi32>, vector<16xi32>], vector<16xf32>,
      %gather3A_1001 = arith.constant 1 : i32
      %gather3A_1002 = arith.constant 0 : i32
      %gather3A_1003 = arith.constant 0 : i32
      %gather3A_1004 = arith.constant 0 : i32
      %gather3A_1005 = tpu.memref_slice %arg11[%gather3A_1001, %gather3A_1002, %gather3A_1003, %gather3A_1004] : memref<2x4x32x128xf32, #tpu.memory_space<vmem>> -> memref<1x1x32x128xf32, #tpu.memory_space<vmem>>
      %gather3A_1006 = tpu.memref_squeeze %gather3A_1005 : memref<1x1x32x128xf32, #tpu.memory_space<vmem>> -> memref<32x128xf32, #tpu.memory_space<vmem>>
      %gather3A_1007 = tpu.vector_load_idx %gather3A_1006[%add3A_11, %broadcast_in_dim3A_979] : memref<32x128xf32, #tpu.memory_space<vmem>>[vector<16xi32>, vector<16xi32>], vector<16xf32>,
      %mul3A_1008 = arith.mulf %gather3A_986, %gather3A_1000 : vector<16xf32>
      %mul3A_1009 = arith.mulf %mul3A_1008, %get3A_3 : vector<16xf32>
      %mul3A_1010 = arith.mulf %gather3A_993, %gather3A_1007 : vector<16xf32>
      %mul3A_1011 = arith.mulf %mul3A_1010, %get3A_5 : vector<16xf32>
      %add3A_1012 = arith.addf %mul3A_1009, %mul3A_1011 : vector<16xf32>
      %reduce_sum3A_1013 = arith.constant true
      %reduce_sum3A_1014 = vector.broadcast %reduce_sum3A_1013 : i1 to vector<16xi1>
      %reduce_sum3A_1015 = tpu.scan <sum>, %add3A_1012 masked %reduce_sum3A_1014 : vector<16xf32>, vector<16xi1> -> vector<16xf32>
      %reduce_sum3A_1016 = vector.extract %reduce_sum3A_1015[15] : f32 from vector<16xf32>
      %add3A_1017 = arith.addf %reduce_sum3A_1016, %squeeze3A : f32
      %add3A_1018 = arith.constant 0 : i32
      %add3A_1019 = arith.addi %mul3A_969, %add3A_1018 : i32
      %eq3A_1020 = vector.broadcast %add3A_1019 : i32 to vector<16xi32>
      %eq3A_1021 = arith.cmpi eq, %iota3A, %eq3A_1020 : vector<16xi32>
      %broadcast_in_dim3A_1022 = vector.broadcast %add3A_1017 : f32 to vector<16xf32>
      %select_n3A_1023 = arith.select %eq3A_1021, %broadcast_in_dim3A_1022, %select_n3A_768 : vector<16xi1>, vector<16xf32>
      %slice3A_1024 = vector.extract_strided_slice %get3A_779 {offsets = [1], sizes = [1], strides = [1]} : vector<16xi32> to vector<1xi32>
      %squeeze3A_1025 = vector.extract %slice3A_1024[0] : i32 from vector<1xi32>
      %and3A_1026 = arith.constant 127 : i32
      %and3A_1027 = arith.andi %squeeze3A_1025, %and3A_1026 : i32
      %broadcast_in_dim3A_1028 = vector.broadcast %and3A_1027 : i32 to vector<16xi32>
      %slice3A_1029 = vector.extract_strided_slice %get3A_783 {offsets = [1], sizes = [1], strides = [1]} : vector<16xi32> to vector<1xi32>
      %squeeze3A_1030 = vector.extract %slice3A_1029[0] : i32 from vector<1xi32>
      %and3A_1031 = arith.constant 127 : i32
      %and3A_1032 = arith.andi %squeeze3A_1030, %and3A_1031 : i32
      %broadcast_in_dim3A_1033 = vector.broadcast %and3A_1032 : i32 to vector<16xi32>
      %gather3A_1034 = arith.constant 1 : i32
      %gather3A_1035 = arith.constant 1 : i32
      %gather3A_1036 = arith.constant 0 : i32
      %gather3A_1037 = arith.constant 0 : i32
      %gather3A_1038 = tpu.memref_slice %arg10[%gather3A_1034, %gather3A_1035, %gather3A_1036, %gather3A_1037] : memref<2x4x32x128xf32, #tpu.memory_space<vmem>> -> memref<1x1x32x128xf32, #tpu.memory_space<vmem>>
      %gather3A_1039 = tpu.memref_squeeze %gather3A_1038 : memref<1x1x32x128xf32, #tpu.memory_space<vmem>> -> memref<32x128xf32, #tpu.memory_space<vmem>>
      %gather3A_1040 = tpu.vector_load_idx %gather3A_1039[%iota3A_8, %broadcast_in_dim3A_1028] : memref<32x128xf32, #tpu.memory_space<vmem>>[vector<16xi32>, vector<16xi32>], vector<16xf32>,
      %gather3A_1041 = arith.constant 1 : i32
      %gather3A_1042 = arith.constant 1 : i32
      %gather3A_1043 = arith.constant 0 : i32
      %gather3A_1044 = arith.constant 0 : i32
      %gather3A_1045 = tpu.memref_slice %arg10[%gather3A_1041, %gather3A_1042, %gather3A_1043, %gather3A_1044] : memref<2x4x32x128xf32, #tpu.memory_space<vmem>> -> memref<1x1x32x128xf32, #tpu.memory_space<vmem>>
      %gather3A_1046 = tpu.memref_squeeze %gather3A_1045 : memref<1x1x32x128xf32, #tpu.memory_space<vmem>> -> memref<32x128xf32, #tpu.memory_space<vmem>>
      %gather3A_1047 = tpu.vector_load_idx %gather3A_1046[%add3A_11, %broadcast_in_dim3A_1028] : memref<32x128xf32, #tpu.memory_space<vmem>>[vector<16xi32>, vector<16xi32>], vector<16xf32>,
      %gather3A_1048 = arith.constant 1 : i32
      %gather3A_1049 = arith.constant 1 : i32
      %gather3A_1050 = arith.constant 0 : i32
      %gather3A_1051 = arith.constant 0 : i32
      %gather3A_1052 = tpu.memref_slice %arg11[%gather3A_1048, %gather3A_1049, %gather3A_1050, %gather3A_1051] : memref<2x4x32x128xf32, #tpu.memory_space<vmem>> -> memref<1x1x32x128xf32, #tpu.memory_space<vmem>>
      %gather3A_1053 = tpu.memref_squeeze %gather3A_1052 : memref<1x1x32x128xf32, #tpu.memory_space<vmem>> -> memref<32x128xf32, #tpu.memory_space<vmem>>
      %gather3A_1054 = tpu.vector_load_idx %gather3A_1053[%iota3A_8, %broadcast_in_dim3A_1033] : memref<32x128xf32, #tpu.memory_space<vmem>>[vector<16xi32>, vector<16xi32>], vector<16xf32>,
      %gather3A_1055 = arith.constant 1 : i32
      %gather3A_1056 = arith.constant 1 : i32
      %gather3A_1057 = arith.constant 0 : i32
      %gather3A_1058 = arith.constant 0 : i32
      %gather3A_1059 = tpu.memref_slice %arg11[%gather3A_1055, %gather3A_1056, %gather3A_1057, %gather3A_1058] : memref<2x4x32x128xf32, #tpu.memory_space<vmem>> -> memref<1x1x32x128xf32, #tpu.memory_space<vmem>>
      %gather3A_1060 = tpu.memref_squeeze %gather3A_1059 : memref<1x1x32x128xf32, #tpu.memory_space<vmem>> -> memref<32x128xf32, #tpu.memory_space<vmem>>
      %gather3A_1061 = tpu.vector_load_idx %gather3A_1060[%add3A_11, %broadcast_in_dim3A_1033] : memref<32x128xf32, #tpu.memory_space<vmem>>[vector<16xi32>, vector<16xi32>], vector<16xf32>,
      %mul3A_1062 = arith.mulf %gather3A_1040, %gather3A_1054 : vector<16xf32>
      %mul3A_1063 = arith.mulf %mul3A_1062, %get3A_3 : vector<16xf32>
      %mul3A_1064 = arith.mulf %gather3A_1047, %gather3A_1061 : vector<16xf32>
      %mul3A_1065 = arith.mulf %mul3A_1064, %get3A_5 : vector<16xf32>
      %add3A_1066 = arith.addf %mul3A_1063, %mul3A_1065 : vector<16xf32>
      %reduce_sum3A_1067 = arith.constant true
      %reduce_sum3A_1068 = vector.broadcast %reduce_sum3A_1067 : i1 to vector<16xi1>
      %reduce_sum3A_1069 = tpu.scan <sum>, %add3A_1066 masked %reduce_sum3A_1068 : vector<16xf32>, vector<16xi1> -> vector<16xf32>
      %reduce_sum3A_1070 = vector.extract %reduce_sum3A_1069[15] : f32 from vector<16xf32>
      %add3A_1071 = arith.addf %reduce_sum3A_1070, %squeeze3A : f32
      %add3A_1072 = arith.constant 1 : i32
      %add3A_1073 = arith.addi %mul3A_969, %add3A_1072 : i32
      %eq3A_1074 = vector.broadcast %add3A_1073 : i32 to vector<16xi32>
      %eq3A_1075 = arith.cmpi eq, %iota3A, %eq3A_1074 : vector<16xi32>
      %broadcast_in_dim3A_1076 = vector.broadcast %add3A_1071 : f32 to vector<16xf32>
      %select_n3A_1077 = arith.select %eq3A_1075, %broadcast_in_dim3A_1076, %select_n3A_1023 : vector<16xi1>, vector<16xf32>
      %slice3A_1078 = vector.extract_strided_slice %get3A_779 {offsets = [2], sizes = [1], strides = [1]} : vector<16xi32> to vector<1xi32>
      %squeeze3A_1079 = vector.extract %slice3A_1078[0] : i32 from vector<1xi32>
      %and3A_1080 = arith.constant 127 : i32
      %and3A_1081 = arith.andi %squeeze3A_1079, %and3A_1080 : i32
      %broadcast_in_dim3A_1082 = vector.broadcast %and3A_1081 : i32 to vector<16xi32>
      %slice3A_1083 = vector.extract_strided_slice %get3A_783 {offsets = [2], sizes = [1], strides = [1]} : vector<16xi32> to vector<1xi32>
      %squeeze3A_1084 = vector.extract %slice3A_1083[0] : i32 from vector<1xi32>
      %and3A_1085 = arith.constant 127 : i32
      %and3A_1086 = arith.andi %squeeze3A_1084, %and3A_1085 : i32
      %broadcast_in_dim3A_1087 = vector.broadcast %and3A_1086 : i32 to vector<16xi32>
      %gather3A_1088 = arith.constant 1 : i32
      %gather3A_1089 = arith.constant 2 : i32
      %gather3A_1090 = arith.constant 0 : i32
      %gather3A_1091 = arith.constant 0 : i32
      %gather3A_1092 = tpu.memref_slice %arg10[%gather3A_1088, %gather3A_1089, %gather3A_1090, %gather3A_1091] : memref<2x4x32x128xf32, #tpu.memory_space<vmem>> -> memref<1x1x32x128xf32, #tpu.memory_space<vmem>>
      %gather3A_1093 = tpu.memref_squeeze %gather3A_1092 : memref<1x1x32x128xf32, #tpu.memory_space<vmem>> -> memref<32x128xf32, #tpu.memory_space<vmem>>
      %gather3A_1094 = tpu.vector_load_idx %gather3A_1093[%iota3A_8, %broadcast_in_dim3A_1082] : memref<32x128xf32, #tpu.memory_space<vmem>>[vector<16xi32>, vector<16xi32>], vector<16xf32>,
      %gather3A_1095 = arith.constant 1 : i32
      %gather3A_1096 = arith.constant 2 : i32
      %gather3A_1097 = arith.constant 0 : i32
      %gather3A_1098 = arith.constant 0 : i32
      %gather3A_1099 = tpu.memref_slice %arg10[%gather3A_1095, %gather3A_1096, %gather3A_1097, %gather3A_1098] : memref<2x4x32x128xf32, #tpu.memory_space<vmem>> -> memref<1x1x32x128xf32, #tpu.memory_space<vmem>>
      %gather3A_1100 = tpu.memref_squeeze %gather3A_1099 : memref<1x1x32x128xf32, #tpu.memory_space<vmem>> -> memref<32x128xf32, #tpu.memory_space<vmem>>
      %gather3A_1101 = tpu.vector_load_idx %gather3A_1100[%add3A_11, %broadcast_in_dim3A_1082] : memref<32x128xf32, #tpu.memory_space<vmem>>[vector<16xi32>, vector<16xi32>], vector<16xf32>,
      %gather3A_1102 = arith.constant 1 : i32
      %gather3A_1103 = arith.constant 2 : i32
      %gather3A_1104 = arith.constant 0 : i32
      %gather3A_1105 = arith.constant 0 : i32
      %gather3A_1106 = tpu.memref_slice %arg11[%gather3A_1102, %gather3A_1103, %gather3A_1104, %gather3A_1105] : memref<2x4x32x128xf32, #tpu.memory_space<vmem>> -> memref<1x1x32x128xf32, #tpu.memory_space<vmem>>
      %gather3A_1107 = tpu.memref_squeeze %gather3A_1106 : memref<1x1x32x128xf32, #tpu.memory_space<vmem>> -> memref<32x128xf32, #tpu.memory_space<vmem>>
      %gather3A_1108 = tpu.vector_load_idx %gather3A_1107[%iota3A_8, %broadcast_in_dim3A_1087] : memref<32x128xf32, #tpu.memory_space<vmem>>[vector<16xi32>, vector<16xi32>], vector<16xf32>,
      %gather3A_1109 = arith.constant 1 : i32
      %gather3A_1110 = arith.constant 2 : i32
      %gather3A_1111 = arith.constant 0 : i32
      %gather3A_1112 = arith.constant 0 : i32
      %gather3A_1113 = tpu.memref_slice %arg11[%gather3A_1109, %gather3A_1110, %gather3A_1111, %gather3A_1112] : memref<2x4x32x128xf32, #tpu.memory_space<vmem>> -> memref<1x1x32x128xf32, #tpu.memory_space<vmem>>
      %gather3A_1114 = tpu.memref_squeeze %gather3A_1113 : memref<1x1x32x128xf32, #tpu.memory_space<vmem>> -> memref<32x128xf32, #tpu.memory_space<vmem>>
      %gather3A_1115 = tpu.vector_load_idx %gather3A_1114[%add3A_11, %broadcast_in_dim3A_1087] : memref<32x128xf32, #tpu.memory_space<vmem>>[vector<16xi32>, vector<16xi32>], vector<16xf32>,
      %mul3A_1116 = arith.mulf %gather3A_1094, %gather3A_1108 : vector<16xf32>
      %mul3A_1117 = arith.mulf %mul3A_1116, %get3A_3 : vector<16xf32>
      %mul3A_1118 = arith.mulf %gather3A_1101, %gather3A_1115 : vector<16xf32>
      %mul3A_1119 = arith.mulf %mul3A_1118, %get3A_5 : vector<16xf32>
      %add3A_1120 = arith.addf %mul3A_1117, %mul3A_1119 : vector<16xf32>
      %reduce_sum3A_1121 = arith.constant true
      %reduce_sum3A_1122 = vector.broadcast %reduce_sum3A_1121 : i1 to vector<16xi1>
      %reduce_sum3A_1123 = tpu.scan <sum>, %add3A_1120 masked %reduce_sum3A_1122 : vector<16xf32>, vector<16xi1> -> vector<16xf32>
      %reduce_sum3A_1124 = vector.extract %reduce_sum3A_1123[15] : f32 from vector<16xf32>
      %add3A_1125 = arith.addf %reduce_sum3A_1124, %squeeze3A : f32
      %add3A_1126 = arith.constant 2 : i32
      %add3A_1127 = arith.addi %mul3A_969, %add3A_1126 : i32
      %eq3A_1128 = vector.broadcast %add3A_1127 : i32 to vector<16xi32>
      %eq3A_1129 = arith.cmpi eq, %iota3A, %eq3A_1128 : vector<16xi32>
      %broadcast_in_dim3A_1130 = vector.broadcast %add3A_1125 : f32 to vector<16xf32>
      %select_n3A_1131 = arith.select %eq3A_1129, %broadcast_in_dim3A_1130, %select_n3A_1077 : vector<16xi1>, vector<16xf32>
      %slice3A_1132 = vector.extract_strided_slice %get3A_779 {offsets = [3], sizes = [1], strides = [1]} : vector<16xi32> to vector<1xi32>
      %squeeze3A_1133 = vector.extract %slice3A_1132[0] : i32 from vector<1xi32>
      %and3A_1134 = arith.constant 127 : i32
      %and3A_1135 = arith.andi %squeeze3A_1133, %and3A_1134 : i32
      %broadcast_in_dim3A_1136 = vector.broadcast %and3A_1135 : i32 to vector<16xi32>
      %slice3A_1137 = vector.extract_strided_slice %get3A_783 {offsets = [3], sizes = [1], strides = [1]} : vector<16xi32> to vector<1xi32>
      %squeeze3A_1138 = vector.extract %slice3A_1137[0] : i32 from vector<1xi32>
      %and3A_1139 = arith.constant 127 : i32
      %and3A_1140 = arith.andi %squeeze3A_1138, %and3A_1139 : i32
      %broadcast_in_dim3A_1141 = vector.broadcast %and3A_1140 : i32 to vector<16xi32>
      %gather3A_1142 = arith.constant 1 : i32
      %gather3A_1143 = arith.constant 3 : i32
      %gather3A_1144 = arith.constant 0 : i32
      %gather3A_1145 = arith.constant 0 : i32
      %gather3A_1146 = tpu.memref_slice %arg10[%gather3A_1142, %gather3A_1143, %gather3A_1144, %gather3A_1145] : memref<2x4x32x128xf32, #tpu.memory_space<vmem>> -> memref<1x1x32x128xf32, #tpu.memory_space<vmem>>
      %gather3A_1147 = tpu.memref_squeeze %gather3A_1146 : memref<1x1x32x128xf32, #tpu.memory_space<vmem>> -> memref<32x128xf32, #tpu.memory_space<vmem>>
      %gather3A_1148 = tpu.vector_load_idx %gather3A_1147[%iota3A_8, %broadcast_in_dim3A_1136] : memref<32x128xf32, #tpu.memory_space<vmem>>[vector<16xi32>, vector<16xi32>], vector<16xf32>,
      %gather3A_1149 = arith.constant 1 : i32
      %gather3A_1150 = arith.constant 3 : i32
      %gather3A_1151 = arith.constant 0 : i32
      %gather3A_1152 = arith.constant 0 : i32
      %gather3A_1153 = tpu.memref_slice %arg10[%gather3A_1149, %gather3A_1150, %gather3A_1151, %gather3A_1152] : memref<2x4x32x128xf32, #tpu.memory_space<vmem>> -> memref<1x1x32x128xf32, #tpu.memory_space<vmem>>
      %gather3A_1154 = tpu.memref_squeeze %gather3A_1153 : memref<1x1x32x128xf32, #tpu.memory_space<vmem>> -> memref<32x128xf32, #tpu.memory_space<vmem>>
      %gather3A_1155 = tpu.vector_load_idx %gather3A_1154[%add3A_11, %broadcast_in_dim3A_1136] : memref<32x128xf32, #tpu.memory_space<vmem>>[vector<16xi32>, vector<16xi32>], vector<16xf32>,
      %gather3A_1156 = arith.constant 1 : i32
      %gather3A_1157 = arith.constant 3 : i32
      %gather3A_1158 = arith.constant 0 : i32
      %gather3A_1159 = arith.constant 0 : i32
      %gather3A_1160 = tpu.memref_slice %arg11[%gather3A_1156, %gather3A_1157, %gather3A_1158, %gather3A_1159] : memref<2x4x32x128xf32, #tpu.memory_space<vmem>> -> memref<1x1x32x128xf32, #tpu.memory_space<vmem>>
      %gather3A_1161 = tpu.memref_squeeze %gather3A_1160 : memref<1x1x32x128xf32, #tpu.memory_space<vmem>> -> memref<32x128xf32, #tpu.memory_space<vmem>>
      %gather3A_1162 = tpu.vector_load_idx %gather3A_1161[%iota3A_8, %broadcast_in_dim3A_1141] : memref<32x128xf32, #tpu.memory_space<vmem>>[vector<16xi32>, vector<16xi32>], vector<16xf32>,
      %gather3A_1163 = arith.constant 1 : i32
      %gather3A_1164 = arith.constant 3 : i32
      %gather3A_1165 = arith.constant 0 : i32
      %gather3A_1166 = arith.constant 0 : i32
      %gather3A_1167 = tpu.memref_slice %arg11[%gather3A_1163, %gather3A_1164, %gather3A_1165, %gather3A_1166] : memref<2x4x32x128xf32, #tpu.memory_space<vmem>> -> memref<1x1x32x128xf32, #tpu.memory_space<vmem>>
      %gather3A_1168 = tpu.memref_squeeze %gather3A_1167 : memref<1x1x32x128xf32, #tpu.memory_space<vmem>> -> memref<32x128xf32, #tpu.memory_space<vmem>>
      %gather3A_1169 = tpu.vector_load_idx %gather3A_1168[%add3A_11, %broadcast_in_dim3A_1141] : memref<32x128xf32, #tpu.memory_space<vmem>>[vector<16xi32>, vector<16xi32>], vector<16xf32>,
      %mul3A_1170 = arith.mulf %gather3A_1148, %gather3A_1162 : vector<16xf32>
      %mul3A_1171 = arith.mulf %mul3A_1170, %get3A_3 : vector<16xf32>
      %mul3A_1172 = arith.mulf %gather3A_1155, %gather3A_1169 : vector<16xf32>
      %mul3A_1173 = arith.mulf %mul3A_1172, %get3A_5 : vector<16xf32>
      %add3A_1174 = arith.addf %mul3A_1171, %mul3A_1173 : vector<16xf32>
      %reduce_sum3A_1175 = arith.constant true
      %reduce_sum3A_1176 = vector.broadcast %reduce_sum3A_1175 : i1 to vector<16xi1>
      %reduce_sum3A_1177 = tpu.scan <sum>, %add3A_1174 masked %reduce_sum3A_1176 : vector<16xf32>, vector<16xi1> -> vector<16xf32>
      %reduce_sum3A_1178 = vector.extract %reduce_sum3A_1177[15] : f32 from vector<16xf32>
      %add3A_1179 = arith.addf %reduce_sum3A_1178, %squeeze3A : f32
      %add3A_1180 = arith.constant 3 : i32
      %add3A_1181 = arith.addi %mul3A_969, %add3A_1180 : i32
      %eq3A_1182 = vector.broadcast %add3A_1181 : i32 to vector<16xi32>
      %eq3A_1183 = arith.cmpi eq, %iota3A, %eq3A_1182 : vector<16xi32>
      %broadcast_in_dim3A_1184 = vector.broadcast %add3A_1179 : f32 to vector<16xf32>
      %select_n3A_1185 = arith.select %eq3A_1183, %broadcast_in_dim3A_1184, %select_n3A_1131 : vector<16xi1>, vector<16xf32>
      %jit3A_1186 = arith.constant 2 : i32
      %eq3A_1187 = arith.constant 0 : i32
      %eq3A_1188 = arith.cmpi eq, %jit3A_1186, %eq3A_1187 : i32
      %jit3A_1189 = arith.constant 1 : i32
      %select_n3A_1190 = arith.select %eq3A_1188, %jit3A_1189, %jit3A_1186 : i32
      %rem3A_1191 = arith.remsi %scan3A_186, %select_n3A_1190 : i32
      %ne3A_1192 = arith.constant 0 : i32
      %ne3A_1193 = arith.cmpi ne, %rem3A_1191, %ne3A_1192 : i32
      %lt3A_1194 = arith.constant 0 : i32
      %lt3A_1195 = arith.cmpi slt, %rem3A_1191, %lt3A_1194 : i32
      %lt3A_1196 = arith.constant 0 : i32
      %lt3A_1197 = arith.cmpi slt, %select_n3A_1190, %lt3A_1196 : i32
      %ne3A_1198 = arith.xori %lt3A_1195, %lt3A_1197 : i1
      %and3A_1199 = arith.andi %ne3A_1198, %ne3A_1193 : i1
      %add3A_1200 = arith.addi %rem3A_1191, %select_n3A_1190 : i32
      %select_n3A_1201 = arith.select %and3A_1199, %add3A_1200, %rem3A_1191 : i32
      %eq3A_1202 = arith.constant 1 : i32
      %eq3A_1203 = arith.cmpi eq, %select_n3A_1201, %eq3A_1202 : i32
      %convert_element_type3A_1204 = arith.extui %eq3A_1203 : i1 to i32
      %cond3A_1205 = arith.constant 0 : i32
      %cond3A_1206 = arith.cmpi ne, %convert_element_type3A_1204, %cond3A_1205 : i32
      scf.if %cond3A_1206 {
        %jit3A_1207 = arith.constant 2 : i32
        %div3A = arith.divsi %scan3A_186, %jit3A_1207 : i32
        %sign3A = arith.constant 0 : i32
        %sign3A_1208 = arith.cmpi sgt, %scan3A_186, %sign3A : i32
        %sign3A_1209 = arith.extui %sign3A_1208 : i1 to i32
        %sign3A_1210 = arith.constant 0 : i32
        %sign3A_1211 = arith.cmpi slt, %scan3A_186, %sign3A_1210 : i32
        %sign3A_1212 = arith.extui %sign3A_1211 : i1 to i32
        %sign3A_1213 = arith.subi %sign3A_1209, %sign3A_1212 : i32
        %sign3A_1214 = arith.constant 0 : i32
        %sign3A_1215 = arith.cmpi sgt, %jit3A_1207, %sign3A_1214 : i32
        %sign3A_1216 = arith.extui %sign3A_1215 : i1 to i32
        %sign3A_1217 = arith.constant 0 : i32
        %sign3A_1218 = arith.cmpi slt, %jit3A_1207, %sign3A_1217 : i32
        %sign3A_1219 = arith.extui %sign3A_1218 : i1 to i32
        %sign3A_1220 = arith.subi %sign3A_1216, %sign3A_1219 : i32
        %ne3A_1221 = arith.cmpi ne, %sign3A_1213, %sign3A_1220 : i32
        %rem3A_1222 = arith.remsi %scan3A_186, %jit3A_1207 : i32
        %ne3A_1223 = arith.constant 0 : i32
        %ne3A_1224 = arith.cmpi ne, %rem3A_1222, %ne3A_1223 : i32
        %and3A_1225 = arith.andi %ne3A_1221, %ne3A_1224 : i1
        %sub3A = arith.constant 1 : i32
        %sub3A_1226 = arith.subi %div3A, %sub3A : i32
        %select_n3A_1227 = arith.select %and3A_1225, %sub3A_1226, %div3A : i32
        %mul3A_1228 = arith.constant 16 : i32
        %mul3A_1229 = arith.muli %select_n3A_1227, %mul3A_1228 : i32
        %swap3A = arith.index_cast %mul3A_1229 : i32 to index
        %swap3A_1230 = tpu.vector_load %arg12[%swap3A] {strides = array<i32>} : memref<512xf32, #tpu.memory_space<vmem>>, vector<16xf32>,
        tpu.vector_store %arg12[%swap3A], %select_n3A_1185 {strides = array<i32>} : memref<512xf32, #tpu.memory_space<vmem>>, vector<16xf32>,
      } else {
      }
      scf.yield %select_n3A_1185 : vector<16xf32>
    }
    %scan3A_185 = arith.constant 64 : i32
    "tpu.region"() ({
      %run_scoped3A = tpu.sem_alloc : memref<!tpu.dma_semaphore, #tpu.memory_space<semaphore_mem>>
      %dma_start3A_186 = tpu.memref_slice %arg7[%mul3A_2] : memref<16384xf32, #tpu.memory_space<hbm>> -> memref<512xf32, #tpu.memory_space<hbm>>
      %dma_start3A_187 = tpu.memref_slice %arg7[%mul3A_2] : memref<16384xf32, #tpu.memory_space<hbm>> -> memref<512xf32, #tpu.memory_space<hbm>>
      tpu.enqueue_dma source(%arg12 : memref<512xf32, #tpu.memory_space<vmem>>) target(%dma_start3A_187 : memref<512xf32, #tpu.memory_space<hbm>>) target_semaphore(%run_scoped3A : memref<!tpu.dma_semaphore, #tpu.memory_space<semaphore_mem>>)
      %dma_wait3A = tpu.memref_slice %arg7[%mul3A_2] : memref<16384xf32, #tpu.memory_space<hbm>> -> memref<512xf32, #tpu.memory_space<hbm>>
      %dma_wait3A_188 = tpu.memref_slice %arg7[%mul3A_2] : memref<16384xf32, #tpu.memory_space<hbm>> -> memref<512xf32, #tpu.memory_space<hbm>>
      tpu.wait_dma2 semaphore(%run_scoped3A : memref<!tpu.dma_semaphore, #tpu.memory_space<semaphore_mem>>) src(%arg12 : memref<512xf32, #tpu.memory_space<vmem>>) dst(%dma_wait3A_188 : memref<512xf32, #tpu.memory_space<hbm>>)
      tpu.yield
    }) : () -> ()
    return
  }
}

</mosaic_0001>

<sc_bundles>
// kernel: kernel.3.cloned.1.call-start
scs
__scs_entry_jumppad:
0x0: {  	(pc) =	sbr.rel $0x88, $3  }
0x1: {  	(tag) =	ssettag $0x0;
	lr =	simm.s32 $0x1  }
0x2: {  	[smem:$0x3F9B] =	sst lr;
	_ =	strace $0xD0000000  }
0x3: {  	_ = 	snop  }
0x4: {  	_ = 	snop  }
0x5: {  	_ = 	snop  }
0x6: {  	_ = 	snop  }
0x7: {  	_ = 	snop  }
__scs_overlays_trampoline_lowered:
0x8: {  	[smem:$0x3FAA] =	sst s0  }
0x9: {  	[smem:$0x3FAB] =	sst s1  }
0xa: {  	[smem:$0x3FAC] =	sst s2  }
0xb: {  	[smem:$0x3FAD] =	sst s3  }
0xc: {  	[smem:$0x3FAE] =	sst s4  }
0xd: {  	[smem:$0x3FAF] =	sst s5  }
0xe: {  	[smem:$0x3FB0] =	sst s6  }
0xf: {  	[smem:$0x3FB1] =	sst s7  }
0x10: {  	[smem:$0x3FB2] =	sst s8  }
0x11: {  	[smem:$0x3FB3] =	sst s9;
	s0 =	simm.s32 @!p0 $0x0  }
0x12: {  	s1 =	sld [smem:$0x3F99];
	s0 =	simm.s32 @p0 $0x1  }
0x13: {  	[smem:$0x3FB4] =	sst s0;
	s0 =	simm.s32 @!p1 $0x0  }
0x14: {  	s2 =	sld [smem:$0x3F98];
	s0 =	simm.s32 @p1 $0x1  }
0x15: {  	[smem:$0x3FB5] =	sst s0;
	s0 =	simm.s32 @!p2 $0x0  }
0x16: {  	s3 =	sld [smem:$0x3FDB];
	s0 =	simm.s32 @p2 $0x1  }
0x17: {  	s4 =	simm.s32 $0x1BF5;
	[smem:$0x3FB7] =	sst s0  }
0x18: {  	s0 =	sld [smem:$0x3F9A];
	_ =	swait.ge [sflag:s4], $0x0  }
0x19: {  	s7 =	sld [smem:$0x3F9B]  }
0x1a: {  	s8 =	sadd.s32 $0xFFFFE003, lr  }
0x1b: {  	s9 =	sadd.s32 $0xFFFFFEF7, lr;
	s5 =	simm.s32 $0xFFFFFFFF;
	p2 =	slt.u32 s8, $0xFFFFF086  }
0x1c: {  	p1 =	slt.u32 s9, $0xF7A;
	s5 =	simm.s32 @!p2 $0x0  }
0x1d: {  	s5 =	simm.s32 @p1 $0x1;
	p0 =	seq.s32 s7, s2  }
0x1e: {  	s7 =	smul.u32 @!p0 $0xF7A, s2;
	p2 =	seq.s32 @!p0 s5, $0x0  }
0x1f: {  	s9 =	smul.u32 $0xF7A, s1;
	s8 =	simm.s32 @!p0 $0x1BF5;
	p2 =	por !p2, p0  }
0x20: {  	[sflag:s8] =	ssyncset.s32 @!p0 $0xFFFFF086;
	s6 =	sadd.s32 @!p0 s3, s7;
	s7 =	simm.s32 @!p0 $0x108  }
0x21: {  	s3 =	sadd.s32 s3, s9;
	s6 =	sadd.s32 @!p0 $0x88, s6;
	s7 =	simm.s32 @p2 $0x1082  }
0x22: {  	[simem:s7], [sflag:s8] =	dma.local @!p0 [hbm:s6], $0xF7A  }
0x23: {  	s9 =	sor.u32 $0xD0000000, s2;
	s6 =	simm.s32 $0x108;
	_ =	swait.ge @!p0 [sflag:s8], $0x0  }
0x24: {  	s3 =	sadd.s32 $0x88, s3;
	s6 =	simm.s32 @!p1 $0x1082;
	[sflag:s4] =	ssyncset.s32 $0xFFFFF086  }
0x25: {  	[simem:s6], [sflag:s4] =	dma.local [hbm:s3], $0xF7A  }
0x26: {  	[smem:$0x3F9B] =	sst s1;
	(tag) =	ssettag s2;
	_ =	strace s9  }
0x27: {  	s1 =	sld [smem:$0x3FAB]  }
0x28: {  	s2 =	sld [smem:$0x3FAC]  }
0x29: {  	s4 =	sld [smem:$0x3FAE]  }
0x2a: {  	p0 =	seq.s32 s5, $0x0;
	s5 =	sld [smem:$0x3FAF]  }
0x2b: {  	s6 =	sld [smem:$0x3FB0]  }
0x2c: {  	s7 =	sld [smem:$0x3FB1]  }
0x2d: {  	s3 =	simm.s32 $0x108;
	s8 =	sld [smem:$0x3FB2]  }
0x2e: {  	s3 =	simm.s32 @!p0 $0x1082;
	s9 =	sld [smem:$0x3FB3]  }
0x2f: {  	lr =	sadd.s32 s0, s3;
	s0 =	sld [smem:$0x3FAA]  }
0x30: {  	s3 =	sld [smem:$0x3FAD]  }
0x31: {  	[smem:$0x3FB6] =	sst s10  }
0x32: {  	s10 =	sld [smem:$0x3FB4];
	_ =	sdelay $0x3  }
0x33: {  	p0 =	seq.s32 s10, $0x1;
	s10 =	sld [smem:$0x3FB6];
	_ =	sdelay $0x3  }
0x34: {  	[smem:$0x3FB6] =	sst s10  }
0x35: {  	s10 =	sld [smem:$0x3FB5];
	_ =	sdelay $0x3  }
0x36: {  	p1 =	seq.s32 s10, $0x1;
	s10 =	sld [smem:$0x3FB6];
	_ =	sdelay $0x3  }
0x37: {  	[smem:$0x3FB6] =	sst s10  }
0x38: {  	s10 =	sld [smem:$0x3FB7]  }
0x39: {  	_ = 	snop;
	(pc) =	sbr.ind lr, $3  }
0x3a: {  	_ = 	snop  }
0x3b: {  	_ = 	snop  }
0x3c: {  	p2 =	seq.s32 s10, $0x1;
	s10 =	sld [smem:$0x3FB6]  }
0x3d: {  	_ =	shalt  }
0x3e: {  	_ =	shalt  }
0x3f: {  	_ =	shalt  }
0x40: {  	_ =	shalt  }
0x41: {  	_ =	shalt  }
0x42: {  	_ =	shalt  }
0x43: {  	_ =	shalt  }
0x44: {  	_ =	shalt  }
0x45: {  	_ =	shalt  }
0x46: {  	_ =	shalt  }
0x47: {  	_ =	shalt  }
0x48: {  	_ =	shalt  }
0x49: {  	_ =	shalt  }
0x4a: {  	_ =	shalt  }
0x4b: {  	_ =	shalt  }
0x4c: {  	_ =	shalt  }
0x4d: {  	_ =	shalt  }
0x4e: {  	_ =	shalt  }
0x4f: {  	_ =	shalt  }
0x50: {  	_ =	shalt  }
0x51: {  	_ =	shalt  }
0x52: {  	_ =	shalt  }
0x53: {  	_ =	shalt  }
0x54: {  	_ =	shalt  }
0x55: {  	_ =	shalt  }
0x56: {  	_ =	shalt  }
0x57: {  	_ =	shalt  }
0x58: {  	_ =	shalt  }
0x59: {  	_ =	shalt  }
0x5a: {  	_ =	shalt  }
0x5b: {  	_ =	shalt  }
0x5c: {  	_ =	shalt  }
0x5d: {  	_ =	shalt  }
0x5e: {  	_ =	shalt  }
0x5f: {  	_ =	shalt  }
0x60: {  	_ =	shalt  }
0x61: {  	_ =	shalt  }
0x62: {  	_ =	shalt  }
0x63: {  	_ =	shalt  }
0x64: {  	_ =	shalt  }
0x65: {  	_ =	shalt  }
0x66: {  	_ =	shalt  }
0x67: {  	_ =	shalt  }
0x68: {  	_ =	shalt  }
0x69: {  	_ =	shalt  }
0x6a: {  	_ =	shalt  }
0x6b: {  	_ =	shalt  }
0x6c: {  	_ =	shalt  }
0x6d: {  	_ =	shalt  }
0x6e: {  	_ =	shalt  }
0x6f: {  	_ =	shalt  }
0x70: {  	_ =	shalt  }
0x71: {  	_ =	shalt  }
0x72: {  	_ =	shalt  }
0x73: {  	_ =	shalt  }
0x74: {  	_ =	shalt  }
0x75: {  	_ =	shalt  }
0x76: {  	_ =	shalt  }
0x77: {  	_ =	shalt  }
0x78: {  	_ =	shalt  }
0x79: {  	_ =	shalt  }
0x7a: {  	_ =	shalt  }
0x7b: {  	_ =	shalt  }
0x7c: {  	_ =	shalt  }
0x7d: {  	_ =	shalt  }
0x7e: {  	_ =	shalt  }
0x7f: {  	_ =	shalt  }
0x80: {  	_ =	shalt  }
0x81: {  	_ =	shalt  }
0x82: {  	_ =	shalt  }
0x83: {  	_ =	shalt  }
0x84: {  	_ =	shalt  }
0x85: {  	_ =	shalt  }
0x86: {  	_ =	shalt  }
0x87: {  	_ =	shalt  }
.Lfunc_end0:
.L_simem_size_0:
called_computation_lowered:
.L_overlay_start_0:
0x88: {  	s2 =	sld [smem:$0x3FD9]  }
0x89: {  	s3 =	sld [smem:$0x3FFE];
	_ =	sdelay $0x1  }
0x8a: {  	s1 =	srdreg.scid  }
0x8b: {  	s0 =	sand.u32 $0x1, s1  }
0x8c: {  	s17 =	sshll.u32 s0, $0xA;
	s2 =	sadd.s32 s3, s2  }
0x8d: {  	s2 =	sadd.s32 s2, s17  }
0x8e: {  	[smem:$0x3FC2] =	sst s2  }
0x8f: {  	_ = 	snop  }
0x90: {  	s2 =	sld [smem:$0x3FC9]  }
0x91: {  	s18 =	sld [smem:$0x3FC8]  }
0x92: {  	s4 =	sld [smem:$0x3FC7]  }
0x93: {  	s5 =	sld [smem:$0x3FC6]  }
0x94: {  	s6 =	sld [smem:$0x3FD0];
	(tm) =	ssettm $0x1  }
0x95: {  	s7 =	sld [smem:$0x3FFB];
	_ =	sdelay $0x3  }
0x96: {  	_ =	strace s7  }
0x97: {  	s7 =	sld [smem:$0x3FFC];
	_ =	sdelay $0x3  }
0x98: {  	_ =	strace s7  }
0x99: {  	s7 =	sld [smem:$0x3FFD];
	_ =	sdelay $0x3  }
0x9a: {  	_ =	strace s7  }
0x9b: {  	_ =	strace $0x8FFFFFFF  }
0x9c: {  	s19 =	sld [smem:$0x3FDB];
	_ =	sdelay $0x1  }
0x9d: {  	s8 =	simm.s32 $_scs_section_size  }
0x9e: {  	s9 =	simm.s32 $_size__tile_overlayer_lowered;
	s10 =	simm.s32 $_tile_overlayer_lowered  }
0x9f: {  	s22 =	simm.s32 $0x1BFF;
	s21 =	sshll.u32 s10, $0x1;
	s7 =	sadd.s32 s8, s19  }
0xa0: {  	s11 =	simm.s32 $0x0;
	s20 =	sshll.u32 s9, $0x1;
	s9 =	sadd.s32 s21, s7  }
0xa1: {  	[timem:s11], [sflag:s22] =	dma.local [hbm:s9], s20  }
0xa2: {  	_ =	swait.ge [sflag:s22], s20  }
0xa3: {  	s8 =	ssub.s32 $0x0, s20;
	[sflag:s22] =	ssyncset.done $0x0  }
0xa4: {  	[sflag:s22] =	ssyncadd.s32 s8;
	_ =	sdelay $0x1  }
0xa5: {  	s23 =	simm.s32 $0x1B8B  }
0xa6: {  	_ =	swait.ge [sflag:s23], $0x1  }
0xa7: {  	[sflag:s23] =	ssyncset.done $0x0  }
0xa8: {  	s25 =	simm.s32 $0x1B8E;
	s24 =	sld [smem:$0x3FFE];
	[sflag:s23] =	ssyncadd.s32 $0xFFFFFFFF  }
0xa9: {  	s26 =	simm.s32 $execute0_lowered;
	[smem:$0x3FD2] =	sst s25  }
0xaa: {  	s9 =	sshll.u32 s26, $0x1;
	_ =	strace $0x80000046;
	[dreg:$0x1] =	wrdreg $0xFFFFFFFF  }
0xab: {  	s28 =	simm.s32 $_size_execute0_lowered;
	s7 =	sadd.s32 s7, s9;
	[dreg:$0x0] =	wrdreg $0x0  }
0xac: {  	s9 =	sshll.u32 s28, $0x1;
	[dreg:$0x2] =	wrdreg s7  }
0xad: {  	[dreg:$0x3] =	wrdreg s9  }
0xae: {  	[dreg:$0x4] =	wrdreg $0xC0  }
0xaf: {  	_ =	task [dreg:s11], $0x5FFFF  }
0xb0: {  	[dreg:$0x1] =	wrdreg $0xFFFFFFFF  }
0xb1: {  	[dreg:$0x0] =	wrdreg $0x60  }
0xb2: {  	[dreg:$0x2] =	wrdreg s2  }
0xb3: {  	[dreg:$0x3] =	wrdreg s18  }
0xb4: {  	[dreg:$0x4] =	wrdreg s4  }
0xb5: {  	[dreg:$0x5] =	wrdreg s5  }
0xb6: {  	[dreg:$0x6] =	wrdreg s24  }
0xb7: {  	[dreg:$0x7] =	wrdreg s6  }
0xb8: {  	[dreg:$0x8] =	wrdreg $0x9  }
0xb9: {  	_ =	task.clear_ibuf [dreg:s11], $0x9FFFF;
	_ =	strace $0x90000046  }
0xba: {  	s29 =	simm.s32 $0x9;
	_ =	strace $0x80000048  }
0xbb: {  	_ =	swait.ge [sflag:s29], $0x1  }
0xbc: {  	[sflag:s29] =	ssyncadd.s32 $0xFFFFFFFF  }
0xbd: {  	_ =	strace $0x90000048  }
0xbe: {  	_ =	sfence  }
0xbf: {  	s30 =	sld [smem:$0x0];
	_ =	sdelay $0x2  }
0xc0: {  	s31 =	sshll.u32 s1, $0xD;
	s1 =	sshrl.u32 s1, $0x2  }
0xc1: {  	s3 =	sand.u32 $0x4000, s31;
	s1 =	sadd.s32 s1, s30  }
0xc2: {  	s0 =	sor.u32 s3, s0;
	s1 =	sshll.u32 s1, $0x11  }
0xc3: {  	s0 =	sor.u32 s1, s0  }
0xc4: {  	s0 =	sadd.s32 $0x8F2B, s0  }
0xc5: {  	[sflag:s0] =	ssyncadd.remote.s32 $0x1  }
0xc6: {  	_ =	sfence.sel $0xFFFF  }
0xc7: {  	[dreg:$0x0] =	wrdreg $0xFFFFFFFF;
	(pc) =	sbr.abs _section_cstart, $3  }
0xc8: {  	[dreg:$0x1] =	wrdreg $0xFFFFFFFF  }
0xc9: {  	_ =	task.clear_ibuf [dreg:s11], $0x2FFFF;
	_ =	strace $0x9FFFFFFF  }
0xca: {  	(tm) =	ssettm $0x7FFFFFFF  }
0xcb: {  	_ =	shalt  }
tec
execute0_lowered:
.L_overlay_start_1:
0x0: {  	(tag) =	ssettag $0x1  }
0x1: {  	s0 =	rddreg [dreg:$0x0]  }
0x2: {  	s3 =	rddreg [dreg:$0x1]  }
0x3: {  	s2 =	rddreg [dreg:$0x2]  }
0x4: {  	s13 =	rddreg [dreg:$0x3]  }
0x5: {  	s4 =	rddreg [dreg:$0x4]  }
0x6: {  	s5 =	rddreg [dreg:$0x5];
	s17 =	simm.s32 $0x0;
	s6 =	srdreg.scid  }
0x7: {  	s8 =	stileid.u32;
	s1 =	simm.s32 $0x400;
	s10 =	simm.s32 $0x7A1400  }
0x8: {  	s29 =	simm.s32 $0x500;
	s20 =	simm.s32 $0x8500;
	s21 =	simm.s32 $0x1500  }
0x9: {  	s22 =	simm.s32 $0x9500;
	s15 =	simm.s32 $0x3500;
	s16 =	simm.s32 $0xB500  }
0xa: {  	s18 =	simm.s32 $0x4500;
	s28 =	simm.s32 $0xD500;
	s14 =	simm.s32 $0x6500  }
0xb: {  	s30 =	simm.s32 $0xE500;
	s19 =	simm.s32 $0x7500;
	s11 =	simm.s32 $0x2  }
0xc: {  	s12 =	simm.s32 $0x4;
	s31 =	simm.s32 $0x400;
	[smem:$0x7FF] =	sst s17  }
0xd: {  	s6 =	sand.u32 $0x1, s6;
	s8 =	sshll.u32 s8, $0x7;
	s4 =	sadd.s32 $0x400, s4  }
0xe: {  	s7 =	ssub.s32 $0x2, s6;
	s6 =	sshll.u32 s6, $0x6;
	_ =	strace $0x80000047  }
0xf: {  	[dreg:$0x7] =	wrdreg s4;
	s9 =	sshrl.u32 s7, $0x1;
	s6 =	sor.u32 s6, s8  }
0x10: {  	s23 =	ssub.s32 s7, s9;
	s0 =	sadd.s32 s0, s6;
	s24 =	sadd.s32 s3, s6  }
0x11: {  	s25 =	sadd.s32 s5, s6;
	s5 =	simm.s32 $0x5;
	[dreg:$0x8] =	wrdreg s0  }
0x12: {  	v0 =	vlaneseq.u32;
	s9 =	simm.s32 $0xF500;
	s3 =	simm.s32 $0x3;
	[dreg:$0x9] =	wrdreg s24  }
0x13: {  	v1 =	vmul.u32 $0x80, v0;
	s6 =	simm.s32 $0x0;
	[dreg:$0xa] =	wrdreg s25;
	s26 =	smax.u32 s23, $0x1  }
0x14: {  	s24 =	simm.s32 $0x2500;
	s25 =	simm.s32 $0xA500;
	s23 =	simm.s32 $0xC500  }
0x15: {  	v2 =	vor.u32 $0x800, v1;
	s0 =	simm.s32 $0x1;
	[dreg:$0xb] =	wrdreg s26;
	s26 =	simm.s32 $0x5500  }
.LBB2_1:
0x16: {  	[dreg:$0xc] =	wrdreg s6  }
0x17: {  	s4 =	rddreg [dreg:$0x8]  }
0x18: {  	[tilespmem:s17], [sflag:$0x5] =	stream.linear.gather [hbm4b:s4+s17], $0x200, $0x38;
	[tilespmem:$0x10780] =	vst v63  }
0x19: {  	_ =	swait.ge [sflag:s5], $0x200  }
0x1a: {  	[sflag:s5] =	ssyncset.done $0x0  }
0x1b: {  	s8 =	simm.s32 $0x280;
	s7 =	rddreg [dreg:$0x9];
	[sflag:s5] =	ssyncadd.s32 $0xFFFFFE00  }
0x1c: {  	[tilespmem:s8], [sflag:$0x5] =	stream.linear.gather [hbm4b:s7+s17], $0x200, $0x38;
	[tilespmem:$0x10780] =	vst v63  }
0x1d: {  	_ =	swait.ge [sflag:s5], $0x200  }
0x1e: {  	[sflag:s5] =	ssyncset.done $0x0  }
0x1f: {  	s8 =	simm.s32 $0x10700;
	s7 =	rddreg [dreg:$0x7];
	[sflag:s5] =	ssyncadd.s32 $0xFFFFFE00  }
0x20: {  	[tilespmem:s8], [sflag:$0x5] =	stream.linear.gather [hbm4b:s7+s17], $0x80, $0x38;
	[tilespmem:$0x10780] =	vst v63  }
0x21: {  	_ =	swait.ge [sflag:s5], $0x80  }
0x22: {  	[sflag:s5] =	ssyncset.done $0x0  }
0x23: {  	[sflag:s5] =	ssyncadd.s32 $0xFFFFFF80  }
0x24: {  	v9 =	vld [tilespmem:$0x10720]  }
0x25: {  	v5 =	vld [tilespmem:$0x0];
	_ =	sdelay $0x1  }
0x26: {  	v6 =	vld [tilespmem:$0x280];
	_ =	sdelay $0x1  }
0x27: {  	(v2sf) =	vpush v9, $0x0  }
0x28: {  	(v2sf) =	vpush v5, $0x0;
	_ =	sdelay $0x1  }
0x29: {  	(v2sf) =	vpush v6, $0x0;
	_ =	sdelay $0x2  }
0x2a: {  	(v2sf) =	vpush v5, $0x1;
	_ =	sdelay $0x2  }
0x2b: {  	(v2sf) =	vpush v6, $0x1;
	_ =	sdelay $0x2  }
0x2c: {  	(v2sf) =	vpush v5, $0x2;
	_ =	sdelay $0x2  }
0x2d: {  	(v2sf) =	vpush v6, $0x2;
	s6 =	spop (v2sf)  }
0x2e: {  	s5 =	spop (v2sf)  }
0x2f: {  	s4 =	sand.u32 $0xFFFFF80, s5  }
0x30: {  	v3 =	vld [tilespmem:$0x10700];
	(v2sf) =	vpush v5, $0x3;
	s7 =	spop (v2sf);
	s4 =	sadd.s32 s2, s4  }
0x31: {  	v4 =	vld [tilespmem:$0x10710];
	[tilespmem:s29], [sflag:$0x1] =	stream.strided.gather [hbm4b:s4+s1], $0x1000, s10, s1, $0x38  }
0x32: {  	s4 =	sand.u32 $0xFFFFF80, s7  }
0x33: {  	(v2sf) =	vpush v6, $0x3;
	s8 =	spop (v2sf);
	s4 =	sadd.s32 s13, s4  }
0x34: {  	[tilespmem:s20], [sflag:$0x3] =	stream.strided.gather [hbm4b:s4+s1], $0x1000, s10, s1, $0x38;
	[tilespmem:$0x10780] =	vst v63  }
0x35: {  	s4 =	sand.u32 $0xFFFFF80, s8  }
0x36: {  	s5 =	spop (v2sf);
	s4 =	sadd.s32 s2, s4  }
0x37: {  	[tilespmem:s21], [sflag:$0x1] =	stream.strided.gather [hbm4b:s4+s1], $0x1000, s10, s1, $0x38;
	[tilespmem:$0x10780] =	vst v63  }
0x38: {  	s4 =	sand.u32 $0xFFFFF80, s5  }
0x39: {  	s7 =	spop (v2sf);
	s4 =	sadd.s32 s13, s4  }
0x3a: {  	[tilespmem:s22], [sflag:$0x3] =	stream.strided.gather [hbm4b:s4+s1], $0x1000, s10, s1, $0x38;
	[tilespmem:$0x10780] =	vst v63  }
0x3b: {  	s4 =	sand.u32 $0xFFFFF80, s7  }
0x3c: {  	s8 =	spop (v2sf);
	s4 =	sadd.s32 s2, s4  }
0x3d: {  	[tilespmem:s24], [sflag:$0x1] =	stream.strided.gather [hbm4b:s4+s1], $0x1000, s10, s1, $0x38;
	[tilespmem:$0x10780] =	vst v63  }
0x3e: {  	s4 =	sand.u32 $0xFFFFF80, s8  }
0x3f: {  	s5 =	spop (v2sf);
	s4 =	sadd.s32 s13, s4  }
0x40: {  	[tilespmem:s25], [sflag:$0x3] =	stream.strided.gather [hbm4b:s4+s1], $0x1000, s10, s1, $0x38;
	[tilespmem:$0x10780] =	vst v63  }
0x41: {  	s4 =	sand.u32 $0xFFFFF80, s5  }
0x42: {  	s7 =	spop (v2sf);
	s4 =	sadd.s32 s2, s4  }
0x43: {  	[tilespmem:s15], [sflag:$0x1] =	stream.strided.gather [hbm4b:s4+s1], $0x1000, s10, s1, $0x38;
	[tilespmem:$0x10780] =	vst v63  }
0x44: {  	s4 =	sand.u32 $0xFFFFF80, s7  }
0x45: {  	s4 =	sadd.s32 s13, s4  }
0x46: {  	[tilespmem:s16], [sflag:$0x3] =	stream.strided.gather [hbm4b:s4+s1], $0x1000, s10, s1, $0x38;
	[tilespmem:$0x10780] =	vst v63  }
0x47: {  	s4 =	simm.s32 $0x0  }
0x48: {  	v5 =	vld [tilespmem:s4+$0x4];
	_ =	sdelay $0x1  }
0x49: {  	v6 =	vld [tilespmem:s4+$0x284];
	_ =	sdelay $0x2  }
0x4a: {  	(v2sf) =	vpush v5, $0x1  }
0x4b: {  	(v2sf) =	vpush v5, $0x0  }
0x4c: {  	(v2sf) =	vpush v6, $0x0;
	_ =	sdelay $0x2  }
0x4d: {  	(v2sf) =	vpush v6, $0x1;
	_ =	sdelay $0x1  }
0x4e: {  	(v2sf) =	vpush v5, $0x2;
	_ =	sdelay $0x1  }
0x4f: {  	(v2sf) =	vpush v6, $0x2;
	_ =	sdelay $0x1  }
0x50: {  	(v2sf) =	vpush v5, $0x3;
	_ =	sdelay $0x1  }
0x51: {  	(v2sf) =	vpush v6, $0x3;
	_ =	sdelay $0x1  }
0x52: {  	s5 =	spop (v2sf)  }
0x53: {  	s7 =	spop (v2sf)  }
0x54: {  	s7 =	sand.u32 $0xFFFFF80, s7;
	s8 =	spop (v2sf)  }
0x55: {  	s7 =	sadd.s32 s2, s7;
	s8 =	sand.u32 $0xFFFFF80, s8  }
0x56: {  	[tilespmem:s18], [sflag:$0x2] =	stream.strided.gather [hbm4b:s7+s1], $0x1000, s10, s1, $0x38;
	[tilespmem:$0x10780] =	vst v63  }
0x57: {  	s5 =	sand.u32 $0xFFFFF80, s5;
	s7 =	spop (v2sf);
	s8 =	sadd.s32 s13, s8  }
0x58: {  	[tilespmem:s23], [sflag:$0x4] =	stream.strided.gather [hbm4b:s8+s1], $0x1000, s10, s1, $0x38;
	[tilespmem:$0x10780] =	vst v63  }
0x59: {  	s5 =	sadd.s32 s2, s5;
	s7 =	sand.u32 $0xFFFFF80, s7;
	s8 =	spop (v2sf)  }
0x5a: {  	[tilespmem:s26], [sflag:$0x2] =	stream.strided.gather [hbm4b:s5+s1], $0x1000, s10, s1, $0x38;
	[tilespmem:$0x10780] =	vst v63  }
0x5b: {  	s7 =	sadd.s32 s13, s7;
	s5 =	sand.u32 $0xFFFFF80, s8;
	s8 =	spop (v2sf)  }
0x5c: {  	[tilespmem:s28], [sflag:$0x4] =	stream.strided.gather [hbm4b:s7+s1], $0x1000, s10, s1, $0x38;
	[tilespmem:$0x10780] =	vst v63  }
0x5d: {  	s5 =	sadd.s32 s2, s5;
	s7 =	sand.u32 $0xFFFFF80, s8;
	s8 =	spop (v2sf)  }
0x5e: {  	[tilespmem:s14], [sflag:$0x2] =	stream.strided.gather [hbm4b:s5+s1], $0x1000, s10, s1, $0x38;
	[tilespmem:$0x10780] =	vst v63  }
0x5f: {  	s7 =	sadd.s32 s13, s7;
	s5 =	sand.u32 $0xFFFFF80, s8;
	s8 =	spop (v2sf)  }
0x60: {  	[tilespmem:s30], [sflag:$0x4] =	stream.strided.gather [hbm4b:s7+s1], $0x1000, s10, s1, $0x38;
	[tilespmem:$0x10780] =	vst v63  }
0x61: {  	s8 =	sand.u32 $0xFFFFF80, s8;
	s5 =	sadd.s32 s2, s5  }
0x62: {  	[tilespmem:s19], [sflag:$0x2] =	stream.strided.gather [hbm4b:s5+s1], $0x1000, s10, s1, $0x38;
	[tilespmem:$0x10780] =	vst v63  }
0x63: {  	s8 =	sadd.s32 s13, s8  }
0x64: {  	[tilespmem:s9], [sflag:$0x4] =	stream.strided.gather [hbm4b:s8+s1], $0x1000, s10, s1, $0x38;
	[tilespmem:$0x10780] =	vst v63  }
0x65: {  	v5 =	vld [tilespmem:s4+$0x0]  }
0x66: {  	v6 =	vld [tilespmem:s4+$0x280];
	_ =	swait.ge [sflag:s0], $0x1000  }
0x67: {  	[sflag:s0] =	ssyncset.done $0x0  }
0x68: {  	[sflag:s0] =	ssyncadd.s32 $0xFFFFF000  }
0x69: {  	_ =	swait.ge [sflag:s3], $0x1000  }
0x6a: {  	(v2sf) =	vpush v5, $0x2  }
0x6b: {  	[sflag:s3] =	ssyncset.done $0x0;
	(v2sf) =	vpush v6, $0x0  }
0x6c: {  	[sflag:s3] =	ssyncadd.s32 $0xFFFFF000;
	(v2sf) =	vpush v5, $0x0  }
0x6d: {  	_ =	swait.ge [sflag:s0], $0x1000  }
0x6e: {  	(v2sf) =	vpush v6, $0x1;
	[sflag:s0] =	ssyncset.done $0x0  }
0x6f: {  	[sflag:s0] =	ssyncadd.s32 $0xFFFFF000;
	(v2sf) =	vpush v6, $0x2  }
0x70: {  	_ =	swait.ge [sflag:s3], $0x1000  }
0x71: {  	(v2sf) =	vpush v6, $0x3  }
0x72: {  	[sflag:s3] =	ssyncset.done $0x0;
	(v2sf) =	vpush v5, $0x1  }
0x73: {  	[sflag:s3] =	ssyncadd.s32 $0xFFFFF000;
	(v2sf) =	vpush v5, $0x3  }
0x74: {  	_ =	swait.ge [sflag:s0], $0x1000  }
0x75: {  	[sflag:s0] =	ssyncset.done $0x0  }
0x76: {  	[sflag:s0] =	ssyncadd.s32 $0xFFFFF000  }
0x77: {  	_ =	swait.ge [sflag:s3], $0x1000  }
0x78: {  	[sflag:s3] =	ssyncset.done $0x0  }
0x79: {  	[sflag:s3] =	ssyncadd.s32 $0xFFFFF000  }
0x7a: {  	_ =	swait.ge [sflag:s0], $0x1000  }
0x7b: {  	s5 =	spop (v2sf)  }
0x7c: {  	[sflag:s0] =	ssyncset.done $0x0;
	s10 =	spop (v2sf)  }
0x7d: {  	[sflag:s0] =	ssyncadd.s32 $0xFFFFF000;
	s8 =	spop (v2sf)  }
0x7e: {  	_ =	swait.ge [sflag:s3], $0x1000  }
0x7f: {  	p0 =	por $0x0, $0x0;
	[sflag:s3] =	ssyncset.done $0x0  }
0x80: {  	s9 =	simm.s32 @!p0 $0x0;
	[sflag:s3] =	ssyncadd.s32 $0xFFFFF000  }
0x81: {  	v5 =	vld @!p0 [tilespmem:s9+$0x8];
	_ =	sdelay $0x1  }
0x82: {  	v6 =	vld @!p0 [tilespmem:s9+$0x288]  }
0x83: {  	s5 =	sand.u32 $0x7F, s5  }
0x84: {  	s7 =	sand.u32 $0x7F, s10;
	v11 =	vor.u32 s5, v2  }
0x85: {  	v7 =	vor.u32 s7, v1;
	s10 =	spop (v2sf);
	(v2sf) =	vpush @!p0 v5, $0x2  }
0x86: {  	v8 =	vor.u32 s7, v2;
	s7 =	sand.u32 $0x7F, s10;
	s10 =	spop (v2sf);
	(v2sf) =	vpush @!p0 v5, $0x0  }
0x87: {  	v10 =	vor.u32 s7, v1;
	s9 =	sand.u32 $0x7F, s10;
	s10 =	spop (v2sf);
	(v2sf) =	vpush @!p0 v6, $0x0  }
0x88: {  	v12 =	vor.u32 s9, v1;
	v13 =	vor.u32 s9, v2;
	s9 =	sand.u32 $0x7F, s10;
	s10 =	spop (v2sf);
	(v2sf) =	vpush @!p0 v6, $0x1  }
0x89: {  	v11 =	vld.idx.msk [tilespmem:v11+s24+$0x0], $0xffff;
	v14 =	vor.u32 s9, v1;
	v15 =	vor.u32 s9, v2;
	s9 =	spop (v2sf)  }
0x8a: {  	v7 =	vld.idx.msk [tilespmem:v7+s20+$0x0], $0xffff;
	s9 =	sand.u32 $0x7F, s9;
	(v2sf) =	vpush @!p0 v5, $0x1  }
0x8b: {  	v8 =	vld.idx.msk [tilespmem:v8+s20+$0x0], $0xffff;
	v18 =	vor.u32 s9, v1  }
0x8c: {  	v19 =	vor.u32 s9, v2;
	v10 =	vld.idx.msk [tilespmem:v10+s22+$0x0], $0xffff  }
0x8d: {  	v12 =	vld.idx.msk [tilespmem:v12+s25+$0x0], $0xffff  }
0x8e: {  	v20 =	vor.u32 s5, v1;
	v22 =	vor.u32 s7, v2;
	s10 =	sand.u32 $0x7F, s10;
	v14 =	vld.idx.msk [tilespmem:v14+s16+$0x0], $0xffff  }
0x8f: {  	v16 =	vor.u32 s10, v1;
	v17 =	vor.u32 s10, v2;
	s10 =	sand.u32 $0x7F, s8;
	v15 =	vld.idx.msk [tilespmem:v15+s16+$0x0], $0xffff;
	(v2sf) =	vpush @!p0 v6, $0x2  }
0x90: {  	v21 =	vor.u32 s10, v2;
	v18 =	vld.idx.msk [tilespmem:v18+s15+$0x0], $0xffff  }
0x91: {  	v19 =	vld.idx.msk [tilespmem:v19+s15+$0x0], $0xffff;
	(v2sf) =	vpush @!p0 v5, $0x3;
	v5 =	vor.u32 s10, v1  }
0x92: {  	v13 =	vld.idx.msk [tilespmem:v13+s25+$0x0], $0xffff  }
0x93: {  	(v2sf) =	vpush @!p0 v6, $0x3;
	v6 =	vld.idx.msk [tilespmem:v20+s24+$0x0], $0xffff  }
0x94: {  	v43 =	vld.idx.msk [tilespmem:v22+s22+$0x0], $0xffff;
	s7 =	spop @!p0 (v2sf)  }
0x95: {  	s5 =	simm.s32 @!p0 $0x7A1400;
	s8 =	simm.s32 @!p0 $0x500;
	v42 =	vld.idx.msk [tilespmem:v21+s29+$0x0], $0xffff;
	v14 =	vmul.f32 v14, v18;
	s9 =	spop @!p0 (v2sf)  }
0x96: {  	s10 =	simm.s32 @!p0 $0x400;
	v15 =	vmul.f32 v15, v19;
	v5 =	vld.idx.msk [tilespmem:v5+s29+$0x0], $0xffff;
	s9 =	sand.u32 @!p0 $0xFFFFF80, s9;
	s15 =	spop @!p0 (v2sf)  }
0x97: {  	v16 =	vld.idx.msk [tilespmem:v16+s21+$0x0], $0xffff;
	v11 =	vmul.f32 v13, v11;
	v44 =	vmul.f32 v14, v3;
	s9 =	sadd.s32 @!p0 s2, s9;
	s15 =	sand.u32 @!p0 $0xFFFFF80, s15;
	s16 =	spop @!p0 (v2sf)  }
0x98: {  	v17 =	vld.idx.msk [tilespmem:v17+s21+$0x0], $0xffff;
	v45 =	vmul.f32 v15, v4;
	v6 =	vmul.f32 v12, v6;
	[tilespmem:s8], [sflag:$0x1] =	stream.strided.gather @!p0 [hbm4b:s9+s10], $0x1000, s5, s10, $0x38  }
0x99: {  	s8 =	simm.s32 @!p0 $0x8500;
	s9 =	sadd.s32 @!p0 s13, s15;
	s15 =	spop @!p0 (v2sf)  }
0x9a: {  	v11 =	vmul.f32 v11, v4;
	v46 =	vadd.f32 v45, v44;
	v6 =	vmul.f32 v6, v3;
	[tilespmem:s8], [sflag:$0x3] =	stream.strided.gather @!p0 [hbm4b:s9+s10], $0x1000, s5, s10, $0x38;
	[tilespmem:$0x10780] =	vst v63  }
0x9b: {  	v8 =	vmul.f32 v8, v42;
	v5 =	vmul.f32 v7, v5;
	s7 =	sand.u32 @!p0 $0xFFFFF80, s7;
	s9 =	sand.u32 @!p0 $0xFFFFF80, s15  }
0x9c: {  	(xrf2) =	vadd.scan.msk.f32 $0xffff, v46;
	v6 =	vadd.f32 v11, v6;
	s16 =	sand.u32 @!p0 $0xFFFFF80, s16;
	s8 =	simm.s32 @!p0 $0x1500;
	s9 =	sadd.s32 @!p0 s2, s9  }
0x9d: {  	v7 =	vmul.f32 v8, v4;
	v5 =	vmul.f32 v5, v3;
	[tilespmem:s8], [sflag:$0x1] =	stream.strided.gather @!p0 [hbm4b:s9+s10], $0x1000, s5, s10, $0x38;
	[tilespmem:$0x10780] =	vst v63  }
0x9e: {  	(xrf2) =	vadd.scan.msk.f32 $0xffff, v6;
	s15 =	simm.s32 @!p0 $0x9500;
	s8 =	sadd.s32 @!p0 s13, s16;
	s9 =	spop @!p0 (v2sf)  }
0x9f: {  	v8 =	vmul.f32 v43, v17;
	v6 =	vmul.f32 v10, v16;
	v5 =	vadd.f32 v7, v5;
	[tilespmem:s15], [sflag:$0x3] =	stream.strided.gather @!p0 [hbm4b:s8+s10], $0x1000, s5, s10, $0x38;
	[tilespmem:$0x10780] =	vst v63  }
0xa0: {  	s7 =	sadd.s32 @!p0 s2, s7;
	s8 =	sand.u32 @!p0 $0xFFFFF80, s9  }
0xa1: {  	v6 =	vmul.f32 v6, v3;
	v7 =	vmul.f32 v8, v4;
	(xrf2) =	vadd.scan.msk.f32 $0xffff, v5;
	s9 =	spop @!p0 (v2sf);
	s15 =	simm.s32 @!p0 $0x2500;
	s8 =	sadd.s32 @!p0 s13, s8  }
0xa2: {  	[tilespmem:s15], [sflag:$0x1] =	stream.strided.gather @!p0 [hbm4b:s7+s10], $0x1000, s5, s10, $0x38;
	[tilespmem:$0x10780] =	vst v63  }
0xa3: {  	v5 =	vadd.f32 v7, v6;
	s7 =	sand.u32 @!p0 $0xFFFFF80, s9;
	s9 =	spop @!p0 (v2sf);
	s15 =	simm.s32 @!p0 $0xA500  }
0xa4: {  	[tilespmem:s15], [sflag:$0x3] =	stream.strided.gather @!p0 [hbm4b:s8+s10], $0x1000, s5, s10, $0x38;
	[tilespmem:$0x10780] =	vst v63  }
0xa5: {  	(xrf2) =	vadd.scan.msk.f32 $0xffff, v5;
	s7 =	sadd.s32 @!p0 s2, s7;
	s8 =	sand.u32 @!p0 $0xFFFFF80, s9;
	s9 =	simm.s32 @!p0 $0x3500  }
0xa6: {  	[tilespmem:s9], [sflag:$0x1] =	stream.strided.gather @!p0 [hbm4b:s7+s10], $0x1000, s5, s10, $0x38;
	[tilespmem:$0x10780] =	vst v63  }
0xa7: {  	s7 =	sadd.s32 @!p0 s13, s8;
	s8 =	simm.s32 @!p0 $0xB500  }
0xa8: {  	v5, _, _ =	vpop (xrf2);
	[tilespmem:s8], [sflag:$0x3] =	stream.strided.gather @!p0 [hbm4b:s7+s10], $0x1000, s5, s10, $0x38;
	[tilespmem:$0x10780] =	vst v63  }
0xa9: {  	(v2sf) =	vpush v5, $0xF;
	v7, _, _ =	vpop (xrf2);
	v6 =	vld [tilespmem:s4+$0x4]  }
0xaa: {  	v5 =	vld [tilespmem:s4+$0x284];
	_ =	swait.ge [sflag:s11], $0x1000  }
0xab: {  	[sflag:s11] =	ssyncset.done $0x0  }
0xac: {  	(v2sf) =	vpush v7, $0xF;
	v7, _, _ =	vpop (xrf2);
	[sflag:s11] =	ssyncadd.s32 $0xFFFFF000  }
0xad: {  	_ =	swait.ge [sflag:s12], $0x1000  }
0xae: {  	(v2sf) =	vpush v6, $0x0  }
0xaf: {  	[sflag:s12] =	ssyncset.done $0x0;
	(v2sf) =	vpush v5, $0x0  }
0xb0: {  	v8, _, _ =	vpop (xrf2);
	[sflag:s12] =	ssyncadd.s32 $0xFFFFF000;
	(v2sf) =	vpush v5, $0x1  }
0xb1: {  	_ =	swait.ge [sflag:s11], $0x1000  }
0xb2: {  	(v2sf) =	vpush v6, $0x1  }
0xb3: {  	[sflag:s11] =	ssyncset.done $0x0;
	(v2sf) =	vpush v5, $0x2  }
0xb4: {  	[sflag:s11] =	ssyncadd.s32 $0xFFFFF000;
	(v2sf) =	vpush v6, $0x2  }
0xb5: {  	_ =	swait.ge [sflag:s12], $0x1000  }
0xb6: {  	(v2sf) =	vpush v5, $0x3  }
0xb7: {  	[sflag:s12] =	ssyncset.done $0x0;
	(v2sf) =	vpush v6, $0x3  }
0xb8: {  	s5 =	spop (v2sf);
	[sflag:s12] =	ssyncadd.s32 $0xFFFFF000;
	(v2sf) =	vpush v7, $0xF  }
0xb9: {  	_ =	swait.ge [sflag:s11], $0x1000  }
0xba: {  	[sflag:s11] =	ssyncset.done $0x0  }
0xbb: {  	(v2sf) =	vpush v8, $0xF;
	[sflag:s11] =	ssyncadd.s32 $0xFFFFF000  }
0xbc: {  	_ =	swait.ge [sflag:s12], $0x1000  }
0xbd: {  	[sflag:s12] =	ssyncset.done $0x0  }
0xbe: {  	s4 =	spop (v2sf);
	[sflag:s12] =	ssyncadd.s32 $0xFFFFF000  }
0xbf: {  	_ =	swait.ge [sflag:s11], $0x1000  }
0xc0: {  	s7 =	spop (v2sf)  }
0xc1: {  	s8 =	spop (v2sf)  }
0xc2: {  	[sflag:s11] =	ssyncset.done $0x0;
	s15 =	spop (v2sf)  }
0xc3: {  	[sflag:s11] =	ssyncadd.s32 $0xFFFFF000;
	s16 =	spop (v2sf)  }
0xc4: {  	_ =	swait.ge [sflag:s12], $0x1000  }
0xc5: {  	s9 =	sand.u32 $0x7F, s15;
	s15 =	spop (v2sf)  }
0xc6: {  	s15 =	sand.u32 $0x7F, s15  }
0xc7: {  	s10 =	sand.u32 $0x7F, s16;
	s16 =	spop (v2sf);
	v8 =	vor.u32 s15, v2  }
0xc8: {  	s16 =	sand.u32 $0x7F, s16;
	v10 =	vor.u32 s15, v1  }
0xc9: {  	v7 =	vor.u32 s16, v2  }
0xca: {  	[sflag:s12] =	ssyncset.done $0x0;
	v11 =	vor.u32 s16, v1  }
0xcb: {  	s7 =	sand.u32 $0x7F, s7;
	[sflag:s12] =	ssyncadd.s32 $0xFFFFF000  }
0xcc: {  	v49 =	vor.u32 s7, v2;
	v8 =	vld.idx.msk [tilespmem:v8+s30+$0x0], $0xffff  }
0xcd: {  	v5 =	vor.u32 s9, v1;
	v10 =	vld.idx.msk [tilespmem:v10+s30+$0x0], $0xffff  }
0xce: {  	v48 =	vor.u32 s9, v2;
	v7 =	vld.idx.msk [tilespmem:v7+s14+$0x0], $0xffff  }
0xcf: {  	v6 =	vor.u32 s10, v2;
	v11 =	vld.idx.msk [tilespmem:v11+s14+$0x0], $0xffff  }
0xd0: {  	s8 =	sand.u32 $0x7F, s8;
	v47 =	vor.u32 s10, v1;
	s10 =	spop (v2sf)  }
0xd1: {  	v50 =	vor.u32 s7, v1;
	v51 =	vor.u32 s8, v1;
	v14 =	vld.idx.msk [tilespmem:v49+s18+$0x0], $0xffff;
	s7 =	sand.u32 $0x7F, s10  }
0xd2: {  	v5 =	vld.idx.msk [tilespmem:v5+s28+$0x0], $0xffff;
	v52 =	vor.u32 s7, v1  }
0xd3: {  	v13 =	vld.idx.msk [tilespmem:v48+s28+$0x0], $0xffff  }
0xd4: {  	v6 =	vld.idx.msk [tilespmem:v6+s26+$0x0], $0xffff;
	s14 =	spop (v2sf);
	v7 =	vmul.f32 v8, v7;
	v8 =	vmul.f32 v10, v11;
	v10 =	vor.u32 s8, v2  }
0xd5: {  	v53 =	vor.u32 s7, v2;
	v12 =	vld.idx.msk [tilespmem:v47+s26+$0x0], $0xffff;
	s9 =	sand.u32 $0x7F, s14  }
0xd6: {  	s1 =	simm.s32 $0xF500;
	v55 =	vld.idx.msk [tilespmem:v51+s23+$0x0], $0xffff;
	v54 =	vor.u32 s9, v2;
	v7 =	vmul.f32 v7, v4;
	v8 =	vmul.f32 v8, v3  }
0xd7: {  	v57 =	vld.idx.msk [tilespmem:v52+s1+$0x0], $0xffff;
	v56 =	vor.u32 s9, v1  }
0xd8: {  	v11 =	vld.idx.msk [tilespmem:v50+s18+$0x0], $0xffff;
	v7 =	vadd.f32 v7, v8  }
0xd9: {  	v10 =	vld.idx.msk [tilespmem:v10+s23+$0x0], $0xffff  }
0xda: {  	v58 =	vld.idx.msk [tilespmem:v53+s1+$0x0], $0xffff;
	v5 =	vmul.f32 v5, v12;
	v6 =	vmul.f32 v13, v6;
	(xrf2) =	vadd.scan.msk.f32 $0xffff, v7  }
0xdb: {  	v59 =	vld.idx.msk [tilespmem:v54+s19+$0x0], $0xffff  }
0xdc: {  	v5 =	vmul.f32 v5, v3;
	v6 =	vmul.f32 v6, v4;
	v13 =	vld.idx.msk [tilespmem:v56+s19+$0x0], $0xffff;
	_ =	sdelay $0x1  }
0xdd: {  	v5 =	vadd.f32 v6, v5;
	v11 =	vmul.f32 v55, v11;
	v10 =	vmul.f32 v10, v14;
	_ =	sdelay $0x1  }
0xde: {  	(xrf2) =	vadd.scan.msk.f32 $0xffff, v5;
	v11 =	vmul.f32 v11, v3;
	v10 =	vmul.f32 v10, v4  }
0xdf: {  	v60 =	vmul.f32 v58, v59;
	v13 =	vmul.f32 v57, v13  }
0xe0: {  	v10 =	vadd.f32 v10, v11  }
0xe1: {  	s15 =	simm.s32 $0x4;
	v12 =	vmul.f32 v60, v4;
	v13 =	vmul.f32 v13, v3  }
0xe2: {  	s7 =	sand.u32 $0xC, s15;
	v63, _, _ =	vpop (xrf2);
	(xrf2) =	vadd.scan.msk.f32 $0xffff, v10  }
0xe3: {  	s16 =	sor.u32 $0x1, s7;
	s18 =	sor.u32 $0x2, s7;
	s19 =	sand.u32 $0x8, s17;
	v12 =	vadd.f32 v12, v13  }
0xe4: {  	s30 =	sor.u32 $0x2, s19;
	s23 =	spop (v2sf);
	v7 =	vmov s7;
	s7 =	sor.u32 $0x3, s7  }
0xe5: {  	v61 =	vmov s19;
	s26 =	sor.u32 $0x1, s19;
	s28 =	spop (v2sf);
	v5 =	vmov s7;
	s7 =	sadd.f32 s23, s6;
	v11 =	vmov s30;
	(xrf2) =	vadd.scan.msk.f32 $0xffff, v12  }
0xe6: {  	v6 =	vmov s18;
	vm0 =	veq.s32 v61, v0;
	v62 =	vmov s26;
	s10 =	sadd.f32 s28, s6  }
0xe7: {  	s4 =	sadd.f32 s4, s6;
	vm14 =	veq.s32 v62, v0;
	v9 =	vsel vm0, s7, v9;
	(v2sf) =	vpush v63, $0xF  }
0xe8: {  	s9 =	simm.s32 $0x20;
	s8 =	sor.u32 $0x3, s19;
	v8 =	vmov s16;
	s7 =	sand.u32 $0x1, s17;
	v9 =	vsel vm14, s10, v9;
	vm15 =	veq.s32 v11, v0;
	v11, _, _ =	vpop (xrf2)  }
0xe9: {  	s10 =	simm.s32 $0x0;
	v10 =	vmov s8;
	v9 =	vsel vm15, s4, v9;
	s4 =	simm.s32 $0x0;
	s8 =	simm.s32 $0x0;
	(v2sf) =	vpush v11, $0xF  }
.LBB2_2:
0xea: {  	s4 =	sadd.s32 $0x1, s4  }
0xeb: {  	s10 =	sadd.s32 $0x8, s10;
	s15 =	smov.u32 s9;
	s9 =	sadd.s32 $0x20, s9  }
0xec: {  	s16 =	sadd.s32 $0x4, s10;
	s17 =	sand.u32 $0x1, s4;
	p0 =	sne.s32 s9, $0x800;
	v11, _, _ =	vpop (xrf2)  }
0xed: {  	s16 =	sand.u32 $0xC, s16;
	(v2sf) =	vpush v11, $0xF  }
0xee: {  	v11 =	vmov s16;
	s18 =	sor.u32 $0x1, s16;
	s19 =	sor.u32 $0x2, s16;
	s16 =	sor.u32 $0x3, s16  }
0xef: {  	v12 =	vmov s18;
	v13 =	vmov s19;
	v14 =	vmov s16;
	v15, _, _ =	vpop (xrf2)  }
0xf0: {  	(v2sf) =	vpush v15, $0xF;
	_ =	sdelay $0x5  }
0xf1: {  	s16 =	spop (v2sf);
	_ =	sdelay $0x2  }
0xf2: {  	s18 =	spop (v2sf);
	_ =	sdelay $0x2  }
0xf3: {  	s5 =	sadd.f32 s5, s6;
	s19 =	spop (v2sf)  }
0xf4: {  	vm0 =	veq.s32 v10, v0;
	s19 =	sadd.f32 s19, s6  }
0xf5: {  	v9 =	vsel vm0, s5, v9;
	vm0 =	veq.s32 v7, v0;
	v7 =	vmov v11;
	s5 =	sadd.f32 s18, s6  }
0xf6: {  	s16 =	sadd.f32 s16, s6;
	v9 =	vsel vm0, s19, v9;
	vm0 =	veq.s32 v8, v0;
	s18 =	spop (v2sf);
	v8 =	vmov v12  }
0xf7: {  	p1 =	seq.s32 s7, $0x0;
	s7 =	smov.u32 s17;
	v9 =	vsel vm0, s5, v9;
	vm0 =	veq.s32 v6, v0;
	s5 =	sadd.f32 s18, s6;
	v6 =	vmov v13  }
0xf8: {  	v9 =	vsel vm0, s16, v9;
	vm0 =	veq.s32 v5, v0;
	s16 =	sand.u32 @!p1 $0x7C0, s8;
	v5 =	vmov v14;
	s8 =	smov.u32 s15  }
0xf9: {  	v9 =	vsel vm0, s5, v9;
	s5 =	sshrl.u32 @!p1 s16, $0x2  }
0xfa: {  	[tilespmem:s5+$0x10500] =	vst @!p1 v9;
	_ =	sdelay $0x2  }
0xfb: {  	s5 =	sshra.s32 s8, $0x2;
	_ =	sdelay $0x1  }
0xfc: {  	v10 =	vld [tilespmem:s5+$0x4]  }
0xfd: {  	v11 =	vld [tilespmem:s5+$0x284];
	_ =	sdelay $0x3  }
0xfe: {  	(v2sf) =	vpush v10, $0x1  }
0xff: {  	(v2sf) =	vpush v10, $0x0  }
0x100: {  	(v2sf) =	vpush v11, $0x0  }
0x101: {  	(v2sf) =	vpush v11, $0x1  }
0x102: {  	(v2sf) =	vpush v10, $0x2;
	_ =	sdelay $0x1  }
0x103: {  	(v2sf) =	vpush v11, $0x2;
	_ =	sdelay $0x1  }
0x104: {  	(v2sf) =	vpush v10, $0x3;
	_ =	sdelay $0x1  }
0x105: {  	(v2sf) =	vpush v11, $0x3;
	_ =	sdelay $0x4  }
0x106: {  	s23 =	simm.s32 $0x7A1400;
	s15 =	spop (v2sf)  }
0x107: {  	s14 =	simm.s32 $0x4500;
	s15 =	sand.u32 $0xFFFFF80, s15;
	s16 =	spop (v2sf)  }
0x108: {  	s1 =	simm.s32 $0xC500;
	s16 =	sand.u32 $0xFFFFF80, s16;
	s17 =	spop (v2sf)  }
0x109: {  	s16 =	sadd.s32 s2, s16;
	s17 =	sand.u32 $0xFFFFF80, s17;
	s18 =	spop (v2sf)  }
0x10a: {  	s17 =	sadd.s32 s13, s17;
	s18 =	sand.u32 $0xFFFFF80, s18;
	s19 =	spop (v2sf)  }
0x10b: {  	[tilespmem:s14], [sflag:$0x2] =	stream.strided.gather [hbm4b:s16+s31], $0x1000, s23, s31, $0x38;
	[tilespmem:$0x10780] =	vst v63  }
0x10c: {  	s15 =	sadd.s32 s2, s15;
	s16 =	sand.u32 $0xFFFFF80, s19;
	s19 =	spop (v2sf)  }
0x10d: {  	[tilespmem:s1], [sflag:$0x4] =	stream.strided.gather [hbm4b:s17+s31], $0x1000, s23, s31, $0x38;
	[tilespmem:$0x10780] =	vst v63  }
0x10e: {  	s17 =	sadd.s32 s13, s18  }
0x10f: {  	s18 =	sand.u32 $0xFFFFF80, s19;
	s1 =	simm.s32 $0x5500;
	s19 =	spop (v2sf)  }
0x110: {  	[tilespmem:s1], [sflag:$0x2] =	stream.strided.gather [hbm4b:s15+s31], $0x1000, s23, s31, $0x38;
	[tilespmem:$0x10780] =	vst v63  }
0x111: {  	s15 =	sadd.s32 s2, s16  }
0x112: {  	s16 =	sand.u32 $0xFFFFF80, s19;
	s1 =	simm.s32 $0xD500;
	s19 =	spop (v2sf)  }
0x113: {  	[tilespmem:s1], [sflag:$0x4] =	stream.strided.gather [hbm4b:s17+s31], $0x1000, s23, s31, $0x38;
	[tilespmem:$0x10780] =	vst v63  }
0x114: {  	s28 =	simm.s32 $0x6500;
	s17 =	sadd.s32 s13, s18;
	s18 =	sand.u32 $0xFFFFF80, s19  }
0x115: {  	[tilespmem:s28], [sflag:$0x2] =	stream.strided.gather [hbm4b:s15+s31], $0x1000, s23, s31, $0x38;
	[tilespmem:$0x10780] =	vst v63  }
0x116: {  	s30 =	simm.s32 $0xE500;
	s15 =	sadd.s32 s2, s16  }
0x117: {  	[tilespmem:s30], [sflag:$0x4] =	stream.strided.gather [hbm4b:s17+s31], $0x1000, s23, s31, $0x38;
	[tilespmem:$0x10780] =	vst v63  }
0x118: {  	s1 =	simm.s32 $0x7500;
	s16 =	sadd.s32 s13, s18  }
0x119: {  	[tilespmem:s1], [sflag:$0x2] =	stream.strided.gather [hbm4b:s15+s31], $0x1000, s23, s31, $0x38;
	[tilespmem:$0x10780] =	vst v63  }
0x11a: {  	s26 =	simm.s32 $0xF500  }
0x11b: {  	[tilespmem:s26], [sflag:$0x4] =	stream.strided.gather [hbm4b:s16+s31], $0x1000, s23, s31, $0x38;
	[tilespmem:$0x10780] =	vst v63  }
0x11c: {  	v10 =	vld [tilespmem:s5+$0x0]  }
0x11d: {  	v11 =	vld [tilespmem:s5+$0x280]  }
0x11e: {  	_ =	swait.ge [sflag:s0], $0x1000  }
0x11f: {  	[sflag:s0] =	ssyncset.done $0x0  }
0x120: {  	[sflag:s0] =	ssyncadd.s32 $0xFFFFF000  }
0x121: {  	_ =	swait.ge [sflag:s3], $0x1000  }
0x122: {  	(v2sf) =	vpush v10, $0x2  }
0x123: {  	[sflag:s3] =	ssyncset.done $0x0;
	(v2sf) =	vpush v11, $0x0  }
0x124: {  	[sflag:s3] =	ssyncadd.s32 $0xFFFFF000;
	(v2sf) =	vpush v10, $0x0  }
0x125: {  	_ =	swait.ge [sflag:s0], $0x1000  }
0x126: {  	(v2sf) =	vpush v11, $0x1  }
0x127: {  	[sflag:s0] =	ssyncset.done $0x0  }
0x128: {  	[sflag:s0] =	ssyncadd.s32 $0xFFFFF000;
	(v2sf) =	vpush v11, $0x2  }
0x129: {  	_ =	swait.ge [sflag:s3], $0x1000  }
0x12a: {  	(v2sf) =	vpush v11, $0x3  }
0x12b: {  	[sflag:s3] =	ssyncset.done $0x0;
	(v2sf) =	vpush v10, $0x1  }
0x12c: {  	[sflag:s3] =	ssyncadd.s32 $0xFFFFF000;
	(v2sf) =	vpush v10, $0x3  }
0x12d: {  	_ =	swait.ge [sflag:s0], $0x1000  }
0x12e: {  	[sflag:s0] =	ssyncset.done $0x0  }
0x12f: {  	[sflag:s0] =	ssyncadd.s32 $0xFFFFF000  }
0x130: {  	_ =	swait.ge [sflag:s3], $0x1000  }
0x131: {  	p1 =	seq.s32 s8, $0x7E0;
	[sflag:s3] =	ssyncset.done $0x0  }
0x132: {  	[sflag:s3] =	ssyncadd.s32 $0xFFFFF000  }
0x133: {  	_ =	swait.ge [sflag:s0], $0x1000  }
0x134: {  	s15 =	spop (v2sf)  }
0x135: {  	[sflag:s0] =	ssyncset.done $0x0;
	s15 =	sand.u32 $0x7F, s15;
	s16 =	spop (v2sf)  }
0x136: {  	[sflag:s0] =	ssyncadd.s32 $0xFFFFF000;
	s16 =	sand.u32 $0x7F, s16;
	v10 =	vor.u32 s15, v1;
	v11 =	vor.u32 s15, v2;
	s15 =	spop (v2sf)  }
0x137: {  	_ =	swait.ge [sflag:s3], $0x1000  }
0x138: {  	v12 =	vor.u32 s16, v1;
	v13 =	vor.u32 s16, v2;
	s16 =	spop (v2sf)  }
0x139: {  	s17 =	sshra.s32 @!p1 s8, $0x2;
	[sflag:s3] =	ssyncset.done $0x0;
	s16 =	sand.u32 $0x7F, s16  }
0x13a: {  	[sflag:s3] =	ssyncadd.s32 $0xFFFFF000;
	v14 =	vor.u32 s16, v1;
	s18 =	spop (v2sf)  }
0x13b: {  	s18 =	sand.u32 $0x7F, s18;
	v15 =	vld @!p1 [tilespmem:s17+$0x8];
	s19 =	spop (v2sf)  }
0x13c: {  	v16 =	vor.u32 s18, v1;
	v17 =	vor.u32 s18, v2;
	s18 =	sand.u32 $0x7F, s19;
	v18 =	vld @!p1 [tilespmem:s17+$0x288];
	s17 =	spop (v2sf)  }
0x13d: {  	v12 =	vld.idx.msk [tilespmem:v12+s20+$0x0], $0xffff;
	s17 =	sand.u32 $0x7F, s17;
	v19 =	vor.u32 s18, v1;
	v20 =	vor.u32 s18, v2;
	s18 =	spop (v2sf)  }
0x13e: {  	v13 =	vld.idx.msk [tilespmem:v13+s20+$0x0], $0xffff;
	v21 =	vor.u32 s17, v1;
	v22 =	vor.u32 s17, v2;
	s17 =	sand.u32 $0x7F, s18  }
0x13f: {  	v14 =	vld.idx.msk [tilespmem:v14+s22+$0x0], $0xffff;
	v23 =	vor.u32 s17, v1;
	v24 =	vor.u32 s17, v2  }
0x140: {  	v11 =	vld.idx.msk [tilespmem:v11+s24+$0x0], $0xffff;
	(v2sf) =	vpush @!p1 v15, $0x2  }
0x141: {  	v16 =	vld.idx.msk [tilespmem:v16+s25+$0x0], $0xffff;
	(v2sf) =	vpush @!p1 v15, $0x0  }
0x142: {  	s17 =	simm.s32 $0xB500;
	v17 =	vld.idx.msk [tilespmem:v17+s25+$0x0], $0xffff;
	(v2sf) =	vpush @!p1 v18, $0x0  }
0x143: {  	v19 =	vld.idx.msk [tilespmem:v19+s17+$0x0], $0xffff;
	(v2sf) =	vpush @!p1 v18, $0x1  }
0x144: {  	v20 =	vld.idx.msk [tilespmem:v20+s17+$0x0], $0xffff;
	(v2sf) =	vpush @!p1 v15, $0x1  }
0x145: {  	v21 =	vld.idx.msk [tilespmem:v21+s21+$0x0], $0xffff  }
0x146: {  	s17 =	simm.s32 $0x3500;
	v22 =	vld.idx.msk [tilespmem:v22+s21+$0x0], $0xffff;
	(v2sf) =	vpush @!p1 v18, $0x2  }
0x147: {  	v23 =	vld.idx.msk [tilespmem:v23+s17+$0x0], $0xffff  }
0x148: {  	v11 =	vmul.f32 v17, v11;
	v17 =	vld.idx.msk [tilespmem:v24+s17+$0x0], $0xffff;
	(v2sf) =	vpush @!p1 v15, $0x3  }
0x149: {  	s15 =	sand.u32 $0x7F, s15  }
0x14a: {  	v15 =	vor.u32 s15, v1;
	v24 =	vor.u32 s15, v2;
	(v2sf) =	vpush @!p1 v18, $0x3  }
0x14b: {  	v18 =	vor.u32 s16, v2;
	v14 =	vmul.f32 v14, v21;
	_ =	sdelay $0x1  }
0x14c: {  	v19 =	vmul.f32 v19, v23  }
0x14d: {  	s19 =	simm.s32 @!p1 $0x9500;
	s18 =	simm.s32 @!p1 $0x1500;
	s17 =	simm.s32 @!p1 $0x8500;
	v17 =	vmul.f32 v20, v17;
	v10 =	vld.idx.msk [tilespmem:v10+s24+$0x0], $0xffff  }
0x14e: {  	s20 =	simm.s32 @!p1 $0x500;
	s15 =	simm.s32 @!p1 $0x7A1400;
	v20 =	vld.idx.msk [tilespmem:v24+s29+$0x0], $0xffff;
	s21 =	spop @!p1 (v2sf)  }
0x14f: {  	s16 =	simm.s32 @!p1 $0x400;
	v19 =	vmul.f32 v19, v3;
	v17 =	vmul.f32 v17, v4;
	v18 =	vld.idx.msk [tilespmem:v18+s22+$0x0], $0xffff;
	s21 =	sand.u32 @!p1 $0xFFFFF80, s21;
	s22 =	spop @!p1 (v2sf)  }
0x150: {  	v15 =	vld.idx.msk [tilespmem:v15+s29+$0x0], $0xffff;
	s22 =	sand.u32 @!p1 $0xFFFFF80, s22;
	s21 =	sadd.s32 @!p1 s2, s21;
	s23 =	spop @!p1 (v2sf)  }
0x151: {  	v17 =	vadd.f32 v17, v19;
	s22 =	sadd.s32 @!p1 s2, s22;
	s23 =	sand.u32 @!p1 $0xFFFFF80, s23;
	s24 =	spop @!p1 (v2sf)  }
0x152: {  	s23 =	sadd.s32 @!p1 s13, s23;
	s24 =	sand.u32 @!p1 $0xFFFFF80, s24;
	s25 =	spop @!p1 (v2sf)  }
0x153: {  	[tilespmem:s20], [sflag:$0x1] =	stream.strided.gather @!p1 [hbm4b:s22+s16], $0x1000, s15, s16, $0x38;
	[tilespmem:$0x10780] =	vst v63  }
0x154: {  	v10 =	vmul.f32 v16, v10;
	(xrf2) =	vadd.scan.msk.f32 $0xffff, v17;
	s20 =	sand.u32 @!p1 $0xFFFFF80, s25  }
0x155: {  	v11 =	vmul.f32 v11, v4;
	v13 =	vmul.f32 v13, v20;
	s25 =	simm.s32 $0xA500;
	s22 =	sadd.s32 @!p1 s13, s24;
	s24 =	spop @!p1 (v2sf)  }
0x156: {  	[tilespmem:s17], [sflag:$0x3] =	stream.strided.gather @!p1 [hbm4b:s23+s16], $0x1000, s15, s16, $0x38;
	[tilespmem:$0x10780] =	vst v63  }
0x157: {  	s29 =	simm.s32 $0x500;
	v16 =	vmul.f32 v18, v22;
	v10 =	vmul.f32 v10, v3;
	s17 =	sadd.s32 @!p1 s2, s20  }
0x158: {  	v12 =	vmul.f32 v12, v15;
	s20 =	sand.u32 @!p1 $0xFFFFF80, s24;
	s24 =	simm.s32 $0x2500;
	s23 =	spop @!p1 (v2sf)  }
0x159: {  	v14 =	vmul.f32 v14, v3;
	v15 =	vmul.f32 v16, v4;
	v10 =	vadd.f32 v11, v10;
	[tilespmem:s18], [sflag:$0x1] =	stream.strided.gather @!p1 [hbm4b:s17+s16], $0x1000, s15, s16, $0x38;
	[tilespmem:$0x10780] =	vst v63  }
0x15a: {  	v11 =	vmul.f32 v12, v3;
	v12 =	vmul.f32 v13, v4;
	s17 =	sadd.s32 @!p1 s13, s20;
	s18 =	sand.u32 @!p1 $0xFFFFF80, s23;
	s20 =	spop @!p1 (v2sf)  }
0x15b: {  	[tilespmem:s19], [sflag:$0x3] =	stream.strided.gather @!p1 [hbm4b:s22+s16], $0x1000, s15, s16, $0x38;
	[tilespmem:$0x10780] =	vst v63  }
0x15c: {  	v13 =	vadd.f32 v15, v14;
	s22 =	simm.s32 $0x9500;
	(xrf2) =	vadd.scan.msk.f32 $0xffff, v10  }
0x15d: {  	s18 =	sadd.s32 @!p1 s2, s18;
	v11 =	vadd.f32 v12, v11;
	s19 =	simm.s32 @!p1 $0x2500;
	s20 =	sand.u32 @!p1 $0xFFFFF80, s20  }
0x15e: {  	[tilespmem:s19], [sflag:$0x1] =	stream.strided.gather @!p1 [hbm4b:s21+s16], $0x1000, s15, s16, $0x38;
	[tilespmem:$0x10780] =	vst v63  }
0x15f: {  	s21 =	simm.s32 $0x1500  }
0x160: {  	s20 =	sadd.s32 @!p1 s13, s20;
	s19 =	simm.s32 @!p1 $0xA500;
	(xrf2) =	vadd.scan.msk.f32 $0xffff, v11  }
0x161: {  	[tilespmem:s19], [sflag:$0x3] =	stream.strided.gather @!p1 [hbm4b:s17+s16], $0x1000, s15, s16, $0x38;
	v10, _, _ =	vpop (xrf2);
	[tilespmem:$0x10780] =	vst v63  }
0x162: {  	s17 =	simm.s32 @!p1 $0x3500;
	(v2sf) =	vpush v10, $0xF  }
0x163: {  	[tilespmem:s17], [sflag:$0x1] =	stream.strided.gather @!p1 [hbm4b:s18+s16], $0x1000, s15, s16, $0x38;
	[tilespmem:$0x10780] =	vst v63  }
0x164: {  	(xrf2) =	vadd.scan.msk.f32 $0xffff, v13  }
0x165: {  	s17 =	simm.s32 @!p1 $0xB500  }
0x166: {  	[tilespmem:s17], [sflag:$0x3] =	stream.strided.gather @!p1 [hbm4b:s20+s16], $0x1000, s15, s16, $0x38;
	[tilespmem:$0x10780] =	vst v63  }
0x167: {  	s20 =	simm.s32 $0x8500  }
0x168: {  	v10 =	vld [tilespmem:s5+$0x4]  }
0x169: {  	v11 =	vld [tilespmem:s5+$0x284];
	v12, _, _ =	vpop (xrf2)  }
0x16a: {  	_ =	swait.ge [sflag:s11], $0x1000  }
0x16b: {  	(v2sf) =	vpush v12, $0xF  }
0x16c: {  	[sflag:s11] =	ssyncset.done $0x0  }
0x16d: {  	[sflag:s11] =	ssyncadd.s32 $0xFFFFF000;
	v12, _, _ =	vpop (xrf2)  }
0x16e: {  	_ =	swait.ge [sflag:s12], $0x1000  }
0x16f: {  	(v2sf) =	vpush v10, $0x0  }
0x170: {  	[sflag:s12] =	ssyncset.done $0x0;
	(v2sf) =	vpush v11, $0x0  }
0x171: {  	[sflag:s12] =	ssyncadd.s32 $0xFFFFF000;
	v13, _, _ =	vpop (xrf2);
	(v2sf) =	vpush v11, $0x1  }
0x172: {  	_ =	swait.ge [sflag:s11], $0x1000  }
0x173: {  	(v2sf) =	vpush v10, $0x1  }
0x174: {  	[sflag:s11] =	ssyncset.done $0x0;
	(v2sf) =	vpush v11, $0x2  }
0x175: {  	[sflag:s11] =	ssyncadd.s32 $0xFFFFF000;
	(v2sf) =	vpush v10, $0x2  }
0x176: {  	_ =	swait.ge [sflag:s12], $0x1000  }
0x177: {  	s5 =	spop (v2sf);
	(v2sf) =	vpush v11, $0x3  }
0x178: {  	[sflag:s12] =	ssyncset.done $0x0;
	(v2sf) =	vpush v10, $0x3  }
0x179: {  	[sflag:s12] =	ssyncadd.s32 $0xFFFFF000;
	(v2sf) =	vpush v12, $0xF  }
0x17a: {  	_ =	swait.ge [sflag:s11], $0x1000  }
0x17b: {  	(v2sf) =	vpush v13, $0xF  }
0x17c: {  	[sflag:s11] =	ssyncset.done $0x0  }
0x17d: {  	[sflag:s11] =	ssyncadd.s32 $0xFFFFF000  }
0x17e: {  	_ =	swait.ge [sflag:s12], $0x1000  }
0x17f: {  	s15 =	spop (v2sf)  }
0x180: {  	[sflag:s12] =	ssyncset.done $0x0  }
0x181: {  	[sflag:s12] =	ssyncadd.s32 $0xFFFFF000  }
0x182: {  	_ =	swait.ge [sflag:s11], $0x1000  }
0x183: {  	s16 =	spop (v2sf)  }
0x184: {  	[sflag:s11] =	ssyncset.done $0x0;
	s16 =	sand.u32 $0x7F, s16;
	s17 =	spop (v2sf)  }
0x185: {  	[sflag:s11] =	ssyncadd.s32 $0xFFFFF000;
	s17 =	sand.u32 $0x7F, s17;
	v10 =	vor.u32 s16, v1;
	v11 =	vor.u32 s16, v2;
	s16 =	spop (v2sf)  }
0x186: {  	v12 =	vor.u32 s17, v1;
	v13 =	vor.u32 s17, v2;
	s16 =	sand.u32 $0x7F, s16;
	s17 =	spop (v2sf)  }
0x187: {  	_ =	swait.ge [sflag:s12], $0x1000  }
0x188: {  	s17 =	sand.u32 $0x7F, s17;
	v14 =	vor.u32 s16, v1;
	v15 =	vor.u32 s16, v2;
	s16 =	spop (v2sf)  }
0x189: {  	v16 =	vor.u32 s17, v1;
	v17 =	vor.u32 s17, v2;
	[sflag:s12] =	ssyncset.done $0x0;
	s16 =	sand.u32 $0x7F, s16;
	s17 =	spop (v2sf)  }
0x18a: {  	[sflag:s12] =	ssyncadd.s32 $0xFFFFF000;
	s17 =	sand.u32 $0x7F, s17;
	v18 =	vor.u32 s16, v1;
	v19 =	vor.u32 s16, v2;
	s16 =	spop (v2sf)  }
0x18b: {  	v11 =	vld.idx.msk [tilespmem:v11+s14+$0x0], $0xffff;
	v20 =	vor.u32 s17, v1;
	v21 =	vor.u32 s17, v2;
	s16 =	sand.u32 $0x7F, s16;
	s17 =	spop (v2sf)  }
0x18c: {  	s18 =	sand.u32 $0x8, s10;
	s17 =	sand.u32 $0x7F, s17;
	v23 =	vor.u32 s16, v1;
	v24 =	vor.u32 s16, v2;
	s16 =	spop (v2sf)  }
0x18d: {  	s19 =	sor.u32 $0x1, s18;
	v22 =	vld.idx.msk [tilespmem:v10+s14+$0x0], $0xffff;
	v10 =	vmov s18;
	s14 =	simm.s32 $0xC500;
	s16 =	sadd.f32 s16, s6;
	v25 =	vor.u32 s17, v1  }
0x18e: {  	s23 =	simm.s32 $0xD500;
	v12 =	vld.idx.msk [tilespmem:v12+s14+$0x0], $0xffff;
	v26 =	vor.u32 s17, v2;
	s17 =	spop (v2sf);
	vm0 =	veq.s32 v10, v0;
	v10 =	vmov s19;
	s19 =	sor.u32 $0x2, s18  }
0x18f: {  	s18 =	sor.u32 $0x3, s18;
	s17 =	sadd.f32 s17, s6;
	v14 =	vld.idx.msk [tilespmem:v14+s23+$0x0], $0xffff;
	v9 =	vsel vm0, s16, v9;
	s16 =	simm.s32 $0x5500  }
0x190: {  	s15 =	sadd.f32 s15, s6;
	vm0 =	veq.s32 v10, v0;
	v10 =	vmov s19;
	v17 =	vld.idx.msk [tilespmem:v17+s16+$0x0], $0xffff  }
0x191: {  	v9 =	vsel vm0, s17, v9;
	vm0 =	veq.s32 v10, v0;
	v10 =	vmov s18;
	v21 =	vld.idx.msk [tilespmem:v21+s28+$0x0], $0xffff  }
0x192: {  	v9 =	vsel vm0, s15, v9;
	v19 =	vld.idx.msk [tilespmem:v19+s30+$0x0], $0xffff  }
0x193: {  	v18 =	vld.idx.msk [tilespmem:v18+s30+$0x0], $0xffff  }
0x194: {  	v12 =	vmul.f32 v12, v22;
	v22 =	vld.idx.msk [tilespmem:v23+s26+$0x0], $0xffff  }
0x195: {  	v23 =	vld.idx.msk [tilespmem:v24+s26+$0x0], $0xffff  }
0x196: {  	v12 =	vmul.f32 v12, v3;
	v24 =	vld.idx.msk [tilespmem:v26+s1+$0x0], $0xffff  }
0x197: {  	v25 =	vld.idx.msk [tilespmem:v25+s1+$0x0], $0xffff  }
0x198: {  	v19 =	vmul.f32 v19, v21;
	v20 =	vld.idx.msk [tilespmem:v20+s28+$0x0], $0xffff  }
0x199: {  	v16 =	vld.idx.msk [tilespmem:v16+s16+$0x0], $0xffff  }
0x19a: {  	v19 =	vmul.f32 v19, v4  }
0x19b: {  	v15 =	vld.idx.msk [tilespmem:v15+s23+$0x0], $0xffff  }
0x19c: {  	v21 =	vmul.f32 v23, v24  }
0x19d: {  	v22 =	vmul.f32 v22, v25  }
0x19e: {  	v18 =	vmul.f32 v18, v20;
	v20 =	vmul.f32 v21, v4;
	v13 =	vld.idx.msk [tilespmem:v13+s14+$0x0], $0xffff  }
0x19f: {  	v14 =	vmul.f32 v14, v16;
	v16 =	vmul.f32 v22, v3  }
0x1a0: {  	v18 =	vmul.f32 v18, v3  }
0x1a1: {  	v15 =	vmul.f32 v15, v17;
	v16 =	vadd.f32 v20, v16  }
0x1a2: {  	v17 =	vadd.f32 v19, v18  }
0x1a3: {  	v14 =	vmul.f32 v14, v3;
	v15 =	vmul.f32 v15, v4  }
0x1a4: {  	v11 =	vmul.f32 v13, v11;
	(xrf2) =	vadd.scan.msk.f32 $0xffff, v17  }
0x1a5: {  	v13 =	vadd.f32 v15, v14  }
0x1a6: {  	v11 =	vmul.f32 v11, v4  }
0x1a7: {  	(xrf2) =	vadd.scan.msk.f32 $0xffff, v13  }
0x1a8: {  	v11 =	vadd.f32 v11, v12;
	_ =	sdelay $0x1  }
0x1a9: {  	(xrf2) =	vadd.scan.msk.f32 $0xffff, v11;
	_ =	sdelay $0x2  }
0x1aa: {  	(xrf2) =	vadd.scan.msk.f32 $0xffff, v16  }
.Ltmp0:
0x1ab: {  	v11, _, _ =	vpop (xrf2);
	(pc) =	sbr.rel @p0 .LBB2_2-.Ltmp0, $3  }
0x1ac: {  	(v2sf) =	vpush v11, $0xF;
	_ =	sdelay $0x1  }
0x1ad: {  	v11, _, _ =	vpop (xrf2)  }
0x1ae: {  	(v2sf) =	vpush v11, $0xF  }
0x1af: {  	_ = 	snop  }
0x1b0: {  	v3, _, _ =	vpop (xrf2)  }
0x1b1: {  	(v2sf) =	vpush v3, $0xF;
	_ =	sdelay $0x1  }
0x1b2: {  	v3, _, _ =	vpop (xrf2)  }
0x1b3: {  	(v2sf) =	vpush v3, $0xF;
	_ =	sdelay $0x9  }
0x1b4: {  	s4 =	spop (v2sf)  }
0x1b5: {  	s9 =	spop (v2sf)  }
0x1b6: {  	s5 =	sadd.f32 s5, s6;
	s10 =	spop (v2sf)  }
0x1b7: {  	vm0 =	veq.s32 v10, v0;
	s10 =	sadd.f32 s10, s6  }
0x1b8: {  	vm12 =	veq.s32 v7, v0;
	v3 =	vsel vm0, s5, v9;
	s15 =	sadd.f32 s9, s6  }
0x1b9: {  	vm13 =	veq.s32 v8, v0;
	s4 =	sadd.f32 s4, s6;
	v3 =	vsel vm12, s10, v3;
	s16 =	spop (v2sf)  }
0x1ba: {  	vm14 =	veq.s32 v6, v0;
	p0 =	seq.s32 s7, $0x0;
	v3 =	vsel vm13, s15, v3;
	s17 =	sadd.f32 s16, s6  }
0x1bb: {  	vm15 =	veq.s32 v5, v0;
	v3 =	vsel vm14, s4, v3;
	s4 =	sand.u32 @!p0 $0x7C0, s8  }
0x1bc: {  	s18 =	rddreg [dreg:$0xa];
	v3 =	vsel vm15, s17, v3;
	s4 =	sshrl.u32 @!p0 s4, $0x2  }
0x1bd: {  	s19 =	simm.s32 $0x10500;
	s5 =	simm.s32 $0x5;
	s17 =	simm.s32 $0x0;
	[tilespmem:s4+$0x10500] =	vst @!p0 v3  }
0x1be: {  	[hbm4b:s18+s17] =	stream.linear.scatter [tilespmem:s19], [sflag:$0x5], $0x200, $0x38;
	[tilespmem:$0x10780] =	vst v63  }
0x1bf: {  	_ =	swait.ge [sflag:s5], $0x200  }
0x1c0: {  	s23 =	rddreg [dreg:$0xc]  }
0x1c1: {  	s26 =	rddreg [dreg:$0xb];
	s6 =	sadd.s32 $0x1, s23  }
0x1c2: {  	p0 =	sne.s32 s6, s26  }
.Ltmp1:
0x1c3: {  	s28 =	simm.s32 $0xD500;
	s14 =	simm.s32 $0x6500;
	(pc) =	sbr.rel @p0 .LBB2_1-.Ltmp1, $4  }
0x1c4: {  	s30 =	simm.s32 $0xE500;
	s1 =	simm.s32 $0x400;
	s9 =	simm.s32 $0xF500  }
0x1c5: {  	s10 =	simm.s32 $0x7A1400;
	s15 =	simm.s32 $0x3500;
	s16 =	simm.s32 $0xB500  }
0x1c6: {  	s18 =	simm.s32 $0x4500;
	s19 =	simm.s32 $0x7500;
	[sflag:s5] =	ssyncset.done $0x0  }
0x1c7: {  	[sflag:s5] =	ssyncadd.s32 $0xFFFFFE00;
	s23 =	simm.s32 $0xC500;
	s26 =	simm.s32 $0x5500  }
0x1c8: {  	_ =	sfence.sel $0x180000  }
0x1c9: {  	[bflag:$0x0] =	sbarrier.arrive $0xFFFF  }
0x1ca: {  	_ =	strace $0x90000047  }
0x1cb: {  	s0 =	stileid.u32;
	[bflag:$0x2] =	sbarrier.arrive $0xFFFF  }
0x1cc: {  	p0 =	sne.s32 s0, $0x0;
	s0 =	rddreg [dreg:$0x6]  }
0x1cd: {  	s0 =	sadd.s32 @!p0 $0x100000, s0  }
0x1ce: {  	[sflag:s0] =	ssyncadd.tile.s32 @!p0 $0x1;
	_ =	shalt  }
.Lfunc_end2:
_tile_overlayer_lowered:
.L_overlay_start_2:
0x1cf: {  	(tag) =	ssettag $0x2  }
0x1d0: {  	s0 =	rddreg [dreg:$0x0];
	s2 =	stileid.u32  }
0x1d1: {  	s1 =	rddreg [dreg:$0x1];
	p0 =	sne.s32 s2, $0x0  }
0x1d2: {  	s3 =	rddreg [dreg:$0x2];
	[bflag:$0x3] =	sbarrier.arrive $0xFFFF;
	s2 =	simm.s32 @!p0 $0x1C05  }
0x1d3: {  	[timem:s3], [sflag:s2] =	dma.local @!p0 [hbm:s0], s1  }
0x1d4: {  	s0 =	simm.s32 @!p0 $0x5  }
0x1d5: {  	_ =	swait.ge @!p0 [sflag:s0], s1  }
0x1d6: {  	s1 =	ssub.s32 @!p0 $0x0, s1;
	[sflag:s0] =	ssyncset.done @!p0 $0x0  }
0x1d7: {  	[sflag:s0] =	ssyncadd.s32 @!p0 s1  }
0x1d8: {  	[bflag:$0x3] =	sbarrier.arrive $0xFFFF  }
0x1d9: {  	_ =	shalt  }

</sc_bundles>
